<compile_context>
chip_gen: v7x
topology: tpu7x:2x2x1
jax: 0.10.2.dev20260603
libtpu: 0.0.44.dev20260713+nightly
codegen_flags: <defaults>
</compile_context>

<pallas_src>
import functools

import jax
import jax.numpy as jnp
from jax import lax
from jax.experimental import pallas as pl
from jax.experimental.pallas import tpu as pltpu
from jax.experimental.pallas import tpu_sc as plsc

_L = 16
_D = 128
_K = 22

_DNUMS = lax.GatherDimensionNumbers(
    offset_dims=(), collapsed_slice_dims=(0,), start_index_map=(0,))


def _dyn_gather(vec, idx):
    return lax.gather(vec, idx[:, None], _DNUMS, (1,),
                      mode=lax.GatherScatterMode.PROMISE_IN_BOUNDS)


def _bcast_lane(vec, lane):
    return _dyn_gather(vec, jnp.full((_L,), lane, jnp.int32))


def _hero_body(p_hbm, a_hbm, r_hbm, x_hbm, prim_hbm, atk_hbm, roles_hbm,
               w_hbm, b_hbm, out_hbm,
               pidx_v, aidx_v, ridx_v, x_v, w_v, b_v,
               prim_v, atk_v, roles_v, obuf_v, y_v,
               sem_idx, sem_par, sem_tab, sem_out):
    on_core0 = lax.axis_index("c") == 0
    sid = lax.axis_index("s")
    lane = lax.iota(jnp.int32, _L)
    zero = jnp.zeros((_L,), jnp.float32)

    @pl.when(jnp.logical_and(on_core0, sid == 0))
    def _embed():
        cp_p = pltpu.async_copy(p_hbm, pidx_v.at[pl.ds(0, 1)], sem_idx)
        cp_a = pltpu.async_copy(a_hbm, aidx_v.at[pl.ds(0, 1)], sem_idx)
        cp_r = pltpu.async_copy(r_hbm, ridx_v.at[pl.ds(0, 5)], sem_idx)
        cp_t0 = pltpu.async_copy(prim_hbm, prim_v, sem_tab)
        cp_t1 = pltpu.async_copy(atk_hbm, atk_v, sem_tab)
        cp_t2 = pltpu.async_copy(roles_hbm, roles_v, sem_tab)

        cp_p.wait()
        cp_a.wait()
        cp_r.wait()
        bp = _bcast_lane(pidx_v[...], 0)
        ba = _bcast_lane(aidx_v[...], 0)
        ridx = ridx_v[...]
        br = [_bcast_lane(ridx, j) for j in range(5)]
        one = jnp.full((_L,), 1.0, jnp.float32)
        fifth = jnp.full((_L,), 0.2, jnp.float32)
        wp = [jnp.where(bp == v, one, zero) for v in range(4)]
        wa = [jnp.where(ba == v, one, zero) for v in range(2)]
        wr = []
        for v in range(8):
            acc = zero
            for j in range(5):
                acc = acc + jnp.where(br[j] == v, fifth, zero)
            wr.append(acc)

        cp_t0.wait()
        cp_t1.wait()
        cp_t2.wait()
        for c in range(_D // _L):
            s = pl.ds(c * _L, _L)
            accp = wp[0] * prim_v[0, s]
            for v in range(1, 4):
                accp = accp + wp[v] * prim_v[v, s]
            obuf_v[pl.ds(0 * _D + c * _L, _L)] = accp
            obuf_v[pl.ds(1 * _D + c * _L, _L)] = (
                wa[0] * atk_v[0, s] + wa[1] * atk_v[1, s])
            accr = wr[0] * roles_v[0, s]
            for v in range(1, 8):
                accr = accr + wr[v] * roles_v[v, s]
            obuf_v[pl.ds(2 * _D + c * _L, _L)] = accr
        pltpu.async_copy(obuf_v, out_hbm.at[pl.ds(0, 3 * _D)], sem_out).wait()

    @pl.when(jnp.logical_and(on_core0, sid == 1))
    def _linear():
        cp_x = pltpu.async_copy(x_hbm, x_v, sem_par)
        cp_w = pltpu.async_copy(w_hbm, w_v, sem_par)
        cp_b = pltpu.async_copy(b_hbm, b_v, sem_par)

        cp_x.wait()
        cp_w.wait()
        cp_b.wait()
        x0 = x_v[pl.ds(0, _L)]
        x1 = x_v[pl.ds(_K - _L, _L)]
        y = b_v[...]
        for j in range(_L):
            t = (w_v[j, pl.ds(0, _L)] * x0
                 + jnp.where(lane < 2 * _L - _K, zero,
                             w_v[j, pl.ds(_K - _L, _L)] * x1))
            for m in (8, 4, 2, 1):
                t = t + _dyn_gather(t, lane ^ m)
            y = y + jnp.where(lane == j, t, zero)
        y_v[...] = y
        pltpu.async_copy(y_v, out_hbm.at[pl.ds(3 * _D, _L)], sem_out).wait()


_hero_sc = functools.partial(
    pl.kernel,
    out_type=jax.ShapeDtypeStruct((3 * _D + _L,), jnp.float32),
    mesh=plsc.VectorSubcoreMesh(core_axis_name="c", subcore_axis_name="s",
                                num_cores=1, num_subcores=2),
    scratch_types=[
        pltpu.VMEM((_L,), jnp.int32),
        pltpu.VMEM((_L,), jnp.int32),
        pltpu.VMEM((_L,), jnp.int32),
        pltpu.VMEM((_K,), jnp.float32),
        pltpu.VMEM((_L, _K), jnp.float32),
        pltpu.VMEM((_L,), jnp.float32),
        pltpu.VMEM((4, _D), jnp.float32),
        pltpu.VMEM((2, _D), jnp.float32),
        pltpu.VMEM((8, _D), jnp.float32),
        pltpu.VMEM((3 * _D,), jnp.float32),
        pltpu.VMEM((_L,), jnp.float32),
        pltpu.SemaphoreType.DMA,
        pltpu.SemaphoreType.DMA,
        pltpu.SemaphoreType.DMA,
        pltpu.SemaphoreType.DMA,
    ],
)(_hero_body)


def kernel(p_attrs, a_types, role_i, float_stats, primary_table,
           attack_table, roles_table, proj_W, proj_b):
    return _hero_sc(
        p_attrs.astype(jnp.int32),
        a_types.astype(jnp.int32),
        role_i.astype(jnp.int32),
        float_stats,
        primary_table,
        attack_table,
        roles_table,
        proj_W,
        proj_b,
    )

# --- scband reference (transcript-rebuilt; emitter-appended) ---
"""Pipeline reference for scband-hero-embeddings-23167053595080 (READ-ONLY COPY).

The authoritative reference and input builder live on the scoring server;
editing this copy changes nothing except your own understanding.
"""

import jax, jax.numpy as jnp
import numpy as np

EMBEDDING_DIM = 128

def setup_inputs(seed: int = 0) -> dict:
    key = jax.random.key(seed)
    k1, k2, k3, k4, k5, k6, k7, k8, k9 = jax.random.split(key, 9)
    p_attrs = jax.random.randint(k1, (1,), 0, 4, dtype=jnp.int64 if jax.config.jax_enable_x64 else jnp.int32)
    a_types = jax.random.randint(k2, (1,), 0, 2, dtype=jnp.int64 if jax.config.jax_enable_x64 else jnp.int32)
    role_i = jax.random.randint(k3, (5,), 0, 8, dtype=jnp.int64 if jax.config.jax_enable_x64 else jnp.int32)
    float_stats = jax.random.normal(k4, (22,), dtype=jnp.float32)
    primary_table = jax.random.normal(k5, (4, EMBEDDING_DIM), dtype=jnp.float32)
    attack_table = jax.random.normal(k6, (2, EMBEDDING_DIM), dtype=jnp.float32)
    roles_table = jax.random.normal(k7, (8, EMBEDDING_DIM), dtype=jnp.float32)
    proj_W = jax.random.normal(k8, (16, 22), dtype=jnp.float32) * (1.0 / np.sqrt(22.0))
    proj_b = jax.random.normal(k9, (16,), dtype=jnp.float32) * 0.01
    return {"p_attrs": p_attrs, "a_types": a_types, "role_i": role_i, "float_stats": float_stats,
            "primary_table": primary_table, "attack_table": attack_table, "roles_table": roles_table,
            "proj_W": proj_W, "proj_b": proj_b}

def reference(p_attrs, a_types, role_i, float_stats, primary_table, attack_table, roles_table, proj_W, proj_b):
    # nn.Embedding lookups -> gather
    pa_embed = jnp.take(primary_table, p_attrs, axis=0)          # [1, D]
    attack_embed = jnp.take(attack_table, a_types, axis=0)       # [1, D]
    # nn.EmbeddingBag default mode='mean' over the single bag role_i.unsqueeze(0)
    role_embed = jnp.mean(jnp.take(roles_table, role_i, axis=0), axis=0, keepdims=True)  # [1, D]
    # nn.Linear on float_stats.unsqueeze(0)
    stats_embed = float_stats[None, :] @ proj_W.T + proj_b       # [1, 16]
    hero = jnp.concatenate([pa_embed, attack_embed, role_embed, stats_embed], axis=1)  # [1, 3D+16]
    return jnp.squeeze(hero, axis=0)

if __name__ == "__main__":
    import jax
    _d = setup_inputs()
    print(jax.jit(kernel)(*tuple(_d.values())))

</pallas_src>

<mosaic_0001>
#map = affine_map<(d0, d1) -> (0)>
#map1 = affine_map<(d0, d1) -> (0, 0)>
module attributes {stable_mosaic.version = 14 : i64} {
  func.func @_hero_body(%arg0: i32, %arg1: i32, %arg2: memref<1xi32, #tpu.memory_space<hbm>>, %arg3: memref<1xi32, #tpu.memory_space<hbm>>, %arg4: memref<5xi32, #tpu.memory_space<hbm>>, %arg5: memref<22xf32, #tpu.memory_space<hbm>>, %arg6: memref<4x128xf32, #tpu.memory_space<hbm>>, %arg7: memref<2x128xf32, #tpu.memory_space<hbm>>, %arg8: memref<8x128xf32, #tpu.memory_space<hbm>>, %arg9: memref<16x22xf32, #tpu.memory_space<hbm>>, %arg10: memref<16xf32, #tpu.memory_space<hbm>>, %arg11: memref<400xf32, #tpu.memory_space<hbm>>, %arg12: memref<16xi32, #tpu.memory_space<vmem>>, %arg13: memref<16xi32, #tpu.memory_space<vmem>>, %arg14: memref<16xi32, #tpu.memory_space<vmem>>, %arg15: memref<22xf32, #tpu.memory_space<vmem>>, %arg16: memref<16x22xf32, #tpu.memory_space<vmem>>, %arg17: memref<16xf32, #tpu.memory_space<vmem>>, %arg18: memref<4x128xf32, #tpu.memory_space<vmem>>, %arg19: memref<2x128xf32, #tpu.memory_space<vmem>>, %arg20: memref<8x128xf32, #tpu.memory_space<vmem>>, %arg21: memref<384xf32, #tpu.memory_space<vmem>>, %arg22: memref<16xf32, #tpu.memory_space<vmem>>, %arg23: memref<!tpu.dma_semaphore, #tpu.memory_space<semaphore_mem>>, %arg24: memref<!tpu.dma_semaphore, #tpu.memory_space<semaphore_mem>>, %arg25: memref<!tpu.dma_semaphore, #tpu.memory_space<semaphore_mem>>, %arg26: memref<!tpu.dma_semaphore, #tpu.memory_space<semaphore_mem>>) attributes {dimension_semantics = [#tpu.dimension_semantics<core_parallel>, #tpu.dimension_semantics<subcore_parallel>], iteration_bounds = array<i64: 1, 2>, scalar_prefetch = 0 : i64, scratch_operands = 15 : i64, tpu.core_type = #tpu.core_type<sc_vector_subcore>, window_params = [{transform_indices = #map}, {transform_indices = #map}, {transform_indices = #map}, {transform_indices = #map}, {transform_indices = #map1}, {transform_indices = #map1}, {transform_indices = #map1}, {transform_indices = #map1}, {transform_indices = #map}, {transform_indices = #map}]} {
    %eq3A = arith.constant 0 : i32
    %eq3A_0 = arith.cmpi eq, %arg0, %eq3A : i32
    %iota3A = tpu.iota {dimensions = array<i32: 0>} : vector<16xi32>
    %broadcast_in_dim3A = arith.constant 0.000000e+00 : f32
    %broadcast_in_dim3A_1 = vector.broadcast %broadcast_in_dim3A : f32 to vector<16xf32>
    %eq3A_2 = arith.constant 0 : i32
    %eq3A_3 = arith.cmpi eq, %arg1, %eq3A_2 : i32
    %and3A = arith.andi %eq3A_0, %eq3A_3 : i1
    %convert_element_type3A = arith.extui %and3A : i1 to i32
    %cond3A = arith.constant 0 : i32
    %cond3A_4 = arith.cmpi ne, %convert_element_type3A, %cond3A : i32
    scf.if %cond3A_4 {
      %dma_start3A = arith.constant 0 : i32
      %dma_start3A_11 = tpu.memref_slice %arg12[%dma_start3A] : memref<16xi32, #tpu.memory_space<vmem>> -> memref<1xi32, #tpu.memory_space<vmem>>
      %dma_start3A_12 = arith.constant 0 : i32
      %dma_start3A_13 = tpu.memref_slice %arg12[%dma_start3A_12] : memref<16xi32, #tpu.memory_space<vmem>> -> memref<1xi32, #tpu.memory_space<vmem>>
      tpu.enqueue_dma source(%arg2 : memref<1xi32, #tpu.memory_space<hbm>>) target(%dma_start3A_13 : memref<1xi32, #tpu.memory_space<vmem>>) target_semaphore(%arg23 : memref<!tpu.dma_semaphore, #tpu.memory_space<semaphore_mem>>)
      %dma_start3A_14 = arith.constant 0 : i32
      %dma_start3A_15 = tpu.memref_slice %arg13[%dma_start3A_14] : memref<16xi32, #tpu.memory_space<vmem>> -> memref<1xi32, #tpu.memory_space<vmem>>
      %dma_start3A_16 = arith.constant 0 : i32
      %dma_start3A_17 = tpu.memref_slice %arg13[%dma_start3A_16] : memref<16xi32, #tpu.memory_space<vmem>> -> memref<1xi32, #tpu.memory_space<vmem>>
      tpu.enqueue_dma source(%arg3 : memref<1xi32, #tpu.memory_space<hbm>>) target(%dma_start3A_17 : memref<1xi32, #tpu.memory_space<vmem>>) target_semaphore(%arg23 : memref<!tpu.dma_semaphore, #tpu.memory_space<semaphore_mem>>)
      %dma_start3A_18 = arith.constant 0 : i32
      %dma_start3A_19 = tpu.memref_slice %arg14[%dma_start3A_18] : memref<16xi32, #tpu.memory_space<vmem>> -> memref<5xi32, #tpu.memory_space<vmem>>
      %dma_start3A_20 = arith.constant 0 : i32
      %dma_start3A_21 = tpu.memref_slice %arg14[%dma_start3A_20] : memref<16xi32, #tpu.memory_space<vmem>> -> memref<5xi32, #tpu.memory_space<vmem>>
      tpu.enqueue_dma source(%arg4 : memref<5xi32, #tpu.memory_space<hbm>>) target(%dma_start3A_21 : memref<5xi32, #tpu.memory_space<vmem>>) target_semaphore(%arg23 : memref<!tpu.dma_semaphore, #tpu.memory_space<semaphore_mem>>)
      tpu.enqueue_dma source(%arg6 : memref<4x128xf32, #tpu.memory_space<hbm>>) target(%arg18 : memref<4x128xf32, #tpu.memory_space<vmem>>) target_semaphore(%arg25 : memref<!tpu.dma_semaphore, #tpu.memory_space<semaphore_mem>>)
      tpu.enqueue_dma source(%arg7 : memref<2x128xf32, #tpu.memory_space<hbm>>) target(%arg19 : memref<2x128xf32, #tpu.memory_space<vmem>>) target_semaphore(%arg25 : memref<!tpu.dma_semaphore, #tpu.memory_space<semaphore_mem>>)
      tpu.enqueue_dma source(%arg8 : memref<8x128xf32, #tpu.memory_space<hbm>>) target(%arg20 : memref<8x128xf32, #tpu.memory_space<vmem>>) target_semaphore(%arg25 : memref<!tpu.dma_semaphore, #tpu.memory_space<semaphore_mem>>)
      %dma_wait3A = arith.constant 0 : i32
      %dma_wait3A_22 = tpu.memref_slice %arg12[%dma_wait3A] : memref<16xi32, #tpu.memory_space<vmem>> -> memref<1xi32, #tpu.memory_space<vmem>>
      %dma_wait3A_23 = arith.constant 0 : i32
      %dma_wait3A_24 = tpu.memref_slice %arg12[%dma_wait3A_23] : memref<16xi32, #tpu.memory_space<vmem>> -> memref<1xi32, #tpu.memory_space<vmem>>
      tpu.wait_dma2 semaphore(%arg23 : memref<!tpu.dma_semaphore, #tpu.memory_space<semaphore_mem>>) src(%arg2 : memref<1xi32, #tpu.memory_space<hbm>>) dst(%dma_wait3A_24 : memref<1xi32, #tpu.memory_space<vmem>>)
      %dma_wait3A_25 = arith.constant 0 : i32
      %dma_wait3A_26 = tpu.memref_slice %arg13[%dma_wait3A_25] : memref<16xi32, #tpu.memory_space<vmem>> -> memref<1xi32, #tpu.memory_space<vmem>>
      %dma_wait3A_27 = arith.constant 0 : i32
      %dma_wait3A_28 = tpu.memref_slice %arg13[%dma_wait3A_27] : memref<16xi32, #tpu.memory_space<vmem>> -> memref<1xi32, #tpu.memory_space<vmem>>
      tpu.wait_dma2 semaphore(%arg23 : memref<!tpu.dma_semaphore, #tpu.memory_space<semaphore_mem>>) src(%arg3 : memref<1xi32, #tpu.memory_space<hbm>>) dst(%dma_wait3A_28 : memref<1xi32, #tpu.memory_space<vmem>>)
      %dma_wait3A_29 = arith.constant 0 : i32
      %dma_wait3A_30 = tpu.memref_slice %arg14[%dma_wait3A_29] : memref<16xi32, #tpu.memory_space<vmem>> -> memref<5xi32, #tpu.memory_space<vmem>>
      %dma_wait3A_31 = arith.constant 0 : i32
      %dma_wait3A_32 = tpu.memref_slice %arg14[%dma_wait3A_31] : memref<16xi32, #tpu.memory_space<vmem>> -> memref<5xi32, #tpu.memory_space<vmem>>
      tpu.wait_dma2 semaphore(%arg23 : memref<!tpu.dma_semaphore, #tpu.memory_space<semaphore_mem>>) src(%arg4 : memref<5xi32, #tpu.memory_space<hbm>>) dst(%dma_wait3A_32 : memref<5xi32, #tpu.memory_space<vmem>>)
      %get3A = arith.constant 0 : index
      %get3A_33 = tpu.vector_load %arg12[%get3A] {strides = array<i32>} : memref<16xi32, #tpu.memory_space<vmem>>, vector<16xi32>,
      %get3A_34 = vector.shape_cast %get3A_33 : vector<16xi32> to vector<16xi32>
      %broadcast_in_dim3A_35 = arith.constant 0 : i32
      %broadcast_in_dim3A_36 = vector.broadcast %broadcast_in_dim3A_35 : i32 to vector<16xi32>
      %broadcast_in_dim3A_37 = vector.shape_cast %broadcast_in_dim3A_36 : vector<16xi32> to vector<16x1xi32>
      %gather3A = vector.shape_cast %broadcast_in_dim3A_37 : vector<16x1xi32> to vector<16xi32>
      %gather3A_38 = tpu.dynamic_gather %get3A_34[%gather3A] in [0] : vector<16xi32>, vector<16xi32> -> vector<16xi32>
      %get3A_39 = arith.constant 0 : index
      %get3A_40 = tpu.vector_load %arg13[%get3A_39] {strides = array<i32>} : memref<16xi32, #tpu.memory_space<vmem>>, vector<16xi32>,
      %get3A_41 = vector.shape_cast %get3A_40 : vector<16xi32> to vector<16xi32>
      %broadcast_in_dim3A_42 = arith.constant 0 : i32
      %broadcast_in_dim3A_43 = vector.broadcast %broadcast_in_dim3A_42 : i32 to vector<16xi32>
      %broadcast_in_dim3A_44 = vector.shape_cast %broadcast_in_dim3A_43 : vector<16xi32> to vector<16x1xi32>
      %gather3A_45 = vector.shape_cast %broadcast_in_dim3A_44 : vector<16x1xi32> to vector<16xi32>
      %gather3A_46 = tpu.dynamic_gather %get3A_41[%gather3A_45] in [0] : vector<16xi32>, vector<16xi32> -> vector<16xi32>
      %get3A_47 = arith.constant 0 : index
      %get3A_48 = tpu.vector_load %arg14[%get3A_47] {strides = array<i32>} : memref<16xi32, #tpu.memory_space<vmem>>, vector<16xi32>,
      %get3A_49 = vector.shape_cast %get3A_48 : vector<16xi32> to vector<16xi32>
      %broadcast_in_dim3A_50 = arith.constant 0 : i32
      %broadcast_in_dim3A_51 = vector.broadcast %broadcast_in_dim3A_50 : i32 to vector<16xi32>
      %broadcast_in_dim3A_52 = vector.shape_cast %broadcast_in_dim3A_51 : vector<16xi32> to vector<16x1xi32>
      %gather3A_53 = vector.shape_cast %broadcast_in_dim3A_52 : vector<16x1xi32> to vector<16xi32>
      %gather3A_54 = tpu.dynamic_gather %get3A_49[%gather3A_53] in [0] : vector<16xi32>, vector<16xi32> -> vector<16xi32>
      %broadcast_in_dim3A_55 = arith.constant 1 : i32
      %broadcast_in_dim3A_56 = vector.broadcast %broadcast_in_dim3A_55 : i32 to vector<16xi32>
      %broadcast_in_dim3A_57 = vector.shape_cast %broadcast_in_dim3A_56 : vector<16xi32> to vector<16x1xi32>
      %gather3A_58 = vector.shape_cast %broadcast_in_dim3A_57 : vector<16x1xi32> to vector<16xi32>
      %gather3A_59 = tpu.dynamic_gather %get3A_49[%gather3A_58] in [0] : vector<16xi32>, vector<16xi32> -> vector<16xi32>
      %broadcast_in_dim3A_60 = arith.constant 2 : i32
      %broadcast_in_dim3A_61 = vector.broadcast %broadcast_in_dim3A_60 : i32 to vector<16xi32>
      %broadcast_in_dim3A_62 = vector.shape_cast %broadcast_in_dim3A_61 : vector<16xi32> to vector<16x1xi32>
      %gather3A_63 = vector.shape_cast %broadcast_in_dim3A_62 : vector<16x1xi32> to vector<16xi32>
      %gather3A_64 = tpu.dynamic_gather %get3A_49[%gather3A_63] in [0] : vector<16xi32>, vector<16xi32> -> vector<16xi32>
      %broadcast_in_dim3A_65 = arith.constant 3 : i32
      %broadcast_in_dim3A_66 = vector.broadcast %broadcast_in_dim3A_65 : i32 to vector<16xi32>
      %broadcast_in_dim3A_67 = vector.shape_cast %broadcast_in_dim3A_66 : vector<16xi32> to vector<16x1xi32>
      %gather3A_68 = vector.shape_cast %broadcast_in_dim3A_67 : vector<16x1xi32> to vector<16xi32>
      %gather3A_69 = tpu.dynamic_gather %get3A_49[%gather3A_68] in [0] : vector<16xi32>, vector<16xi32> -> vector<16xi32>
      %broadcast_in_dim3A_70 = arith.constant 4 : i32
      %broadcast_in_dim3A_71 = vector.broadcast %broadcast_in_dim3A_70 : i32 to vector<16xi32>
      %broadcast_in_dim3A_72 = vector.shape_cast %broadcast_in_dim3A_71 : vector<16xi32> to vector<16x1xi32>
      %gather3A_73 = vector.shape_cast %broadcast_in_dim3A_72 : vector<16x1xi32> to vector<16xi32>
      %gather3A_74 = tpu.dynamic_gather %get3A_49[%gather3A_73] in [0] : vector<16xi32>, vector<16xi32> -> vector<16xi32>
      %broadcast_in_dim3A_75 = arith.constant 1.000000e+00 : f32
      %broadcast_in_dim3A_76 = vector.broadcast %broadcast_in_dim3A_75 : f32 to vector<16xf32>
      %broadcast_in_dim3A_77 = arith.constant 2.000000e-01 : f32
      %broadcast_in_dim3A_78 = vector.broadcast %broadcast_in_dim3A_77 : f32 to vector<16xf32>
      %eq3A_79 = arith.constant 0 : i32
      %eq3A_80 = vector.broadcast %eq3A_79 : i32 to vector<16xi32>
      %eq3A_81 = arith.cmpi eq, %gather3A_38, %eq3A_80 : vector<16xi32>
      %select_n3A = arith.select %eq3A_81, %broadcast_in_dim3A_76, %broadcast_in_dim3A_1 : vector<16xi1>, vector<16xf32>
      %eq3A_82 = arith.constant 1 : i32
      %eq3A_83 = vector.broadcast %eq3A_82 : i32 to vector<16xi32>
      %eq3A_84 = arith.cmpi eq, %gather3A_38, %eq3A_83 : vector<16xi32>
      %select_n3A_85 = arith.select %eq3A_84, %broadcast_in_dim3A_76, %broadcast_in_dim3A_1 : vector<16xi1>, vector<16xf32>
      %eq3A_86 = arith.constant 2 : i32
      %eq3A_87 = vector.broadcast %eq3A_86 : i32 to vector<16xi32>
      %eq3A_88 = arith.cmpi eq, %gather3A_38, %eq3A_87 : vector<16xi32>
      %select_n3A_89 = arith.select %eq3A_88, %broadcast_in_dim3A_76, %broadcast_in_dim3A_1 : vector<16xi1>, vector<16xf32>
      %eq3A_90 = arith.constant 3 : i32
      %eq3A_91 = vector.broadcast %eq3A_90 : i32 to vector<16xi32>
      %eq3A_92 = arith.cmpi eq, %gather3A_38, %eq3A_91 : vector<16xi32>
      %select_n3A_93 = arith.select %eq3A_92, %broadcast_in_dim3A_76, %broadcast_in_dim3A_1 : vector<16xi1>, vector<16xf32>
      %eq3A_94 = arith.constant 0 : i32
      %eq3A_95 = vector.broadcast %eq3A_94 : i32 to vector<16xi32>
      %eq3A_96 = arith.cmpi eq, %gather3A_46, %eq3A_95 : vector<16xi32>
      %select_n3A_97 = arith.select %eq3A_96, %broadcast_in_dim3A_76, %broadcast_in_dim3A_1 : vector<16xi1>, vector<16xf32>
      %eq3A_98 = arith.constant 1 : i32
      %eq3A_99 = vector.broadcast %eq3A_98 : i32 to vector<16xi32>
      %eq3A_100 = arith.cmpi eq, %gather3A_46, %eq3A_99 : vector<16xi32>
      %select_n3A_101 = arith.select %eq3A_100, %broadcast_in_dim3A_76, %broadcast_in_dim3A_1 : vector<16xi1>, vector<16xf32>
      %eq3A_102 = arith.constant 0 : i32
      %eq3A_103 = vector.broadcast %eq3A_102 : i32 to vector<16xi32>
      %eq3A_104 = arith.cmpi eq, %gather3A_54, %eq3A_103 : vector<16xi32>
      %select_n3A_105 = arith.select %eq3A_104, %broadcast_in_dim3A_78, %broadcast_in_dim3A_1 : vector<16xi1>, vector<16xf32>
      %add3A = arith.addf %broadcast_in_dim3A_1, %select_n3A_105 : vector<16xf32>
      %eq3A_106 = arith.constant 0 : i32
      %eq3A_107 = vector.broadcast %eq3A_106 : i32 to vector<16xi32>
      %eq3A_108 = arith.cmpi eq, %gather3A_59, %eq3A_107 : vector<16xi32>
      %select_n3A_109 = arith.select %eq3A_108, %broadcast_in_dim3A_78, %broadcast_in_dim3A_1 : vector<16xi1>, vector<16xf32>
      %add3A_110 = arith.addf %add3A, %select_n3A_109 : vector<16xf32>
      %eq3A_111 = arith.constant 0 : i32
      %eq3A_112 = vector.broadcast %eq3A_111 : i32 to vector<16xi32>
      %eq3A_113 = arith.cmpi eq, %gather3A_64, %eq3A_112 : vector<16xi32>
      %select_n3A_114 = arith.select %eq3A_113, %broadcast_in_dim3A_78, %broadcast_in_dim3A_1 : vector<16xi1>, vector<16xf32>
      %add3A_115 = arith.addf %add3A_110, %select_n3A_114 : vector<16xf32>
      %eq3A_116 = arith.constant 0 : i32
      %eq3A_117 = vector.broadcast %eq3A_116 : i32 to vector<16xi32>
      %eq3A_118 = arith.cmpi eq, %gather3A_69, %eq3A_117 : vector<16xi32>
      %select_n3A_119 = arith.select %eq3A_118, %broadcast_in_dim3A_78, %broadcast_in_dim3A_1 : vector<16xi1>, vector<16xf32>
      %add3A_120 = arith.addf %add3A_115, %select_n3A_119 : vector<16xf32>
      %eq3A_121 = arith.constant 0 : i32
      %eq3A_122 = vector.broadcast %eq3A_121 : i32 to vector<16xi32>
      %eq3A_123 = arith.cmpi eq, %gather3A_74, %eq3A_122 : vector<16xi32>
      %select_n3A_124 = arith.select %eq3A_123, %broadcast_in_dim3A_78, %broadcast_in_dim3A_1 : vector<16xi1>, vector<16xf32>
      %add3A_125 = arith.addf %add3A_120, %select_n3A_124 : vector<16xf32>
      %eq3A_126 = arith.constant 1 : i32
      %eq3A_127 = vector.broadcast %eq3A_126 : i32 to vector<16xi32>
      %eq3A_128 = arith.cmpi eq, %gather3A_54, %eq3A_127 : vector<16xi32>
      %select_n3A_129 = arith.select %eq3A_128, %broadcast_in_dim3A_78, %broadcast_in_dim3A_1 : vector<16xi1>, vector<16xf32>
      %add3A_130 = arith.addf %broadcast_in_dim3A_1, %select_n3A_129 : vector<16xf32>
      %eq3A_131 = arith.constant 1 : i32
      %eq3A_132 = vector.broadcast %eq3A_131 : i32 to vector<16xi32>
      %eq3A_133 = arith.cmpi eq, %gather3A_59, %eq3A_132 : vector<16xi32>
      %select_n3A_134 = arith.select %eq3A_133, %broadcast_in_dim3A_78, %broadcast_in_dim3A_1 : vector<16xi1>, vector<16xf32>
      %add3A_135 = arith.addf %add3A_130, %select_n3A_134 : vector<16xf32>
      %eq3A_136 = arith.constant 1 : i32
      %eq3A_137 = vector.broadcast %eq3A_136 : i32 to vector<16xi32>
      %eq3A_138 = arith.cmpi eq, %gather3A_64, %eq3A_137 : vector<16xi32>
      %select_n3A_139 = arith.select %eq3A_138, %broadcast_in_dim3A_78, %broadcast_in_dim3A_1 : vector<16xi1>, vector<16xf32>
      %add3A_140 = arith.addf %add3A_135, %select_n3A_139 : vector<16xf32>
      %eq3A_141 = arith.constant 1 : i32
      %eq3A_142 = vector.broadcast %eq3A_141 : i32 to vector<16xi32>
      %eq3A_143 = arith.cmpi eq, %gather3A_69, %eq3A_142 : vector<16xi32>
      %select_n3A_144 = arith.select %eq3A_143, %broadcast_in_dim3A_78, %broadcast_in_dim3A_1 : vector<16xi1>, vector<16xf32>
      %add3A_145 = arith.addf %add3A_140, %select_n3A_144 : vector<16xf32>
      %eq3A_146 = arith.constant 1 : i32
      %eq3A_147 = vector.broadcast %eq3A_146 : i32 to vector<16xi32>
      %eq3A_148 = arith.cmpi eq, %gather3A_74, %eq3A_147 : vector<16xi32>
      %select_n3A_149 = arith.select %eq3A_148, %broadcast_in_dim3A_78, %broadcast_in_dim3A_1 : vector<16xi1>, vector<16xf32>
      %add3A_150 = arith.addf %add3A_145, %select_n3A_149 : vector<16xf32>
      %eq3A_151 = arith.constant 2 : i32
      %eq3A_152 = vector.broadcast %eq3A_151 : i32 to vector<16xi32>
      %eq3A_153 = arith.cmpi eq, %gather3A_54, %eq3A_152 : vector<16xi32>
      %select_n3A_154 = arith.select %eq3A_153, %broadcast_in_dim3A_78, %broadcast_in_dim3A_1 : vector<16xi1>, vector<16xf32>
      %add3A_155 = arith.addf %broadcast_in_dim3A_1, %select_n3A_154 : vector<16xf32>
      %eq3A_156 = arith.constant 2 : i32
      %eq3A_157 = vector.broadcast %eq3A_156 : i32 to vector<16xi32>
      %eq3A_158 = arith.cmpi eq, %gather3A_59, %eq3A_157 : vector<16xi32>
      %select_n3A_159 = arith.select %eq3A_158, %broadcast_in_dim3A_78, %broadcast_in_dim3A_1 : vector<16xi1>, vector<16xf32>
      %add3A_160 = arith.addf %add3A_155, %select_n3A_159 : vector<16xf32>
      %eq3A_161 = arith.constant 2 : i32
      %eq3A_162 = vector.broadcast %eq3A_161 : i32 to vector<16xi32>
      %eq3A_163 = arith.cmpi eq, %gather3A_64, %eq3A_162 : vector<16xi32>
      %select_n3A_164 = arith.select %eq3A_163, %broadcast_in_dim3A_78, %broadcast_in_dim3A_1 : vector<16xi1>, vector<16xf32>
      %add3A_165 = arith.addf %add3A_160, %select_n3A_164 : vector<16xf32>
      %eq3A_166 = arith.constant 2 : i32
      %eq3A_167 = vector.broadcast %eq3A_166 : i32 to vector<16xi32>
      %eq3A_168 = arith.cmpi eq, %gather3A_69, %eq3A_167 : vector<16xi32>
      %select_n3A_169 = arith.select %eq3A_168, %broadcast_in_dim3A_78, %broadcast_in_dim3A_1 : vector<16xi1>, vector<16xf32>
      %add3A_170 = arith.addf %add3A_165, %select_n3A_169 : vector<16xf32>
      %eq3A_171 = arith.constant 2 : i32
      %eq3A_172 = vector.broadcast %eq3A_171 : i32 to vector<16xi32>
      %eq3A_173 = arith.cmpi eq, %gather3A_74, %eq3A_172 : vector<16xi32>
      %select_n3A_174 = arith.select %eq3A_173, %broadcast_in_dim3A_78, %broadcast_in_dim3A_1 : vector<16xi1>, vector<16xf32>
      %add3A_175 = arith.addf %add3A_170, %select_n3A_174 : vector<16xf32>
      %eq3A_176 = arith.constant 3 : i32
      %eq3A_177 = vector.broadcast %eq3A_176 : i32 to vector<16xi32>
      %eq3A_178 = arith.cmpi eq, %gather3A_54, %eq3A_177 : vector<16xi32>
      %select_n3A_179 = arith.select %eq3A_178, %broadcast_in_dim3A_78, %broadcast_in_dim3A_1 : vector<16xi1>, vector<16xf32>
      %add3A_180 = arith.addf %broadcast_in_dim3A_1, %select_n3A_179 : vector<16xf32>
      %eq3A_181 = arith.constant 3 : i32
      %eq3A_182 = vector.broadcast %eq3A_181 : i32 to vector<16xi32>
      %eq3A_183 = arith.cmpi eq, %gather3A_59, %eq3A_182 : vector<16xi32>
      %select_n3A_184 = arith.select %eq3A_183, %broadcast_in_dim3A_78, %broadcast_in_dim3A_1 : vector<16xi1>, vector<16xf32>
      %add3A_185 = arith.addf %add3A_180, %select_n3A_184 : vector<16xf32>
      %eq3A_186 = arith.constant 3 : i32
      %eq3A_187 = vector.broadcast %eq3A_186 : i32 to vector<16xi32>
      %eq3A_188 = arith.cmpi eq, %gather3A_64, %eq3A_187 : vector<16xi32>
      %select_n3A_189 = arith.select %eq3A_188, %broadcast_in_dim3A_78, %broadcast_in_dim3A_1 : vector<16xi1>, vector<16xf32>
      %add3A_190 = arith.addf %add3A_185, %select_n3A_189 : vector<16xf32>
      %eq3A_191 = arith.constant 3 : i32
      %eq3A_192 = vector.broadcast %eq3A_191 : i32 to vector<16xi32>
      %eq3A_193 = arith.cmpi eq, %gather3A_69, %eq3A_192 : vector<16xi32>
      %select_n3A_194 = arith.select %eq3A_193, %broadcast_in_dim3A_78, %broadcast_in_dim3A_1 : vector<16xi1>, vector<16xf32>
      %add3A_195 = arith.addf %add3A_190, %select_n3A_194 : vector<16xf32>
      %eq3A_196 = arith.constant 3 : i32
      %eq3A_197 = vector.broadcast %eq3A_196 : i32 to vector<16xi32>
      %eq3A_198 = arith.cmpi eq, %gather3A_74, %eq3A_197 : vector<16xi32>
      %select_n3A_199 = arith.select %eq3A_198, %broadcast_in_dim3A_78, %broadcast_in_dim3A_1 : vector<16xi1>, vector<16xf32>
      %add3A_200 = arith.addf %add3A_195, %select_n3A_199 : vector<16xf32>
      %eq3A_201 = arith.constant 4 : i32
      %eq3A_202 = vector.broadcast %eq3A_201 : i32 to vector<16xi32>
      %eq3A_203 = arith.cmpi eq, %gather3A_54, %eq3A_202 : vector<16xi32>
      %select_n3A_204 = arith.select %eq3A_203, %broadcast_in_dim3A_78, %broadcast_in_dim3A_1 : vector<16xi1>, vector<16xf32>
      %add3A_205 = arith.addf %broadcast_in_dim3A_1, %select_n3A_204 : vector<16xf32>
      %eq3A_206 = arith.constant 4 : i32
      %eq3A_207 = vector.broadcast %eq3A_206 : i32 to vector<16xi32>
      %eq3A_208 = arith.cmpi eq, %gather3A_59, %eq3A_207 : vector<16xi32>
      %select_n3A_209 = arith.select %eq3A_208, %broadcast_in_dim3A_78, %broadcast_in_dim3A_1 : vector<16xi1>, vector<16xf32>
      %add3A_210 = arith.addf %add3A_205, %select_n3A_209 : vector<16xf32>
      %eq3A_211 = arith.constant 4 : i32
      %eq3A_212 = vector.broadcast %eq3A_211 : i32 to vector<16xi32>
      %eq3A_213 = arith.cmpi eq, %gather3A_64, %eq3A_212 : vector<16xi32>
      %select_n3A_214 = arith.select %eq3A_213, %broadcast_in_dim3A_78, %broadcast_in_dim3A_1 : vector<16xi1>, vector<16xf32>
      %add3A_215 = arith.addf %add3A_210, %select_n3A_214 : vector<16xf32>
      %eq3A_216 = arith.constant 4 : i32
      %eq3A_217 = vector.broadcast %eq3A_216 : i32 to vector<16xi32>
      %eq3A_218 = arith.cmpi eq, %gather3A_69, %eq3A_217 : vector<16xi32>
      %select_n3A_219 = arith.select %eq3A_218, %broadcast_in_dim3A_78, %broadcast_in_dim3A_1 : vector<16xi1>, vector<16xf32>
      %add3A_220 = arith.addf %add3A_215, %select_n3A_219 : vector<16xf32>
      %eq3A_221 = arith.constant 4 : i32
      %eq3A_222 = vector.broadcast %eq3A_221 : i32 to vector<16xi32>
      %eq3A_223 = arith.cmpi eq, %gather3A_74, %eq3A_222 : vector<16xi32>
      %select_n3A_224 = arith.select %eq3A_223, %broadcast_in_dim3A_78, %broadcast_in_dim3A_1 : vector<16xi1>, vector<16xf32>
      %add3A_225 = arith.addf %add3A_220, %select_n3A_224 : vector<16xf32>
      %eq3A_226 = arith.constant 5 : i32
      %eq3A_227 = vector.broadcast %eq3A_226 : i32 to vector<16xi32>
      %eq3A_228 = arith.cmpi eq, %gather3A_54, %eq3A_227 : vector<16xi32>
      %select_n3A_229 = arith.select %eq3A_228, %broadcast_in_dim3A_78, %broadcast_in_dim3A_1 : vector<16xi1>, vector<16xf32>
      %add3A_230 = arith.addf %broadcast_in_dim3A_1, %select_n3A_229 : vector<16xf32>
      %eq3A_231 = arith.constant 5 : i32
      %eq3A_232 = vector.broadcast %eq3A_231 : i32 to vector<16xi32>
      %eq3A_233 = arith.cmpi eq, %gather3A_59, %eq3A_232 : vector<16xi32>
      %select_n3A_234 = arith.select %eq3A_233, %broadcast_in_dim3A_78, %broadcast_in_dim3A_1 : vector<16xi1>, vector<16xf32>
      %add3A_235 = arith.addf %add3A_230, %select_n3A_234 : vector<16xf32>
      %eq3A_236 = arith.constant 5 : i32
      %eq3A_237 = vector.broadcast %eq3A_236 : i32 to vector<16xi32>
      %eq3A_238 = arith.cmpi eq, %gather3A_64, %eq3A_237 : vector<16xi32>
      %select_n3A_239 = arith.select %eq3A_238, %broadcast_in_dim3A_78, %broadcast_in_dim3A_1 : vector<16xi1>, vector<16xf32>
      %add3A_240 = arith.addf %add3A_235, %select_n3A_239 : vector<16xf32>
      %eq3A_241 = arith.constant 5 : i32
      %eq3A_242 = vector.broadcast %eq3A_241 : i32 to vector<16xi32>
      %eq3A_243 = arith.cmpi eq, %gather3A_69, %eq3A_242 : vector<16xi32>
      %select_n3A_244 = arith.select %eq3A_243, %broadcast_in_dim3A_78, %broadcast_in_dim3A_1 : vector<16xi1>, vector<16xf32>
      %add3A_245 = arith.addf %add3A_240, %select_n3A_244 : vector<16xf32>
      %eq3A_246 = arith.constant 5 : i32
      %eq3A_247 = vector.broadcast %eq3A_246 : i32 to vector<16xi32>
      %eq3A_248 = arith.cmpi eq, %gather3A_74, %eq3A_247 : vector<16xi32>
      %select_n3A_249 = arith.select %eq3A_248, %broadcast_in_dim3A_78, %broadcast_in_dim3A_1 : vector<16xi1>, vector<16xf32>
      %add3A_250 = arith.addf %add3A_245, %select_n3A_249 : vector<16xf32>
      %eq3A_251 = arith.constant 6 : i32
      %eq3A_252 = vector.broadcast %eq3A_251 : i32 to vector<16xi32>
      %eq3A_253 = arith.cmpi eq, %gather3A_54, %eq3A_252 : vector<16xi32>
      %select_n3A_254 = arith.select %eq3A_253, %broadcast_in_dim3A_78, %broadcast_in_dim3A_1 : vector<16xi1>, vector<16xf32>
      %add3A_255 = arith.addf %broadcast_in_dim3A_1, %select_n3A_254 : vector<16xf32>
      %eq3A_256 = arith.constant 6 : i32
      %eq3A_257 = vector.broadcast %eq3A_256 : i32 to vector<16xi32>
      %eq3A_258 = arith.cmpi eq, %gather3A_59, %eq3A_257 : vector<16xi32>
      %select_n3A_259 = arith.select %eq3A_258, %broadcast_in_dim3A_78, %broadcast_in_dim3A_1 : vector<16xi1>, vector<16xf32>
      %add3A_260 = arith.addf %add3A_255, %select_n3A_259 : vector<16xf32>
      %eq3A_261 = arith.constant 6 : i32
      %eq3A_262 = vector.broadcast %eq3A_261 : i32 to vector<16xi32>
      %eq3A_263 = arith.cmpi eq, %gather3A_64, %eq3A_262 : vector<16xi32>
      %select_n3A_264 = arith.select %eq3A_263, %broadcast_in_dim3A_78, %broadcast_in_dim3A_1 : vector<16xi1>, vector<16xf32>
      %add3A_265 = arith.addf %add3A_260, %select_n3A_264 : vector<16xf32>
      %eq3A_266 = arith.constant 6 : i32
      %eq3A_267 = vector.broadcast %eq3A_266 : i32 to vector<16xi32>
      %eq3A_268 = arith.cmpi eq, %gather3A_69, %eq3A_267 : vector<16xi32>
      %select_n3A_269 = arith.select %eq3A_268, %broadcast_in_dim3A_78, %broadcast_in_dim3A_1 : vector<16xi1>, vector<16xf32>
      %add3A_270 = arith.addf %add3A_265, %select_n3A_269 : vector<16xf32>
      %eq3A_271 = arith.constant 6 : i32
      %eq3A_272 = vector.broadcast %eq3A_271 : i32 to vector<16xi32>
      %eq3A_273 = arith.cmpi eq, %gather3A_74, %eq3A_272 : vector<16xi32>
      %select_n3A_274 = arith.select %eq3A_273, %broadcast_in_dim3A_78, %broadcast_in_dim3A_1 : vector<16xi1>, vector<16xf32>
      %add3A_275 = arith.addf %add3A_270, %select_n3A_274 : vector<16xf32>
      %eq3A_276 = arith.constant 7 : i32
      %eq3A_277 = vector.broadcast %eq3A_276 : i32 to vector<16xi32>
      %eq3A_278 = arith.cmpi eq, %gather3A_54, %eq3A_277 : vector<16xi32>
      %select_n3A_279 = arith.select %eq3A_278, %broadcast_in_dim3A_78, %broadcast_in_dim3A_1 : vector<16xi1>, vector<16xf32>
      %add3A_280 = arith.addf %broadcast_in_dim3A_1, %select_n3A_279 : vector<16xf32>
      %eq3A_281 = arith.constant 7 : i32
      %eq3A_282 = vector.broadcast %eq3A_281 : i32 to vector<16xi32>
      %eq3A_283 = arith.cmpi eq, %gather3A_59, %eq3A_282 : vector<16xi32>
      %select_n3A_284 = arith.select %eq3A_283, %broadcast_in_dim3A_78, %broadcast_in_dim3A_1 : vector<16xi1>, vector<16xf32>
      %add3A_285 = arith.addf %add3A_280, %select_n3A_284 : vector<16xf32>
      %eq3A_286 = arith.constant 7 : i32
      %eq3A_287 = vector.broadcast %eq3A_286 : i32 to vector<16xi32>
      %eq3A_288 = arith.cmpi eq, %gather3A_64, %eq3A_287 : vector<16xi32>
      %select_n3A_289 = arith.select %eq3A_288, %broadcast_in_dim3A_78, %broadcast_in_dim3A_1 : vector<16xi1>, vector<16xf32>
      %add3A_290 = arith.addf %add3A_285, %select_n3A_289 : vector<16xf32>
      %eq3A_291 = arith.constant 7 : i32
      %eq3A_292 = vector.broadcast %eq3A_291 : i32 to vector<16xi32>
      %eq3A_293 = arith.cmpi eq, %gather3A_69, %eq3A_292 : vector<16xi32>
      %select_n3A_294 = arith.select %eq3A_293, %broadcast_in_dim3A_78, %broadcast_in_dim3A_1 : vector<16xi1>, vector<16xf32>
      %add3A_295 = arith.addf %add3A_290, %select_n3A_294 : vector<16xf32>
      %eq3A_296 = arith.constant 7 : i32
      %eq3A_297 = vector.broadcast %eq3A_296 : i32 to vector<16xi32>
      %eq3A_298 = arith.cmpi eq, %gather3A_74, %eq3A_297 : vector<16xi32>
      %select_n3A_299 = arith.select %eq3A_298, %broadcast_in_dim3A_78, %broadcast_in_dim3A_1 : vector<16xi1>, vector<16xf32>
      %add3A_300 = arith.addf %add3A_295, %select_n3A_299 : vector<16xf32>
      tpu.wait_dma2 semaphore(%arg25 : memref<!tpu.dma_semaphore, #tpu.memory_space<semaphore_mem>>) src(%arg6 : memref<4x128xf32, #tpu.memory_space<hbm>>) dst(%arg18 : memref<4x128xf32, #tpu.memory_space<vmem>>)
      tpu.wait_dma2 semaphore(%arg25 : memref<!tpu.dma_semaphore, #tpu.memory_space<semaphore_mem>>) src(%arg7 : memref<2x128xf32, #tpu.memory_space<hbm>>) dst(%arg19 : memref<2x128xf32, #tpu.memory_space<vmem>>)
      tpu.wait_dma2 semaphore(%arg25 : memref<!tpu.dma_semaphore, #tpu.memory_space<semaphore_mem>>) src(%arg8 : memref<8x128xf32, #tpu.memory_space<hbm>>) dst(%arg20 : memref<8x128xf32, #tpu.memory_space<vmem>>)
      %get3A_301 = arith.constant 0 : i32
      %get3A_302 = arith.index_cast %get3A_301 : i32 to index
      %get3A_303 = arith.constant 0 : index
      %get3A_304 = tpu.vector_load %arg18[%get3A_302, %get3A_303] {strides = array<i32>} : memref<4x128xf32, #tpu.memory_space<vmem>>, vector<1x16xf32>,
      %get3A_305 = vector.shape_cast %get3A_304 : vector<1x16xf32> to vector<16xf32>
      %mul3A = arith.mulf %select_n3A, %get3A_305 : vector<16xf32>
      %get3A_306 = arith.constant 1 : i32
      %get3A_307 = arith.index_cast %get3A_306 : i32 to index
      %get3A_308 = arith.constant 0 : index
      %get3A_309 = tpu.vector_load %arg18[%get3A_307, %get3A_308] {strides = array<i32>} : memref<4x128xf32, #tpu.memory_space<vmem>>, vector<1x16xf32>,
      %get3A_310 = vector.shape_cast %get3A_309 : vector<1x16xf32> to vector<16xf32>
      %mul3A_311 = arith.mulf %select_n3A_85, %get3A_310 : vector<16xf32>
      %add3A_312 = arith.addf %mul3A, %mul3A_311 : vector<16xf32>
      %get3A_313 = arith.constant 2 : i32
      %get3A_314 = arith.index_cast %get3A_313 : i32 to index
      %get3A_315 = arith.constant 0 : index
      %get3A_316 = tpu.vector_load %arg18[%get3A_314, %get3A_315] {strides = array<i32>} : memref<4x128xf32, #tpu.memory_space<vmem>>, vector<1x16xf32>,
      %get3A_317 = vector.shape_cast %get3A_316 : vector<1x16xf32> to vector<16xf32>
      %mul3A_318 = arith.mulf %select_n3A_89, %get3A_317 : vector<16xf32>
      %add3A_319 = arith.addf %add3A_312, %mul3A_318 : vector<16xf32>
      %get3A_320 = arith.constant 3 : i32
      %get3A_321 = arith.index_cast %get3A_320 : i32 to index
      %get3A_322 = arith.constant 0 : index
      %get3A_323 = tpu.vector_load %arg18[%get3A_321, %get3A_322] {strides = array<i32>} : memref<4x128xf32, #tpu.memory_space<vmem>>, vector<1x16xf32>,
      %get3A_324 = vector.shape_cast %get3A_323 : vector<1x16xf32> to vector<16xf32>
      %mul3A_325 = arith.mulf %select_n3A_93, %get3A_324 : vector<16xf32>
      %add3A_326 = arith.addf %add3A_319, %mul3A_325 : vector<16xf32>
      %swap3A = arith.constant 0 : index
      %swap3A_327 = tpu.vector_load %arg21[%swap3A] {strides = array<i32>} : memref<384xf32, #tpu.memory_space<vmem>>, vector<16xf32>,
      %swap3A_328 = vector.shape_cast %swap3A_327 : vector<16xf32> to vector<16xf32>
      %swap3A_329 = vector.shape_cast %add3A_326 : vector<16xf32> to vector<16xf32>
      tpu.vector_store %arg21[%swap3A], %swap3A_329 {strides = array<i32>} : memref<384xf32, #tpu.memory_space<vmem>>, vector<16xf32>,
      %get3A_330 = arith.constant 0 : i32
      %get3A_331 = arith.index_cast %get3A_330 : i32 to index
      %get3A_332 = arith.constant 0 : index
      %get3A_333 = tpu.vector_load %arg19[%get3A_331, %get3A_332] {strides = array<i32>} : memref<2x128xf32, #tpu.memory_space<vmem>>, vector<1x16xf32>,
      %get3A_334 = vector.shape_cast %get3A_333 : vector<1x16xf32> to vector<16xf32>
      %mul3A_335 = arith.mulf %select_n3A_97, %get3A_334 : vector<16xf32>
      %get3A_336 = arith.constant 1 : i32
      %get3A_337 = arith.index_cast %get3A_336 : i32 to index
      %get3A_338 = arith.constant 0 : index
      %get3A_339 = tpu.vector_load %arg19[%get3A_337, %get3A_338] {strides = array<i32>} : memref<2x128xf32, #tpu.memory_space<vmem>>, vector<1x16xf32>,
      %get3A_340 = vector.shape_cast %get3A_339 : vector<1x16xf32> to vector<16xf32>
      %mul3A_341 = arith.mulf %select_n3A_101, %get3A_340 : vector<16xf32>
      %add3A_342 = arith.addf %mul3A_335, %mul3A_341 : vector<16xf32>
      %swap3A_343 = arith.constant 128 : index
      %swap3A_344 = tpu.vector_load %arg21[%swap3A_343] {strides = array<i32>} : memref<384xf32, #tpu.memory_space<vmem>>, vector<16xf32>,
      %swap3A_345 = vector.shape_cast %swap3A_344 : vector<16xf32> to vector<16xf32>
      %swap3A_346 = vector.shape_cast %add3A_342 : vector<16xf32> to vector<16xf32>
      tpu.vector_store %arg21[%swap3A_343], %swap3A_346 {strides = array<i32>} : memref<384xf32, #tpu.memory_space<vmem>>, vector<16xf32>,
      %get3A_347 = arith.constant 0 : i32
      %get3A_348 = arith.index_cast %get3A_347 : i32 to index
      %get3A_349 = arith.constant 0 : index
      %get3A_350 = tpu.vector_load %arg20[%get3A_348, %get3A_349] {strides = array<i32>} : memref<8x128xf32, #tpu.memory_space<vmem>>, vector<1x16xf32>,
      %get3A_351 = vector.shape_cast %get3A_350 : vector<1x16xf32> to vector<16xf32>
      %mul3A_352 = arith.mulf %add3A_125, %get3A_351 : vector<16xf32>
      %get3A_353 = arith.constant 1 : i32
      %get3A_354 = arith.index_cast %get3A_353 : i32 to index
      %get3A_355 = arith.constant 0 : index
      %get3A_356 = tpu.vector_load %arg20[%get3A_354, %get3A_355] {strides = array<i32>} : memref<8x128xf32, #tpu.memory_space<vmem>>, vector<1x16xf32>,
      %get3A_357 = vector.shape_cast %get3A_356 : vector<1x16xf32> to vector<16xf32>
      %mul3A_358 = arith.mulf %add3A_150, %get3A_357 : vector<16xf32>
      %add3A_359 = arith.addf %mul3A_352, %mul3A_358 : vector<16xf32>
      %get3A_360 = arith.constant 2 : i32
      %get3A_361 = arith.index_cast %get3A_360 : i32 to index
      %get3A_362 = arith.constant 0 : index
      %get3A_363 = tpu.vector_load %arg20[%get3A_361, %get3A_362] {strides = array<i32>} : memref<8x128xf32, #tpu.memory_space<vmem>>, vector<1x16xf32>,
      %get3A_364 = vector.shape_cast %get3A_363 : vector<1x16xf32> to vector<16xf32>
      %mul3A_365 = arith.mulf %add3A_175, %get3A_364 : vector<16xf32>
      %add3A_366 = arith.addf %add3A_359, %mul3A_365 : vector<16xf32>
      %get3A_367 = arith.constant 3 : i32
      %get3A_368 = arith.index_cast %get3A_367 : i32 to index
      %get3A_369 = arith.constant 0 : index
      %get3A_370 = tpu.vector_load %arg20[%get3A_368, %get3A_369] {strides = array<i32>} : memref<8x128xf32, #tpu.memory_space<vmem>>, vector<1x16xf32>,
      %get3A_371 = vector.shape_cast %get3A_370 : vector<1x16xf32> to vector<16xf32>
      %mul3A_372 = arith.mulf %add3A_200, %get3A_371 : vector<16xf32>
      %add3A_373 = arith.addf %add3A_366, %mul3A_372 : vector<16xf32>
      %get3A_374 = arith.constant 4 : i32
      %get3A_375 = arith.index_cast %get3A_374 : i32 to index
      %get3A_376 = arith.constant 0 : index
      %get3A_377 = tpu.vector_load %arg20[%get3A_375, %get3A_376] {strides = array<i32>} : memref<8x128xf32, #tpu.memory_space<vmem>>, vector<1x16xf32>,
      %get3A_378 = vector.shape_cast %get3A_377 : vector<1x16xf32> to vector<16xf32>
      %mul3A_379 = arith.mulf %add3A_225, %get3A_378 : vector<16xf32>
      %add3A_380 = arith.addf %add3A_373, %mul3A_379 : vector<16xf32>
      %get3A_381 = arith.constant 5 : i32
      %get3A_382 = arith.index_cast %get3A_381 : i32 to index
      %get3A_383 = arith.constant 0 : index
      %get3A_384 = tpu.vector_load %arg20[%get3A_382, %get3A_383] {strides = array<i32>} : memref<8x128xf32, #tpu.memory_space<vmem>>, vector<1x16xf32>,
      %get3A_385 = vector.shape_cast %get3A_384 : vector<1x16xf32> to vector<16xf32>
      %mul3A_386 = arith.mulf %add3A_250, %get3A_385 : vector<16xf32>
      %add3A_387 = arith.addf %add3A_380, %mul3A_386 : vector<16xf32>
      %get3A_388 = arith.constant 6 : i32
      %get3A_389 = arith.index_cast %get3A_388 : i32 to index
      %get3A_390 = arith.constant 0 : index
      %get3A_391 = tpu.vector_load %arg20[%get3A_389, %get3A_390] {strides = array<i32>} : memref<8x128xf32, #tpu.memory_space<vmem>>, vector<1x16xf32>,
      %get3A_392 = vector.shape_cast %get3A_391 : vector<1x16xf32> to vector<16xf32>
      %mul3A_393 = arith.mulf %add3A_275, %get3A_392 : vector<16xf32>
      %add3A_394 = arith.addf %add3A_387, %mul3A_393 : vector<16xf32>
      %get3A_395 = arith.constant 7 : i32
      %get3A_396 = arith.index_cast %get3A_395 : i32 to index
      %get3A_397 = arith.constant 0 : index
      %get3A_398 = tpu.vector_load %arg20[%get3A_396, %get3A_397] {strides = array<i32>} : memref<8x128xf32, #tpu.memory_space<vmem>>, vector<1x16xf32>,
      %get3A_399 = vector.shape_cast %get3A_398 : vector<1x16xf32> to vector<16xf32>
      %mul3A_400 = arith.mulf %add3A_300, %get3A_399 : vector<16xf32>
      %add3A_401 = arith.addf %add3A_394, %mul3A_400 : vector<16xf32>
      %swap3A_402 = arith.constant 256 : index
      %swap3A_403 = tpu.vector_load %arg21[%swap3A_402] {strides = array<i32>} : memref<384xf32, #tpu.memory_space<vmem>>, vector<16xf32>,
      %swap3A_404 = vector.shape_cast %swap3A_403 : vector<16xf32> to vector<16xf32>
      %swap3A_405 = vector.shape_cast %add3A_401 : vector<16xf32> to vector<16xf32>
      tpu.vector_store %arg21[%swap3A_402], %swap3A_405 {strides = array<i32>} : memref<384xf32, #tpu.memory_space<vmem>>, vector<16xf32>,
      %get3A_406 = arith.constant 0 : i32
      %get3A_407 = arith.index_cast %get3A_406 : i32 to index
      %get3A_408 = arith.constant 16 : index
      %get3A_409 = tpu.vector_load %arg18[%get3A_407, %get3A_408] {strides = array<i32>} : memref<4x128xf32, #tpu.memory_space<vmem>>, vector<1x16xf32>,
      %get3A_410 = vector.shape_cast %get3A_409 : vector<1x16xf32> to vector<16xf32>
      %mul3A_411 = arith.mulf %select_n3A, %get3A_410 : vector<16xf32>
      %get3A_412 = arith.constant 1 : i32
      %get3A_413 = arith.index_cast %get3A_412 : i32 to index
      %get3A_414 = arith.constant 16 : index
      %get3A_415 = tpu.vector_load %arg18[%get3A_413, %get3A_414] {strides = array<i32>} : memref<4x128xf32, #tpu.memory_space<vmem>>, vector<1x16xf32>,
      %get3A_416 = vector.shape_cast %get3A_415 : vector<1x16xf32> to vector<16xf32>
      %mul3A_417 = arith.mulf %select_n3A_85, %get3A_416 : vector<16xf32>
      %add3A_418 = arith.addf %mul3A_411, %mul3A_417 : vector<16xf32>
      %get3A_419 = arith.constant 2 : i32
      %get3A_420 = arith.index_cast %get3A_419 : i32 to index
      %get3A_421 = arith.constant 16 : index
      %get3A_422 = tpu.vector_load %arg18[%get3A_420, %get3A_421] {strides = array<i32>} : memref<4x128xf32, #tpu.memory_space<vmem>>, vector<1x16xf32>,
      %get3A_423 = vector.shape_cast %get3A_422 : vector<1x16xf32> to vector<16xf32>
      %mul3A_424 = arith.mulf %select_n3A_89, %get3A_423 : vector<16xf32>
      %add3A_425 = arith.addf %add3A_418, %mul3A_424 : vector<16xf32>
      %get3A_426 = arith.constant 3 : i32
      %get3A_427 = arith.index_cast %get3A_426 : i32 to index
      %get3A_428 = arith.constant 16 : index
      %get3A_429 = tpu.vector_load %arg18[%get3A_427, %get3A_428] {strides = array<i32>} : memref<4x128xf32, #tpu.memory_space<vmem>>, vector<1x16xf32>,
      %get3A_430 = vector.shape_cast %get3A_429 : vector<1x16xf32> to vector<16xf32>
      %mul3A_431 = arith.mulf %select_n3A_93, %get3A_430 : vector<16xf32>
      %add3A_432 = arith.addf %add3A_425, %mul3A_431 : vector<16xf32>
      %swap3A_433 = arith.constant 16 : index
      %swap3A_434 = tpu.vector_load %arg21[%swap3A_433] {strides = array<i32>} : memref<384xf32, #tpu.memory_space<vmem>>, vector<16xf32>,
      %swap3A_435 = vector.shape_cast %swap3A_434 : vector<16xf32> to vector<16xf32>
      %swap3A_436 = vector.shape_cast %add3A_432 : vector<16xf32> to vector<16xf32>
      tpu.vector_store %arg21[%swap3A_433], %swap3A_436 {strides = array<i32>} : memref<384xf32, #tpu.memory_space<vmem>>, vector<16xf32>,
      %get3A_437 = arith.constant 0 : i32
      %get3A_438 = arith.index_cast %get3A_437 : i32 to index
      %get3A_439 = arith.constant 16 : index
      %get3A_440 = tpu.vector_load %arg19[%get3A_438, %get3A_439] {strides = array<i32>} : memref<2x128xf32, #tpu.memory_space<vmem>>, vector<1x16xf32>,
      %get3A_441 = vector.shape_cast %get3A_440 : vector<1x16xf32> to vector<16xf32>
      %mul3A_442 = arith.mulf %select_n3A_97, %get3A_441 : vector<16xf32>
      %get3A_443 = arith.constant 1 : i32
      %get3A_444 = arith.index_cast %get3A_443 : i32 to index
      %get3A_445 = arith.constant 16 : index
      %get3A_446 = tpu.vector_load %arg19[%get3A_444, %get3A_445] {strides = array<i32>} : memref<2x128xf32, #tpu.memory_space<vmem>>, vector<1x16xf32>,
      %get3A_447 = vector.shape_cast %get3A_446 : vector<1x16xf32> to vector<16xf32>
      %mul3A_448 = arith.mulf %select_n3A_101, %get3A_447 : vector<16xf32>
      %add3A_449 = arith.addf %mul3A_442, %mul3A_448 : vector<16xf32>
      %swap3A_450 = arith.constant 144 : index
      %swap3A_451 = tpu.vector_load %arg21[%swap3A_450] {strides = array<i32>} : memref<384xf32, #tpu.memory_space<vmem>>, vector<16xf32>,
      %swap3A_452 = vector.shape_cast %swap3A_451 : vector<16xf32> to vector<16xf32>
      %swap3A_453 = vector.shape_cast %add3A_449 : vector<16xf32> to vector<16xf32>
      tpu.vector_store %arg21[%swap3A_450], %swap3A_453 {strides = array<i32>} : memref<384xf32, #tpu.memory_space<vmem>>, vector<16xf32>,
      %get3A_454 = arith.constant 0 : i32
      %get3A_455 = arith.index_cast %get3A_454 : i32 to index
      %get3A_456 = arith.constant 16 : index
      %get3A_457 = tpu.vector_load %arg20[%get3A_455, %get3A_456] {strides = array<i32>} : memref<8x128xf32, #tpu.memory_space<vmem>>, vector<1x16xf32>,
      %get3A_458 = vector.shape_cast %get3A_457 : vector<1x16xf32> to vector<16xf32>
      %mul3A_459 = arith.mulf %add3A_125, %get3A_458 : vector<16xf32>
      %get3A_460 = arith.constant 1 : i32
      %get3A_461 = arith.index_cast %get3A_460 : i32 to index
      %get3A_462 = arith.constant 16 : index
      %get3A_463 = tpu.vector_load %arg20[%get3A_461, %get3A_462] {strides = array<i32>} : memref<8x128xf32, #tpu.memory_space<vmem>>, vector<1x16xf32>,
      %get3A_464 = vector.shape_cast %get3A_463 : vector<1x16xf32> to vector<16xf32>
      %mul3A_465 = arith.mulf %add3A_150, %get3A_464 : vector<16xf32>
      %add3A_466 = arith.addf %mul3A_459, %mul3A_465 : vector<16xf32>
      %get3A_467 = arith.constant 2 : i32
      %get3A_468 = arith.index_cast %get3A_467 : i32 to index
      %get3A_469 = arith.constant 16 : index
      %get3A_470 = tpu.vector_load %arg20[%get3A_468, %get3A_469] {strides = array<i32>} : memref<8x128xf32, #tpu.memory_space<vmem>>, vector<1x16xf32>,
      %get3A_471 = vector.shape_cast %get3A_470 : vector<1x16xf32> to vector<16xf32>
      %mul3A_472 = arith.mulf %add3A_175, %get3A_471 : vector<16xf32>
      %add3A_473 = arith.addf %add3A_466, %mul3A_472 : vector<16xf32>
      %get3A_474 = arith.constant 3 : i32
      %get3A_475 = arith.index_cast %get3A_474 : i32 to index
      %get3A_476 = arith.constant 16 : index
      %get3A_477 = tpu.vector_load %arg20[%get3A_475, %get3A_476] {strides = array<i32>} : memref<8x128xf32, #tpu.memory_space<vmem>>, vector<1x16xf32>,
      %get3A_478 = vector.shape_cast %get3A_477 : vector<1x16xf32> to vector<16xf32>
      %mul3A_479 = arith.mulf %add3A_200, %get3A_478 : vector<16xf32>
      %add3A_480 = arith.addf %add3A_473, %mul3A_479 : vector<16xf32>
      %get3A_481 = arith.constant 4 : i32
      %get3A_482 = arith.index_cast %get3A_481 : i32 to index
      %get3A_483 = arith.constant 16 : index
      %get3A_484 = tpu.vector_load %arg20[%get3A_482, %get3A_483] {strides = array<i32>} : memref<8x128xf32, #tpu.memory_space<vmem>>, vector<1x16xf32>,
      %get3A_485 = vector.shape_cast %get3A_484 : vector<1x16xf32> to vector<16xf32>
      %mul3A_486 = arith.mulf %add3A_225, %get3A_485 : vector<16xf32>
      %add3A_487 = arith.addf %add3A_480, %mul3A_486 : vector<16xf32>
      %get3A_488 = arith.constant 5 : i32
      %get3A_489 = arith.index_cast %get3A_488 : i32 to index
      %get3A_490 = arith.constant 16 : index
      %get3A_491 = tpu.vector_load %arg20[%get3A_489, %get3A_490] {strides = array<i32>} : memref<8x128xf32, #tpu.memory_space<vmem>>, vector<1x16xf32>,
      %get3A_492 = vector.shape_cast %get3A_491 : vector<1x16xf32> to vector<16xf32>
      %mul3A_493 = arith.mulf %add3A_250, %get3A_492 : vector<16xf32>
      %add3A_494 = arith.addf %add3A_487, %mul3A_493 : vector<16xf32>
      %get3A_495 = arith.constant 6 : i32
      %get3A_496 = arith.index_cast %get3A_495 : i32 to index
      %get3A_497 = arith.constant 16 : index
      %get3A_498 = tpu.vector_load %arg20[%get3A_496, %get3A_497] {strides = array<i32>} : memref<8x128xf32, #tpu.memory_space<vmem>>, vector<1x16xf32>,
      %get3A_499 = vector.shape_cast %get3A_498 : vector<1x16xf32> to vector<16xf32>
      %mul3A_500 = arith.mulf %add3A_275, %get3A_499 : vector<16xf32>
      %add3A_501 = arith.addf %add3A_494, %mul3A_500 : vector<16xf32>
      %get3A_502 = arith.constant 7 : i32
      %get3A_503 = arith.index_cast %get3A_502 : i32 to index
      %get3A_504 = arith.constant 16 : index
      %get3A_505 = tpu.vector_load %arg20[%get3A_503, %get3A_504] {strides = array<i32>} : memref<8x128xf32, #tpu.memory_space<vmem>>, vector<1x16xf32>,
      %get3A_506 = vector.shape_cast %get3A_505 : vector<1x16xf32> to vector<16xf32>
      %mul3A_507 = arith.mulf %add3A_300, %get3A_506 : vector<16xf32>
      %add3A_508 = arith.addf %add3A_501, %mul3A_507 : vector<16xf32>
      %swap3A_509 = arith.constant 272 : index
      %swap3A_510 = tpu.vector_load %arg21[%swap3A_509] {strides = array<i32>} : memref<384xf32, #tpu.memory_space<vmem>>, vector<16xf32>,
      %swap3A_511 = vector.shape_cast %swap3A_510 : vector<16xf32> to vector<16xf32>
      %swap3A_512 = vector.shape_cast %add3A_508 : vector<16xf32> to vector<16xf32>
      tpu.vector_store %arg21[%swap3A_509], %swap3A_512 {strides = array<i32>} : memref<384xf32, #tpu.memory_space<vmem>>, vector<16xf32>,
      %get3A_513 = arith.constant 0 : i32
      %get3A_514 = arith.index_cast %get3A_513 : i32 to index
      %get3A_515 = arith.constant 32 : index
      %get3A_516 = tpu.vector_load %arg18[%get3A_514, %get3A_515] {strides = array<i32>} : memref<4x128xf32, #tpu.memory_space<vmem>>, vector<1x16xf32>,
      %get3A_517 = vector.shape_cast %get3A_516 : vector<1x16xf32> to vector<16xf32>
      %mul3A_518 = arith.mulf %select_n3A, %get3A_517 : vector<16xf32>
      %get3A_519 = arith.constant 1 : i32
      %get3A_520 = arith.index_cast %get3A_519 : i32 to index
      %get3A_521 = arith.constant 32 : index
      %get3A_522 = tpu.vector_load %arg18[%get3A_520, %get3A_521] {strides = array<i32>} : memref<4x128xf32, #tpu.memory_space<vmem>>, vector<1x16xf32>,
      %get3A_523 = vector.shape_cast %get3A_522 : vector<1x16xf32> to vector<16xf32>
      %mul3A_524 = arith.mulf %select_n3A_85, %get3A_523 : vector<16xf32>
      %add3A_525 = arith.addf %mul3A_518, %mul3A_524 : vector<16xf32>
      %get3A_526 = arith.constant 2 : i32
      %get3A_527 = arith.index_cast %get3A_526 : i32 to index
      %get3A_528 = arith.constant 32 : index
      %get3A_529 = tpu.vector_load %arg18[%get3A_527, %get3A_528] {strides = array<i32>} : memref<4x128xf32, #tpu.memory_space<vmem>>, vector<1x16xf32>,
      %get3A_530 = vector.shape_cast %get3A_529 : vector<1x16xf32> to vector<16xf32>
      %mul3A_531 = arith.mulf %select_n3A_89, %get3A_530 : vector<16xf32>
      %add3A_532 = arith.addf %add3A_525, %mul3A_531 : vector<16xf32>
      %get3A_533 = arith.constant 3 : i32
      %get3A_534 = arith.index_cast %get3A_533 : i32 to index
      %get3A_535 = arith.constant 32 : index
      %get3A_536 = tpu.vector_load %arg18[%get3A_534, %get3A_535] {strides = array<i32>} : memref<4x128xf32, #tpu.memory_space<vmem>>, vector<1x16xf32>,
      %get3A_537 = vector.shape_cast %get3A_536 : vector<1x16xf32> to vector<16xf32>
      %mul3A_538 = arith.mulf %select_n3A_93, %get3A_537 : vector<16xf32>
      %add3A_539 = arith.addf %add3A_532, %mul3A_538 : vector<16xf32>
      %swap3A_540 = arith.constant 32 : index
      %swap3A_541 = tpu.vector_load %arg21[%swap3A_540] {strides = array<i32>} : memref<384xf32, #tpu.memory_space<vmem>>, vector<16xf32>,
      %swap3A_542 = vector.shape_cast %swap3A_541 : vector<16xf32> to vector<16xf32>
      %swap3A_543 = vector.shape_cast %add3A_539 : vector<16xf32> to vector<16xf32>
      tpu.vector_store %arg21[%swap3A_540], %swap3A_543 {strides = array<i32>} : memref<384xf32, #tpu.memory_space<vmem>>, vector<16xf32>,
      %get3A_544 = arith.constant 0 : i32
      %get3A_545 = arith.index_cast %get3A_544 : i32 to index
      %get3A_546 = arith.constant 32 : index
      %get3A_547 = tpu.vector_load %arg19[%get3A_545, %get3A_546] {strides = array<i32>} : memref<2x128xf32, #tpu.memory_space<vmem>>, vector<1x16xf32>,
      %get3A_548 = vector.shape_cast %get3A_547 : vector<1x16xf32> to vector<16xf32>
      %mul3A_549 = arith.mulf %select_n3A_97, %get3A_548 : vector<16xf32>
      %get3A_550 = arith.constant 1 : i32
      %get3A_551 = arith.index_cast %get3A_550 : i32 to index
      %get3A_552 = arith.constant 32 : index
      %get3A_553 = tpu.vector_load %arg19[%get3A_551, %get3A_552] {strides = array<i32>} : memref<2x128xf32, #tpu.memory_space<vmem>>, vector<1x16xf32>,
      %get3A_554 = vector.shape_cast %get3A_553 : vector<1x16xf32> to vector<16xf32>
      %mul3A_555 = arith.mulf %select_n3A_101, %get3A_554 : vector<16xf32>
      %add3A_556 = arith.addf %mul3A_549, %mul3A_555 : vector<16xf32>
      %swap3A_557 = arith.constant 160 : index
      %swap3A_558 = tpu.vector_load %arg21[%swap3A_557] {strides = array<i32>} : memref<384xf32, #tpu.memory_space<vmem>>, vector<16xf32>,
      %swap3A_559 = vector.shape_cast %swap3A_558 : vector<16xf32> to vector<16xf32>
      %swap3A_560 = vector.shape_cast %add3A_556 : vector<16xf32> to vector<16xf32>
      tpu.vector_store %arg21[%swap3A_557], %swap3A_560 {strides = array<i32>} : memref<384xf32, #tpu.memory_space<vmem>>, vector<16xf32>,
      %get3A_561 = arith.constant 0 : i32
      %get3A_562 = arith.index_cast %get3A_561 : i32 to index
      %get3A_563 = arith.constant 32 : index
      %get3A_564 = tpu.vector_load %arg20[%get3A_562, %get3A_563] {strides = array<i32>} : memref<8x128xf32, #tpu.memory_space<vmem>>, vector<1x16xf32>,
      %get3A_565 = vector.shape_cast %get3A_564 : vector<1x16xf32> to vector<16xf32>
      %mul3A_566 = arith.mulf %add3A_125, %get3A_565 : vector<16xf32>
      %get3A_567 = arith.constant 1 : i32
      %get3A_568 = arith.index_cast %get3A_567 : i32 to index
      %get3A_569 = arith.constant 32 : index
      %get3A_570 = tpu.vector_load %arg20[%get3A_568, %get3A_569] {strides = array<i32>} : memref<8x128xf32, #tpu.memory_space<vmem>>, vector<1x16xf32>,
      %get3A_571 = vector.shape_cast %get3A_570 : vector<1x16xf32> to vector<16xf32>
      %mul3A_572 = arith.mulf %add3A_150, %get3A_571 : vector<16xf32>
      %add3A_573 = arith.addf %mul3A_566, %mul3A_572 : vector<16xf32>
      %get3A_574 = arith.constant 2 : i32
      %get3A_575 = arith.index_cast %get3A_574 : i32 to index
      %get3A_576 = arith.constant 32 : index
      %get3A_577 = tpu.vector_load %arg20[%get3A_575, %get3A_576] {strides = array<i32>} : memref<8x128xf32, #tpu.memory_space<vmem>>, vector<1x16xf32>,
      %get3A_578 = vector.shape_cast %get3A_577 : vector<1x16xf32> to vector<16xf32>
      %mul3A_579 = arith.mulf %add3A_175, %get3A_578 : vector<16xf32>
      %add3A_580 = arith.addf %add3A_573, %mul3A_579 : vector<16xf32>
      %get3A_581 = arith.constant 3 : i32
      %get3A_582 = arith.index_cast %get3A_581 : i32 to index
      %get3A_583 = arith.constant 32 : index
      %get3A_584 = tpu.vector_load %arg20[%get3A_582, %get3A_583] {strides = array<i32>} : memref<8x128xf32, #tpu.memory_space<vmem>>, vector<1x16xf32>,
      %get3A_585 = vector.shape_cast %get3A_584 : vector<1x16xf32> to vector<16xf32>
      %mul3A_586 = arith.mulf %add3A_200, %get3A_585 : vector<16xf32>
      %add3A_587 = arith.addf %add3A_580, %mul3A_586 : vector<16xf32>
      %get3A_588 = arith.constant 4 : i32
      %get3A_589 = arith.index_cast %get3A_588 : i32 to index
      %get3A_590 = arith.constant 32 : index
      %get3A_591 = tpu.vector_load %arg20[%get3A_589, %get3A_590] {strides = array<i32>} : memref<8x128xf32, #tpu.memory_space<vmem>>, vector<1x16xf32>,
      %get3A_592 = vector.shape_cast %get3A_591 : vector<1x16xf32> to vector<16xf32>
      %mul3A_593 = arith.mulf %add3A_225, %get3A_592 : vector<16xf32>
      %add3A_594 = arith.addf %add3A_587, %mul3A_593 : vector<16xf32>
      %get3A_595 = arith.constant 5 : i32
      %get3A_596 = arith.index_cast %get3A_595 : i32 to index
      %get3A_597 = arith.constant 32 : index
      %get3A_598 = tpu.vector_load %arg20[%get3A_596, %get3A_597] {strides = array<i32>} : memref<8x128xf32, #tpu.memory_space<vmem>>, vector<1x16xf32>,
      %get3A_599 = vector.shape_cast %get3A_598 : vector<1x16xf32> to vector<16xf32>
      %mul3A_600 = arith.mulf %add3A_250, %get3A_599 : vector<16xf32>
      %add3A_601 = arith.addf %add3A_594, %mul3A_600 : vector<16xf32>
      %get3A_602 = arith.constant 6 : i32
      %get3A_603 = arith.index_cast %get3A_602 : i32 to index
      %get3A_604 = arith.constant 32 : index
      %get3A_605 = tpu.vector_load %arg20[%get3A_603, %get3A_604] {strides = array<i32>} : memref<8x128xf32, #tpu.memory_space<vmem>>, vector<1x16xf32>,
      %get3A_606 = vector.shape_cast %get3A_605 : vector<1x16xf32> to vector<16xf32>
      %mul3A_607 = arith.mulf %add3A_275, %get3A_606 : vector<16xf32>
      %add3A_608 = arith.addf %add3A_601, %mul3A_607 : vector<16xf32>
      %get3A_609 = arith.constant 7 : i32
      %get3A_610 = arith.index_cast %get3A_609 : i32 to index
      %get3A_611 = arith.constant 32 : index
      %get3A_612 = tpu.vector_load %arg20[%get3A_610, %get3A_611] {strides = array<i32>} : memref<8x128xf32, #tpu.memory_space<vmem>>, vector<1x16xf32>,
      %get3A_613 = vector.shape_cast %get3A_612 : vector<1x16xf32> to vector<16xf32>
      %mul3A_614 = arith.mulf %add3A_300, %get3A_613 : vector<16xf32>
      %add3A_615 = arith.addf %add3A_608, %mul3A_614 : vector<16xf32>
      %swap3A_616 = arith.constant 288 : index
      %swap3A_617 = tpu.vector_load %arg21[%swap3A_616] {strides = array<i32>} : memref<384xf32, #tpu.memory_space<vmem>>, vector<16xf32>,
      %swap3A_618 = vector.shape_cast %swap3A_617 : vector<16xf32> to vector<16xf32>
      %swap3A_619 = vector.shape_cast %add3A_615 : vector<16xf32> to vector<16xf32>
      tpu.vector_store %arg21[%swap3A_616], %swap3A_619 {strides = array<i32>} : memref<384xf32, #tpu.memory_space<vmem>>, vector<16xf32>,
      %get3A_620 = arith.constant 0 : i32
      %get3A_621 = arith.index_cast %get3A_620 : i32 to index
      %get3A_622 = arith.constant 48 : index
      %get3A_623 = tpu.vector_load %arg18[%get3A_621, %get3A_622] {strides = array<i32>} : memref<4x128xf32, #tpu.memory_space<vmem>>, vector<1x16xf32>,
      %get3A_624 = vector.shape_cast %get3A_623 : vector<1x16xf32> to vector<16xf32>
      %mul3A_625 = arith.mulf %select_n3A, %get3A_624 : vector<16xf32>
      %get3A_626 = arith.constant 1 : i32
      %get3A_627 = arith.index_cast %get3A_626 : i32 to index
      %get3A_628 = arith.constant 48 : index
      %get3A_629 = tpu.vector_load %arg18[%get3A_627, %get3A_628] {strides = array<i32>} : memref<4x128xf32, #tpu.memory_space<vmem>>, vector<1x16xf32>,
      %get3A_630 = vector.shape_cast %get3A_629 : vector<1x16xf32> to vector<16xf32>
      %mul3A_631 = arith.mulf %select_n3A_85, %get3A_630 : vector<16xf32>
      %add3A_632 = arith.addf %mul3A_625, %mul3A_631 : vector<16xf32>
      %get3A_633 = arith.constant 2 : i32
      %get3A_634 = arith.index_cast %get3A_633 : i32 to index
      %get3A_635 = arith.constant 48 : index
      %get3A_636 = tpu.vector_load %arg18[%get3A_634, %get3A_635] {strides = array<i32>} : memref<4x128xf32, #tpu.memory_space<vmem>>, vector<1x16xf32>,
      %get3A_637 = vector.shape_cast %get3A_636 : vector<1x16xf32> to vector<16xf32>
      %mul3A_638 = arith.mulf %select_n3A_89, %get3A_637 : vector<16xf32>
      %add3A_639 = arith.addf %add3A_632, %mul3A_638 : vector<16xf32>
      %get3A_640 = arith.constant 3 : i32
      %get3A_641 = arith.index_cast %get3A_640 : i32 to index
      %get3A_642 = arith.constant 48 : index
      %get3A_643 = tpu.vector_load %arg18[%get3A_641, %get3A_642] {strides = array<i32>} : memref<4x128xf32, #tpu.memory_space<vmem>>, vector<1x16xf32>,
      %get3A_644 = vector.shape_cast %get3A_643 : vector<1x16xf32> to vector<16xf32>
      %mul3A_645 = arith.mulf %select_n3A_93, %get3A_644 : vector<16xf32>
      %add3A_646 = arith.addf %add3A_639, %mul3A_645 : vector<16xf32>
      %swap3A_647 = arith.constant 48 : index
      %swap3A_648 = tpu.vector_load %arg21[%swap3A_647] {strides = array<i32>} : memref<384xf32, #tpu.memory_space<vmem>>, vector<16xf32>,
      %swap3A_649 = vector.shape_cast %swap3A_648 : vector<16xf32> to vector<16xf32>
      %swap3A_650 = vector.shape_cast %add3A_646 : vector<16xf32> to vector<16xf32>
      tpu.vector_store %arg21[%swap3A_647], %swap3A_650 {strides = array<i32>} : memref<384xf32, #tpu.memory_space<vmem>>, vector<16xf32>,
      %get3A_651 = arith.constant 0 : i32
      %get3A_652 = arith.index_cast %get3A_651 : i32 to index
      %get3A_653 = arith.constant 48 : index
      %get3A_654 = tpu.vector_load %arg19[%get3A_652, %get3A_653] {strides = array<i32>} : memref<2x128xf32, #tpu.memory_space<vmem>>, vector<1x16xf32>,
      %get3A_655 = vector.shape_cast %get3A_654 : vector<1x16xf32> to vector<16xf32>
      %mul3A_656 = arith.mulf %select_n3A_97, %get3A_655 : vector<16xf32>
      %get3A_657 = arith.constant 1 : i32
      %get3A_658 = arith.index_cast %get3A_657 : i32 to index
      %get3A_659 = arith.constant 48 : index
      %get3A_660 = tpu.vector_load %arg19[%get3A_658, %get3A_659] {strides = array<i32>} : memref<2x128xf32, #tpu.memory_space<vmem>>, vector<1x16xf32>,
      %get3A_661 = vector.shape_cast %get3A_660 : vector<1x16xf32> to vector<16xf32>
      %mul3A_662 = arith.mulf %select_n3A_101, %get3A_661 : vector<16xf32>
      %add3A_663 = arith.addf %mul3A_656, %mul3A_662 : vector<16xf32>
      %swap3A_664 = arith.constant 176 : index
      %swap3A_665 = tpu.vector_load %arg21[%swap3A_664] {strides = array<i32>} : memref<384xf32, #tpu.memory_space<vmem>>, vector<16xf32>,
      %swap3A_666 = vector.shape_cast %swap3A_665 : vector<16xf32> to vector<16xf32>
      %swap3A_667 = vector.shape_cast %add3A_663 : vector<16xf32> to vector<16xf32>
      tpu.vector_store %arg21[%swap3A_664], %swap3A_667 {strides = array<i32>} : memref<384xf32, #tpu.memory_space<vmem>>, vector<16xf32>,
      %get3A_668 = arith.constant 0 : i32
      %get3A_669 = arith.index_cast %get3A_668 : i32 to index
      %get3A_670 = arith.constant 48 : index
      %get3A_671 = tpu.vector_load %arg20[%get3A_669, %get3A_670] {strides = array<i32>} : memref<8x128xf32, #tpu.memory_space<vmem>>, vector<1x16xf32>,
      %get3A_672 = vector.shape_cast %get3A_671 : vector<1x16xf32> to vector<16xf32>
      %mul3A_673 = arith.mulf %add3A_125, %get3A_672 : vector<16xf32>
      %get3A_674 = arith.constant 1 : i32
      %get3A_675 = arith.index_cast %get3A_674 : i32 to index
      %get3A_676 = arith.constant 48 : index
      %get3A_677 = tpu.vector_load %arg20[%get3A_675, %get3A_676] {strides = array<i32>} : memref<8x128xf32, #tpu.memory_space<vmem>>, vector<1x16xf32>,
      %get3A_678 = vector.shape_cast %get3A_677 : vector<1x16xf32> to vector<16xf32>
      %mul3A_679 = arith.mulf %add3A_150, %get3A_678 : vector<16xf32>
      %add3A_680 = arith.addf %mul3A_673, %mul3A_679 : vector<16xf32>
      %get3A_681 = arith.constant 2 : i32
      %get3A_682 = arith.index_cast %get3A_681 : i32 to index
      %get3A_683 = arith.constant 48 : index
      %get3A_684 = tpu.vector_load %arg20[%get3A_682, %get3A_683] {strides = array<i32>} : memref<8x128xf32, #tpu.memory_space<vmem>>, vector<1x16xf32>,
      %get3A_685 = vector.shape_cast %get3A_684 : vector<1x16xf32> to vector<16xf32>
      %mul3A_686 = arith.mulf %add3A_175, %get3A_685 : vector<16xf32>
      %add3A_687 = arith.addf %add3A_680, %mul3A_686 : vector<16xf32>
      %get3A_688 = arith.constant 3 : i32
      %get3A_689 = arith.index_cast %get3A_688 : i32 to index
      %get3A_690 = arith.constant 48 : index
      %get3A_691 = tpu.vector_load %arg20[%get3A_689, %get3A_690] {strides = array<i32>} : memref<8x128xf32, #tpu.memory_space<vmem>>, vector<1x16xf32>,
      %get3A_692 = vector.shape_cast %get3A_691 : vector<1x16xf32> to vector<16xf32>
      %mul3A_693 = arith.mulf %add3A_200, %get3A_692 : vector<16xf32>
      %add3A_694 = arith.addf %add3A_687, %mul3A_693 : vector<16xf32>
      %get3A_695 = arith.constant 4 : i32
      %get3A_696 = arith.index_cast %get3A_695 : i32 to index
      %get3A_697 = arith.constant 48 : index
      %get3A_698 = tpu.vector_load %arg20[%get3A_696, %get3A_697] {strides = array<i32>} : memref<8x128xf32, #tpu.memory_space<vmem>>, vector<1x16xf32>,
      %get3A_699 = vector.shape_cast %get3A_698 : vector<1x16xf32> to vector<16xf32>
      %mul3A_700 = arith.mulf %add3A_225, %get3A_699 : vector<16xf32>
      %add3A_701 = arith.addf %add3A_694, %mul3A_700 : vector<16xf32>
      %get3A_702 = arith.constant 5 : i32
      %get3A_703 = arith.index_cast %get3A_702 : i32 to index
      %get3A_704 = arith.constant 48 : index
      %get3A_705 = tpu.vector_load %arg20[%get3A_703, %get3A_704] {strides = array<i32>} : memref<8x128xf32, #tpu.memory_space<vmem>>, vector<1x16xf32>,
      %get3A_706 = vector.shape_cast %get3A_705 : vector<1x16xf32> to vector<16xf32>
      %mul3A_707 = arith.mulf %add3A_250, %get3A_706 : vector<16xf32>
      %add3A_708 = arith.addf %add3A_701, %mul3A_707 : vector<16xf32>
      %get3A_709 = arith.constant 6 : i32
      %get3A_710 = arith.index_cast %get3A_709 : i32 to index
      %get3A_711 = arith.constant 48 : index
      %get3A_712 = tpu.vector_load %arg20[%get3A_710, %get3A_711] {strides = array<i32>} : memref<8x128xf32, #tpu.memory_space<vmem>>, vector<1x16xf32>,
      %get3A_713 = vector.shape_cast %get3A_712 : vector<1x16xf32> to vector<16xf32>
      %mul3A_714 = arith.mulf %add3A_275, %get3A_713 : vector<16xf32>
      %add3A_715 = arith.addf %add3A_708, %mul3A_714 : vector<16xf32>
      %get3A_716 = arith.constant 7 : i32
      %get3A_717 = arith.index_cast %get3A_716 : i32 to index
      %get3A_718 = arith.constant 48 : index
      %get3A_719 = tpu.vector_load %arg20[%get3A_717, %get3A_718] {strides = array<i32>} : memref<8x128xf32, #tpu.memory_space<vmem>>, vector<1x16xf32>,
      %get3A_720 = vector.shape_cast %get3A_719 : vector<1x16xf32> to vector<16xf32>
      %mul3A_721 = arith.mulf %add3A_300, %get3A_720 : vector<16xf32>
      %add3A_722 = arith.addf %add3A_715, %mul3A_721 : vector<16xf32>
      %swap3A_723 = arith.constant 304 : index
      %swap3A_724 = tpu.vector_load %arg21[%swap3A_723] {strides = array<i32>} : memref<384xf32, #tpu.memory_space<vmem>>, vector<16xf32>,
      %swap3A_725 = vector.shape_cast %swap3A_724 : vector<16xf32> to vector<16xf32>
      %swap3A_726 = vector.shape_cast %add3A_722 : vector<16xf32> to vector<16xf32>
      tpu.vector_store %arg21[%swap3A_723], %swap3A_726 {strides = array<i32>} : memref<384xf32, #tpu.memory_space<vmem>>, vector<16xf32>,
      %get3A_727 = arith.constant 0 : i32
      %get3A_728 = arith.index_cast %get3A_727 : i32 to index
      %get3A_729 = arith.constant 64 : index
      %get3A_730 = tpu.vector_load %arg18[%get3A_728, %get3A_729] {strides = array<i32>} : memref<4x128xf32, #tpu.memory_space<vmem>>, vector<1x16xf32>,
      %get3A_731 = vector.shape_cast %get3A_730 : vector<1x16xf32> to vector<16xf32>
      %mul3A_732 = arith.mulf %select_n3A, %get3A_731 : vector<16xf32>
      %get3A_733 = arith.constant 1 : i32
      %get3A_734 = arith.index_cast %get3A_733 : i32 to index
      %get3A_735 = arith.constant 64 : index
      %get3A_736 = tpu.vector_load %arg18[%get3A_734, %get3A_735] {strides = array<i32>} : memref<4x128xf32, #tpu.memory_space<vmem>>, vector<1x16xf32>,
      %get3A_737 = vector.shape_cast %get3A_736 : vector<1x16xf32> to vector<16xf32>
      %mul3A_738 = arith.mulf %select_n3A_85, %get3A_737 : vector<16xf32>
      %add3A_739 = arith.addf %mul3A_732, %mul3A_738 : vector<16xf32>
      %get3A_740 = arith.constant 2 : i32
      %get3A_741 = arith.index_cast %get3A_740 : i32 to index
      %get3A_742 = arith.constant 64 : index
      %get3A_743 = tpu.vector_load %arg18[%get3A_741, %get3A_742] {strides = array<i32>} : memref<4x128xf32, #tpu.memory_space<vmem>>, vector<1x16xf32>,
      %get3A_744 = vector.shape_cast %get3A_743 : vector<1x16xf32> to vector<16xf32>
      %mul3A_745 = arith.mulf %select_n3A_89, %get3A_744 : vector<16xf32>
      %add3A_746 = arith.addf %add3A_739, %mul3A_745 : vector<16xf32>
      %get3A_747 = arith.constant 3 : i32
      %get3A_748 = arith.index_cast %get3A_747 : i32 to index
      %get3A_749 = arith.constant 64 : index
      %get3A_750 = tpu.vector_load %arg18[%get3A_748, %get3A_749] {strides = array<i32>} : memref<4x128xf32, #tpu.memory_space<vmem>>, vector<1x16xf32>,
      %get3A_751 = vector.shape_cast %get3A_750 : vector<1x16xf32> to vector<16xf32>
      %mul3A_752 = arith.mulf %select_n3A_93, %get3A_751 : vector<16xf32>
      %add3A_753 = arith.addf %add3A_746, %mul3A_752 : vector<16xf32>
      %swap3A_754 = arith.constant 64 : index
      %swap3A_755 = tpu.vector_load %arg21[%swap3A_754] {strides = array<i32>} : memref<384xf32, #tpu.memory_space<vmem>>, vector<16xf32>,
      %swap3A_756 = vector.shape_cast %swap3A_755 : vector<16xf32> to vector<16xf32>
      %swap3A_757 = vector.shape_cast %add3A_753 : vector<16xf32> to vector<16xf32>
      tpu.vector_store %arg21[%swap3A_754], %swap3A_757 {strides = array<i32>} : memref<384xf32, #tpu.memory_space<vmem>>, vector<16xf32>,
      %get3A_758 = arith.constant 0 : i32
      %get3A_759 = arith.index_cast %get3A_758 : i32 to index
      %get3A_760 = arith.constant 64 : index
      %get3A_761 = tpu.vector_load %arg19[%get3A_759, %get3A_760] {strides = array<i32>} : memref<2x128xf32, #tpu.memory_space<vmem>>, vector<1x16xf32>,
      %get3A_762 = vector.shape_cast %get3A_761 : vector<1x16xf32> to vector<16xf32>
      %mul3A_763 = arith.mulf %select_n3A_97, %get3A_762 : vector<16xf32>
      %get3A_764 = arith.constant 1 : i32
      %get3A_765 = arith.index_cast %get3A_764 : i32 to index
      %get3A_766 = arith.constant 64 : index
      %get3A_767 = tpu.vector_load %arg19[%get3A_765, %get3A_766] {strides = array<i32>} : memref<2x128xf32, #tpu.memory_space<vmem>>, vector<1x16xf32>,
      %get3A_768 = vector.shape_cast %get3A_767 : vector<1x16xf32> to vector<16xf32>
      %mul3A_769 = arith.mulf %select_n3A_101, %get3A_768 : vector<16xf32>
      %add3A_770 = arith.addf %mul3A_763, %mul3A_769 : vector<16xf32>
      %swap3A_771 = arith.constant 192 : index
      %swap3A_772 = tpu.vector_load %arg21[%swap3A_771] {strides = array<i32>} : memref<384xf32, #tpu.memory_space<vmem>>, vector<16xf32>,
      %swap3A_773 = vector.shape_cast %swap3A_772 : vector<16xf32> to vector<16xf32>
      %swap3A_774 = vector.shape_cast %add3A_770 : vector<16xf32> to vector<16xf32>
      tpu.vector_store %arg21[%swap3A_771], %swap3A_774 {strides = array<i32>} : memref<384xf32, #tpu.memory_space<vmem>>, vector<16xf32>,
      %get3A_775 = arith.constant 0 : i32
      %get3A_776 = arith.index_cast %get3A_775 : i32 to index
      %get3A_777 = arith.constant 64 : index
      %get3A_778 = tpu.vector_load %arg20[%get3A_776, %get3A_777] {strides = array<i32>} : memref<8x128xf32, #tpu.memory_space<vmem>>, vector<1x16xf32>,
      %get3A_779 = vector.shape_cast %get3A_778 : vector<1x16xf32> to vector<16xf32>
      %mul3A_780 = arith.mulf %add3A_125, %get3A_779 : vector<16xf32>
      %get3A_781 = arith.constant 1 : i32
      %get3A_782 = arith.index_cast %get3A_781 : i32 to index
      %get3A_783 = arith.constant 64 : index
      %get3A_784 = tpu.vector_load %arg20[%get3A_782, %get3A_783] {strides = array<i32>} : memref<8x128xf32, #tpu.memory_space<vmem>>, vector<1x16xf32>,
      %get3A_785 = vector.shape_cast %get3A_784 : vector<1x16xf32> to vector<16xf32>
      %mul3A_786 = arith.mulf %add3A_150, %get3A_785 : vector<16xf32>
      %add3A_787 = arith.addf %mul3A_780, %mul3A_786 : vector<16xf32>
      %get3A_788 = arith.constant 2 : i32
      %get3A_789 = arith.index_cast %get3A_788 : i32 to index
      %get3A_790 = arith.constant 64 : index
      %get3A_791 = tpu.vector_load %arg20[%get3A_789, %get3A_790] {strides = array<i32>} : memref<8x128xf32, #tpu.memory_space<vmem>>, vector<1x16xf32>,
      %get3A_792 = vector.shape_cast %get3A_791 : vector<1x16xf32> to vector<16xf32>
      %mul3A_793 = arith.mulf %add3A_175, %get3A_792 : vector<16xf32>
      %add3A_794 = arith.addf %add3A_787, %mul3A_793 : vector<16xf32>
      %get3A_795 = arith.constant 3 : i32
      %get3A_796 = arith.index_cast %get3A_795 : i32 to index
      %get3A_797 = arith.constant 64 : index
      %get3A_798 = tpu.vector_load %arg20[%get3A_796, %get3A_797] {strides = array<i32>} : memref<8x128xf32, #tpu.memory_space<vmem>>, vector<1x16xf32>,
      %get3A_799 = vector.shape_cast %get3A_798 : vector<1x16xf32> to vector<16xf32>
      %mul3A_800 = arith.mulf %add3A_200, %get3A_799 : vector<16xf32>
      %add3A_801 = arith.addf %add3A_794, %mul3A_800 : vector<16xf32>
      %get3A_802 = arith.constant 4 : i32
      %get3A_803 = arith.index_cast %get3A_802 : i32 to index
      %get3A_804 = arith.constant 64 : index
      %get3A_805 = tpu.vector_load %arg20[%get3A_803, %get3A_804] {strides = array<i32>} : memref<8x128xf32, #tpu.memory_space<vmem>>, vector<1x16xf32>,
      %get3A_806 = vector.shape_cast %get3A_805 : vector<1x16xf32> to vector<16xf32>
      %mul3A_807 = arith.mulf %add3A_225, %get3A_806 : vector<16xf32>
      %add3A_808 = arith.addf %add3A_801, %mul3A_807 : vector<16xf32>
      %get3A_809 = arith.constant 5 : i32
      %get3A_810 = arith.index_cast %get3A_809 : i32 to index
      %get3A_811 = arith.constant 64 : index
      %get3A_812 = tpu.vector_load %arg20[%get3A_810, %get3A_811] {strides = array<i32>} : memref<8x128xf32, #tpu.memory_space<vmem>>, vector<1x16xf32>,
      %get3A_813 = vector.shape_cast %get3A_812 : vector<1x16xf32> to vector<16xf32>
      %mul3A_814 = arith.mulf %add3A_250, %get3A_813 : vector<16xf32>
      %add3A_815 = arith.addf %add3A_808, %mul3A_814 : vector<16xf32>
      %get3A_816 = arith.constant 6 : i32
      %get3A_817 = arith.index_cast %get3A_816 : i32 to index
      %get3A_818 = arith.constant 64 : index
      %get3A_819 = tpu.vector_load %arg20[%get3A_817, %get3A_818] {strides = array<i32>} : memref<8x128xf32, #tpu.memory_space<vmem>>, vector<1x16xf32>,
      %get3A_820 = vector.shape_cast %get3A_819 : vector<1x16xf32> to vector<16xf32>
      %mul3A_821 = arith.mulf %add3A_275, %get3A_820 : vector<16xf32>
      %add3A_822 = arith.addf %add3A_815, %mul3A_821 : vector<16xf32>
      %get3A_823 = arith.constant 7 : i32
      %get3A_824 = arith.index_cast %get3A_823 : i32 to index
      %get3A_825 = arith.constant 64 : index
      %get3A_826 = tpu.vector_load %arg20[%get3A_824, %get3A_825] {strides = array<i32>} : memref<8x128xf32, #tpu.memory_space<vmem>>, vector<1x16xf32>,
      %get3A_827 = vector.shape_cast %get3A_826 : vector<1x16xf32> to vector<16xf32>
      %mul3A_828 = arith.mulf %add3A_300, %get3A_827 : vector<16xf32>
      %add3A_829 = arith.addf %add3A_822, %mul3A_828 : vector<16xf32>
      %swap3A_830 = arith.constant 320 : index
      %swap3A_831 = tpu.vector_load %arg21[%swap3A_830] {strides = array<i32>} : memref<384xf32, #tpu.memory_space<vmem>>, vector<16xf32>,
      %swap3A_832 = vector.shape_cast %swap3A_831 : vector<16xf32> to vector<16xf32>
      %swap3A_833 = vector.shape_cast %add3A_829 : vector<16xf32> to vector<16xf32>
      tpu.vector_store %arg21[%swap3A_830], %swap3A_833 {strides = array<i32>} : memref<384xf32, #tpu.memory_space<vmem>>, vector<16xf32>,
      %get3A_834 = arith.constant 0 : i32
      %get3A_835 = arith.index_cast %get3A_834 : i32 to index
      %get3A_836 = arith.constant 80 : index
      %get3A_837 = tpu.vector_load %arg18[%get3A_835, %get3A_836] {strides = array<i32>} : memref<4x128xf32, #tpu.memory_space<vmem>>, vector<1x16xf32>,
      %get3A_838 = vector.shape_cast %get3A_837 : vector<1x16xf32> to vector<16xf32>
      %mul3A_839 = arith.mulf %select_n3A, %get3A_838 : vector<16xf32>
      %get3A_840 = arith.constant 1 : i32
      %get3A_841 = arith.index_cast %get3A_840 : i32 to index
      %get3A_842 = arith.constant 80 : index
      %get3A_843 = tpu.vector_load %arg18[%get3A_841, %get3A_842] {strides = array<i32>} : memref<4x128xf32, #tpu.memory_space<vmem>>, vector<1x16xf32>,
      %get3A_844 = vector.shape_cast %get3A_843 : vector<1x16xf32> to vector<16xf32>
      %mul3A_845 = arith.mulf %select_n3A_85, %get3A_844 : vector<16xf32>
      %add3A_846 = arith.addf %mul3A_839, %mul3A_845 : vector<16xf32>
      %get3A_847 = arith.constant 2 : i32
      %get3A_848 = arith.index_cast %get3A_847 : i32 to index
      %get3A_849 = arith.constant 80 : index
      %get3A_850 = tpu.vector_load %arg18[%get3A_848, %get3A_849] {strides = array<i32>} : memref<4x128xf32, #tpu.memory_space<vmem>>, vector<1x16xf32>,
      %get3A_851 = vector.shape_cast %get3A_850 : vector<1x16xf32> to vector<16xf32>
      %mul3A_852 = arith.mulf %select_n3A_89, %get3A_851 : vector<16xf32>
      %add3A_853 = arith.addf %add3A_846, %mul3A_852 : vector<16xf32>
      %get3A_854 = arith.constant 3 : i32
      %get3A_855 = arith.index_cast %get3A_854 : i32 to index
      %get3A_856 = arith.constant 80 : index
      %get3A_857 = tpu.vector_load %arg18[%get3A_855, %get3A_856] {strides = array<i32>} : memref<4x128xf32, #tpu.memory_space<vmem>>, vector<1x16xf32>,
      %get3A_858 = vector.shape_cast %get3A_857 : vector<1x16xf32> to vector<16xf32>
      %mul3A_859 = arith.mulf %select_n3A_93, %get3A_858 : vector<16xf32>
      %add3A_860 = arith.addf %add3A_853, %mul3A_859 : vector<16xf32>
      %swap3A_861 = arith.constant 80 : index
      %swap3A_862 = tpu.vector_load %arg21[%swap3A_861] {strides = array<i32>} : memref<384xf32, #tpu.memory_space<vmem>>, vector<16xf32>,
      %swap3A_863 = vector.shape_cast %swap3A_862 : vector<16xf32> to vector<16xf32>
      %swap3A_864 = vector.shape_cast %add3A_860 : vector<16xf32> to vector<16xf32>
      tpu.vector_store %arg21[%swap3A_861], %swap3A_864 {strides = array<i32>} : memref<384xf32, #tpu.memory_space<vmem>>, vector<16xf32>,
      %get3A_865 = arith.constant 0 : i32
      %get3A_866 = arith.index_cast %get3A_865 : i32 to index
      %get3A_867 = arith.constant 80 : index
      %get3A_868 = tpu.vector_load %arg19[%get3A_866, %get3A_867] {strides = array<i32>} : memref<2x128xf32, #tpu.memory_space<vmem>>, vector<1x16xf32>,
      %get3A_869 = vector.shape_cast %get3A_868 : vector<1x16xf32> to vector<16xf32>
      %mul3A_870 = arith.mulf %select_n3A_97, %get3A_869 : vector<16xf32>
      %get3A_871 = arith.constant 1 : i32
      %get3A_872 = arith.index_cast %get3A_871 : i32 to index
      %get3A_873 = arith.constant 80 : index
      %get3A_874 = tpu.vector_load %arg19[%get3A_872, %get3A_873] {strides = array<i32>} : memref<2x128xf32, #tpu.memory_space<vmem>>, vector<1x16xf32>,
      %get3A_875 = vector.shape_cast %get3A_874 : vector<1x16xf32> to vector<16xf32>
      %mul3A_876 = arith.mulf %select_n3A_101, %get3A_875 : vector<16xf32>
      %add3A_877 = arith.addf %mul3A_870, %mul3A_876 : vector<16xf32>
      %swap3A_878 = arith.constant 208 : index
      %swap3A_879 = tpu.vector_load %arg21[%swap3A_878] {strides = array<i32>} : memref<384xf32, #tpu.memory_space<vmem>>, vector<16xf32>,
      %swap3A_880 = vector.shape_cast %swap3A_879 : vector<16xf32> to vector<16xf32>
      %swap3A_881 = vector.shape_cast %add3A_877 : vector<16xf32> to vector<16xf32>
      tpu.vector_store %arg21[%swap3A_878], %swap3A_881 {strides = array<i32>} : memref<384xf32, #tpu.memory_space<vmem>>, vector<16xf32>,
      %get3A_882 = arith.constant 0 : i32
      %get3A_883 = arith.index_cast %get3A_882 : i32 to index
      %get3A_884 = arith.constant 80 : index
      %get3A_885 = tpu.vector_load %arg20[%get3A_883, %get3A_884] {strides = array<i32>} : memref<8x128xf32, #tpu.memory_space<vmem>>, vector<1x16xf32>,
      %get3A_886 = vector.shape_cast %get3A_885 : vector<1x16xf32> to vector<16xf32>
      %mul3A_887 = arith.mulf %add3A_125, %get3A_886 : vector<16xf32>
      %get3A_888 = arith.constant 1 : i32
      %get3A_889 = arith.index_cast %get3A_888 : i32 to index
      %get3A_890 = arith.constant 80 : index
      %get3A_891 = tpu.vector_load %arg20[%get3A_889, %get3A_890] {strides = array<i32>} : memref<8x128xf32, #tpu.memory_space<vmem>>, vector<1x16xf32>,
      %get3A_892 = vector.shape_cast %get3A_891 : vector<1x16xf32> to vector<16xf32>
      %mul3A_893 = arith.mulf %add3A_150, %get3A_892 : vector<16xf32>
      %add3A_894 = arith.addf %mul3A_887, %mul3A_893 : vector<16xf32>
      %get3A_895 = arith.constant 2 : i32
      %get3A_896 = arith.index_cast %get3A_895 : i32 to index
      %get3A_897 = arith.constant 80 : index
      %get3A_898 = tpu.vector_load %arg20[%get3A_896, %get3A_897] {strides = array<i32>} : memref<8x128xf32, #tpu.memory_space<vmem>>, vector<1x16xf32>,
      %get3A_899 = vector.shape_cast %get3A_898 : vector<1x16xf32> to vector<16xf32>
      %mul3A_900 = arith.mulf %add3A_175, %get3A_899 : vector<16xf32>
      %add3A_901 = arith.addf %add3A_894, %mul3A_900 : vector<16xf32>
      %get3A_902 = arith.constant 3 : i32
      %get3A_903 = arith.index_cast %get3A_902 : i32 to index
      %get3A_904 = arith.constant 80 : index
      %get3A_905 = tpu.vector_load %arg20[%get3A_903, %get3A_904] {strides = array<i32>} : memref<8x128xf32, #tpu.memory_space<vmem>>, vector<1x16xf32>,
      %get3A_906 = vector.shape_cast %get3A_905 : vector<1x16xf32> to vector<16xf32>
      %mul3A_907 = arith.mulf %add3A_200, %get3A_906 : vector<16xf32>
      %add3A_908 = arith.addf %add3A_901, %mul3A_907 : vector<16xf32>
      %get3A_909 = arith.constant 4 : i32
      %get3A_910 = arith.index_cast %get3A_909 : i32 to index
      %get3A_911 = arith.constant 80 : index
      %get3A_912 = tpu.vector_load %arg20[%get3A_910, %get3A_911] {strides = array<i32>} : memref<8x128xf32, #tpu.memory_space<vmem>>, vector<1x16xf32>,
      %get3A_913 = vector.shape_cast %get3A_912 : vector<1x16xf32> to vector<16xf32>
      %mul3A_914 = arith.mulf %add3A_225, %get3A_913 : vector<16xf32>
      %add3A_915 = arith.addf %add3A_908, %mul3A_914 : vector<16xf32>
      %get3A_916 = arith.constant 5 : i32
      %get3A_917 = arith.index_cast %get3A_916 : i32 to index
      %get3A_918 = arith.constant 80 : index
      %get3A_919 = tpu.vector_load %arg20[%get3A_917, %get3A_918] {strides = array<i32>} : memref<8x128xf32, #tpu.memory_space<vmem>>, vector<1x16xf32>,
      %get3A_920 = vector.shape_cast %get3A_919 : vector<1x16xf32> to vector<16xf32>
      %mul3A_921 = arith.mulf %add3A_250, %get3A_920 : vector<16xf32>
      %add3A_922 = arith.addf %add3A_915, %mul3A_921 : vector<16xf32>
      %get3A_923 = arith.constant 6 : i32
      %get3A_924 = arith.index_cast %get3A_923 : i32 to index
      %get3A_925 = arith.constant 80 : index
      %get3A_926 = tpu.vector_load %arg20[%get3A_924, %get3A_925] {strides = array<i32>} : memref<8x128xf32, #tpu.memory_space<vmem>>, vector<1x16xf32>,
      %get3A_927 = vector.shape_cast %get3A_926 : vector<1x16xf32> to vector<16xf32>
      %mul3A_928 = arith.mulf %add3A_275, %get3A_927 : vector<16xf32>
      %add3A_929 = arith.addf %add3A_922, %mul3A_928 : vector<16xf32>
      %get3A_930 = arith.constant 7 : i32
      %get3A_931 = arith.index_cast %get3A_930 : i32 to index
      %get3A_932 = arith.constant 80 : index
      %get3A_933 = tpu.vector_load %arg20[%get3A_931, %get3A_932] {strides = array<i32>} : memref<8x128xf32, #tpu.memory_space<vmem>>, vector<1x16xf32>,
      %get3A_934 = vector.shape_cast %get3A_933 : vector<1x16xf32> to vector<16xf32>
      %mul3A_935 = arith.mulf %add3A_300, %get3A_934 : vector<16xf32>
      %add3A_936 = arith.addf %add3A_929, %mul3A_935 : vector<16xf32>
      %swap3A_937 = arith.constant 336 : index
      %swap3A_938 = tpu.vector_load %arg21[%swap3A_937] {strides = array<i32>} : memref<384xf32, #tpu.memory_space<vmem>>, vector<16xf32>,
      %swap3A_939 = vector.shape_cast %swap3A_938 : vector<16xf32> to vector<16xf32>
      %swap3A_940 = vector.shape_cast %add3A_936 : vector<16xf32> to vector<16xf32>
      tpu.vector_store %arg21[%swap3A_937], %swap3A_940 {strides = array<i32>} : memref<384xf32, #tpu.memory_space<vmem>>, vector<16xf32>,
      %get3A_941 = arith.constant 0 : i32
      %get3A_942 = arith.index_cast %get3A_941 : i32 to index
      %get3A_943 = arith.constant 96 : index
      %get3A_944 = tpu.vector_load %arg18[%get3A_942, %get3A_943] {strides = array<i32>} : memref<4x128xf32, #tpu.memory_space<vmem>>, vector<1x16xf32>,
      %get3A_945 = vector.shape_cast %get3A_944 : vector<1x16xf32> to vector<16xf32>
      %mul3A_946 = arith.mulf %select_n3A, %get3A_945 : vector<16xf32>
      %get3A_947 = arith.constant 1 : i32
      %get3A_948 = arith.index_cast %get3A_947 : i32 to index
      %get3A_949 = arith.constant 96 : index
      %get3A_950 = tpu.vector_load %arg18[%get3A_948, %get3A_949] {strides = array<i32>} : memref<4x128xf32, #tpu.memory_space<vmem>>, vector<1x16xf32>,
      %get3A_951 = vector.shape_cast %get3A_950 : vector<1x16xf32> to vector<16xf32>
      %mul3A_952 = arith.mulf %select_n3A_85, %get3A_951 : vector<16xf32>
      %add3A_953 = arith.addf %mul3A_946, %mul3A_952 : vector<16xf32>
      %get3A_954 = arith.constant 2 : i32
      %get3A_955 = arith.index_cast %get3A_954 : i32 to index
      %get3A_956 = arith.constant 96 : index
      %get3A_957 = tpu.vector_load %arg18[%get3A_955, %get3A_956] {strides = array<i32>} : memref<4x128xf32, #tpu.memory_space<vmem>>, vector<1x16xf32>,
      %get3A_958 = vector.shape_cast %get3A_957 : vector<1x16xf32> to vector<16xf32>
      %mul3A_959 = arith.mulf %select_n3A_89, %get3A_958 : vector<16xf32>
      %add3A_960 = arith.addf %add3A_953, %mul3A_959 : vector<16xf32>
      %get3A_961 = arith.constant 3 : i32
      %get3A_962 = arith.index_cast %get3A_961 : i32 to index
      %get3A_963 = arith.constant 96 : index
      %get3A_964 = tpu.vector_load %arg18[%get3A_962, %get3A_963] {strides = array<i32>} : memref<4x128xf32, #tpu.memory_space<vmem>>, vector<1x16xf32>,
      %get3A_965 = vector.shape_cast %get3A_964 : vector<1x16xf32> to vector<16xf32>
      %mul3A_966 = arith.mulf %select_n3A_93, %get3A_965 : vector<16xf32>
      %add3A_967 = arith.addf %add3A_960, %mul3A_966 : vector<16xf32>
      %swap3A_968 = arith.constant 96 : index
      %swap3A_969 = tpu.vector_load %arg21[%swap3A_968] {strides = array<i32>} : memref<384xf32, #tpu.memory_space<vmem>>, vector<16xf32>,
      %swap3A_970 = vector.shape_cast %swap3A_969 : vector<16xf32> to vector<16xf32>
      %swap3A_971 = vector.shape_cast %add3A_967 : vector<16xf32> to vector<16xf32>
      tpu.vector_store %arg21[%swap3A_968], %swap3A_971 {strides = array<i32>} : memref<384xf32, #tpu.memory_space<vmem>>, vector<16xf32>,
      %get3A_972 = arith.constant 0 : i32
      %get3A_973 = arith.index_cast %get3A_972 : i32 to index
      %get3A_974 = arith.constant 96 : index
      %get3A_975 = tpu.vector_load %arg19[%get3A_973, %get3A_974] {strides = array<i32>} : memref<2x128xf32, #tpu.memory_space<vmem>>, vector<1x16xf32>,
      %get3A_976 = vector.shape_cast %get3A_975 : vector<1x16xf32> to vector<16xf32>
      %mul3A_977 = arith.mulf %select_n3A_97, %get3A_976 : vector<16xf32>
      %get3A_978 = arith.constant 1 : i32
      %get3A_979 = arith.index_cast %get3A_978 : i32 to index
      %get3A_980 = arith.constant 96 : index
      %get3A_981 = tpu.vector_load %arg19[%get3A_979, %get3A_980] {strides = array<i32>} : memref<2x128xf32, #tpu.memory_space<vmem>>, vector<1x16xf32>,
      %get3A_982 = vector.shape_cast %get3A_981 : vector<1x16xf32> to vector<16xf32>
      %mul3A_983 = arith.mulf %select_n3A_101, %get3A_982 : vector<16xf32>
      %add3A_984 = arith.addf %mul3A_977, %mul3A_983 : vector<16xf32>
      %swap3A_985 = arith.constant 224 : index
      %swap3A_986 = tpu.vector_load %arg21[%swap3A_985] {strides = array<i32>} : memref<384xf32, #tpu.memory_space<vmem>>, vector<16xf32>,
      %swap3A_987 = vector.shape_cast %swap3A_986 : vector<16xf32> to vector<16xf32>
      %swap3A_988 = vector.shape_cast %add3A_984 : vector<16xf32> to vector<16xf32>
      tpu.vector_store %arg21[%swap3A_985], %swap3A_988 {strides = array<i32>} : memref<384xf32, #tpu.memory_space<vmem>>, vector<16xf32>,
      %get3A_989 = arith.constant 0 : i32
      %get3A_990 = arith.index_cast %get3A_989 : i32 to index
      %get3A_991 = arith.constant 96 : index
      %get3A_992 = tpu.vector_load %arg20[%get3A_990, %get3A_991] {strides = array<i32>} : memref<8x128xf32, #tpu.memory_space<vmem>>, vector<1x16xf32>,
      %get3A_993 = vector.shape_cast %get3A_992 : vector<1x16xf32> to vector<16xf32>
      %mul3A_994 = arith.mulf %add3A_125, %get3A_993 : vector<16xf32>
      %get3A_995 = arith.constant 1 : i32
      %get3A_996 = arith.index_cast %get3A_995 : i32 to index
      %get3A_997 = arith.constant 96 : index
      %get3A_998 = tpu.vector_load %arg20[%get3A_996, %get3A_997] {strides = array<i32>} : memref<8x128xf32, #tpu.memory_space<vmem>>, vector<1x16xf32>,
      %get3A_999 = vector.shape_cast %get3A_998 : vector<1x16xf32> to vector<16xf32>
      %mul3A_1000 = arith.mulf %add3A_150, %get3A_999 : vector<16xf32>
      %add3A_1001 = arith.addf %mul3A_994, %mul3A_1000 : vector<16xf32>
      %get3A_1002 = arith.constant 2 : i32
      %get3A_1003 = arith.index_cast %get3A_1002 : i32 to index
      %get3A_1004 = arith.constant 96 : index
      %get3A_1005 = tpu.vector_load %arg20[%get3A_1003, %get3A_1004] {strides = array<i32>} : memref<8x128xf32, #tpu.memory_space<vmem>>, vector<1x16xf32>,
      %get3A_1006 = vector.shape_cast %get3A_1005 : vector<1x16xf32> to vector<16xf32>
      %mul3A_1007 = arith.mulf %add3A_175, %get3A_1006 : vector<16xf32>
      %add3A_1008 = arith.addf %add3A_1001, %mul3A_1007 : vector<16xf32>
      %get3A_1009 = arith.constant 3 : i32
      %get3A_1010 = arith.index_cast %get3A_1009 : i32 to index
      %get3A_1011 = arith.constant 96 : index
      %get3A_1012 = tpu.vector_load %arg20[%get3A_1010, %get3A_1011] {strides = array<i32>} : memref<8x128xf32, #tpu.memory_space<vmem>>, vector<1x16xf32>,
      %get3A_1013 = vector.shape_cast %get3A_1012 : vector<1x16xf32> to vector<16xf32>
      %mul3A_1014 = arith.mulf %add3A_200, %get3A_1013 : vector<16xf32>
      %add3A_1015 = arith.addf %add3A_1008, %mul3A_1014 : vector<16xf32>
      %get3A_1016 = arith.constant 4 : i32
      %get3A_1017 = arith.index_cast %get3A_1016 : i32 to index
      %get3A_1018 = arith.constant 96 : index
      %get3A_1019 = tpu.vector_load %arg20[%get3A_1017, %get3A_1018] {strides = array<i32>} : memref<8x128xf32, #tpu.memory_space<vmem>>, vector<1x16xf32>,
      %get3A_1020 = vector.shape_cast %get3A_1019 : vector<1x16xf32> to vector<16xf32>
      %mul3A_1021 = arith.mulf %add3A_225, %get3A_1020 : vector<16xf32>
      %add3A_1022 = arith.addf %add3A_1015, %mul3A_1021 : vector<16xf32>
      %get3A_1023 = arith.constant 5 : i32
      %get3A_1024 = arith.index_cast %get3A_1023 : i32 to index
      %get3A_1025 = arith.constant 96 : index
      %get3A_1026 = tpu.vector_load %arg20[%get3A_1024, %get3A_1025] {strides = array<i32>} : memref<8x128xf32, #tpu.memory_space<vmem>>, vector<1x16xf32>,
      %get3A_1027 = vector.shape_cast %get3A_1026 : vector<1x16xf32> to vector<16xf32>
      %mul3A_1028 = arith.mulf %add3A_250, %get3A_1027 : vector<16xf32>
      %add3A_1029 = arith.addf %add3A_1022, %mul3A_1028 : vector<16xf32>
      %get3A_1030 = arith.constant 6 : i32
      %get3A_1031 = arith.index_cast %get3A_1030 : i32 to index
      %get3A_1032 = arith.constant 96 : index
      %get3A_1033 = tpu.vector_load %arg20[%get3A_1031, %get3A_1032] {strides = array<i32>} : memref<8x128xf32, #tpu.memory_space<vmem>>, vector<1x16xf32>,
      %get3A_1034 = vector.shape_cast %get3A_1033 : vector<1x16xf32> to vector<16xf32>
      %mul3A_1035 = arith.mulf %add3A_275, %get3A_1034 : vector<16xf32>
      %add3A_1036 = arith.addf %add3A_1029, %mul3A_1035 : vector<16xf32>
      %get3A_1037 = arith.constant 7 : i32
      %get3A_1038 = arith.index_cast %get3A_1037 : i32 to index
      %get3A_1039 = arith.constant 96 : index
      %get3A_1040 = tpu.vector_load %arg20[%get3A_1038, %get3A_1039] {strides = array<i32>} : memref<8x128xf32, #tpu.memory_space<vmem>>, vector<1x16xf32>,
      %get3A_1041 = vector.shape_cast %get3A_1040 : vector<1x16xf32> to vector<16xf32>
      %mul3A_1042 = arith.mulf %add3A_300, %get3A_1041 : vector<16xf32>
      %add3A_1043 = arith.addf %add3A_1036, %mul3A_1042 : vector<16xf32>
      %swap3A_1044 = arith.constant 352 : index
      %swap3A_1045 = tpu.vector_load %arg21[%swap3A_1044] {strides = array<i32>} : memref<384xf32, #tpu.memory_space<vmem>>, vector<16xf32>,
      %swap3A_1046 = vector.shape_cast %swap3A_1045 : vector<16xf32> to vector<16xf32>
      %swap3A_1047 = vector.shape_cast %add3A_1043 : vector<16xf32> to vector<16xf32>
      tpu.vector_store %arg21[%swap3A_1044], %swap3A_1047 {strides = array<i32>} : memref<384xf32, #tpu.memory_space<vmem>>, vector<16xf32>,
      %get3A_1048 = arith.constant 0 : i32
      %get3A_1049 = arith.index_cast %get3A_1048 : i32 to index
      %get3A_1050 = arith.constant 112 : index
      %get3A_1051 = tpu.vector_load %arg18[%get3A_1049, %get3A_1050] {strides = array<i32>} : memref<4x128xf32, #tpu.memory_space<vmem>>, vector<1x16xf32>,
      %get3A_1052 = vector.shape_cast %get3A_1051 : vector<1x16xf32> to vector<16xf32>
      %mul3A_1053 = arith.mulf %select_n3A, %get3A_1052 : vector<16xf32>
      %get3A_1054 = arith.constant 1 : i32
      %get3A_1055 = arith.index_cast %get3A_1054 : i32 to index
      %get3A_1056 = arith.constant 112 : index
      %get3A_1057 = tpu.vector_load %arg18[%get3A_1055, %get3A_1056] {strides = array<i32>} : memref<4x128xf32, #tpu.memory_space<vmem>>, vector<1x16xf32>,
      %get3A_1058 = vector.shape_cast %get3A_1057 : vector<1x16xf32> to vector<16xf32>
      %mul3A_1059 = arith.mulf %select_n3A_85, %get3A_1058 : vector<16xf32>
      %add3A_1060 = arith.addf %mul3A_1053, %mul3A_1059 : vector<16xf32>
      %get3A_1061 = arith.constant 2 : i32
      %get3A_1062 = arith.index_cast %get3A_1061 : i32 to index
      %get3A_1063 = arith.constant 112 : index
      %get3A_1064 = tpu.vector_load %arg18[%get3A_1062, %get3A_1063] {strides = array<i32>} : memref<4x128xf32, #tpu.memory_space<vmem>>, vector<1x16xf32>,
      %get3A_1065 = vector.shape_cast %get3A_1064 : vector<1x16xf32> to vector<16xf32>
      %mul3A_1066 = arith.mulf %select_n3A_89, %get3A_1065 : vector<16xf32>
      %add3A_1067 = arith.addf %add3A_1060, %mul3A_1066 : vector<16xf32>
      %get3A_1068 = arith.constant 3 : i32
      %get3A_1069 = arith.index_cast %get3A_1068 : i32 to index
      %get3A_1070 = arith.constant 112 : index
      %get3A_1071 = tpu.vector_load %arg18[%get3A_1069, %get3A_1070] {strides = array<i32>} : memref<4x128xf32, #tpu.memory_space<vmem>>, vector<1x16xf32>,
      %get3A_1072 = vector.shape_cast %get3A_1071 : vector<1x16xf32> to vector<16xf32>
      %mul3A_1073 = arith.mulf %select_n3A_93, %get3A_1072 : vector<16xf32>
      %add3A_1074 = arith.addf %add3A_1067, %mul3A_1073 : vector<16xf32>
      %swap3A_1075 = arith.constant 112 : index
      %swap3A_1076 = tpu.vector_load %arg21[%swap3A_1075] {strides = array<i32>} : memref<384xf32, #tpu.memory_space<vmem>>, vector<16xf32>,
      %swap3A_1077 = vector.shape_cast %swap3A_1076 : vector<16xf32> to vector<16xf32>
      %swap3A_1078 = vector.shape_cast %add3A_1074 : vector<16xf32> to vector<16xf32>
      tpu.vector_store %arg21[%swap3A_1075], %swap3A_1078 {strides = array<i32>} : memref<384xf32, #tpu.memory_space<vmem>>, vector<16xf32>,
      %get3A_1079 = arith.constant 0 : i32
      %get3A_1080 = arith.index_cast %get3A_1079 : i32 to index
      %get3A_1081 = arith.constant 112 : index
      %get3A_1082 = tpu.vector_load %arg19[%get3A_1080, %get3A_1081] {strides = array<i32>} : memref<2x128xf32, #tpu.memory_space<vmem>>, vector<1x16xf32>,
      %get3A_1083 = vector.shape_cast %get3A_1082 : vector<1x16xf32> to vector<16xf32>
      %mul3A_1084 = arith.mulf %select_n3A_97, %get3A_1083 : vector<16xf32>
      %get3A_1085 = arith.constant 1 : i32
      %get3A_1086 = arith.index_cast %get3A_1085 : i32 to index
      %get3A_1087 = arith.constant 112 : index
      %get3A_1088 = tpu.vector_load %arg19[%get3A_1086, %get3A_1087] {strides = array<i32>} : memref<2x128xf32, #tpu.memory_space<vmem>>, vector<1x16xf32>,
      %get3A_1089 = vector.shape_cast %get3A_1088 : vector<1x16xf32> to vector<16xf32>
      %mul3A_1090 = arith.mulf %select_n3A_101, %get3A_1089 : vector<16xf32>
      %add3A_1091 = arith.addf %mul3A_1084, %mul3A_1090 : vector<16xf32>
      %swap3A_1092 = arith.constant 240 : index
      %swap3A_1093 = tpu.vector_load %arg21[%swap3A_1092] {strides = array<i32>} : memref<384xf32, #tpu.memory_space<vmem>>, vector<16xf32>,
      %swap3A_1094 = vector.shape_cast %swap3A_1093 : vector<16xf32> to vector<16xf32>
      %swap3A_1095 = vector.shape_cast %add3A_1091 : vector<16xf32> to vector<16xf32>
      tpu.vector_store %arg21[%swap3A_1092], %swap3A_1095 {strides = array<i32>} : memref<384xf32, #tpu.memory_space<vmem>>, vector<16xf32>,
      %get3A_1096 = arith.constant 0 : i32
      %get3A_1097 = arith.index_cast %get3A_1096 : i32 to index
      %get3A_1098 = arith.constant 112 : index
      %get3A_1099 = tpu.vector_load %arg20[%get3A_1097, %get3A_1098] {strides = array<i32>} : memref<8x128xf32, #tpu.memory_space<vmem>>, vector<1x16xf32>,
      %get3A_1100 = vector.shape_cast %get3A_1099 : vector<1x16xf32> to vector<16xf32>
      %mul3A_1101 = arith.mulf %add3A_125, %get3A_1100 : vector<16xf32>
      %get3A_1102 = arith.constant 1 : i32
      %get3A_1103 = arith.index_cast %get3A_1102 : i32 to index
      %get3A_1104 = arith.constant 112 : index
      %get3A_1105 = tpu.vector_load %arg20[%get3A_1103, %get3A_1104] {strides = array<i32>} : memref<8x128xf32, #tpu.memory_space<vmem>>, vector<1x16xf32>,
      %get3A_1106 = vector.shape_cast %get3A_1105 : vector<1x16xf32> to vector<16xf32>
      %mul3A_1107 = arith.mulf %add3A_150, %get3A_1106 : vector<16xf32>
      %add3A_1108 = arith.addf %mul3A_1101, %mul3A_1107 : vector<16xf32>
      %get3A_1109 = arith.constant 2 : i32
      %get3A_1110 = arith.index_cast %get3A_1109 : i32 to index
      %get3A_1111 = arith.constant 112 : index
      %get3A_1112 = tpu.vector_load %arg20[%get3A_1110, %get3A_1111] {strides = array<i32>} : memref<8x128xf32, #tpu.memory_space<vmem>>, vector<1x16xf32>,
      %get3A_1113 = vector.shape_cast %get3A_1112 : vector<1x16xf32> to vector<16xf32>
      %mul3A_1114 = arith.mulf %add3A_175, %get3A_1113 : vector<16xf32>
      %add3A_1115 = arith.addf %add3A_1108, %mul3A_1114 : vector<16xf32>
      %get3A_1116 = arith.constant 3 : i32
      %get3A_1117 = arith.index_cast %get3A_1116 : i32 to index
      %get3A_1118 = arith.constant 112 : index
      %get3A_1119 = tpu.vector_load %arg20[%get3A_1117, %get3A_1118] {strides = array<i32>} : memref<8x128xf32, #tpu.memory_space<vmem>>, vector<1x16xf32>,
      %get3A_1120 = vector.shape_cast %get3A_1119 : vector<1x16xf32> to vector<16xf32>
      %mul3A_1121 = arith.mulf %add3A_200, %get3A_1120 : vector<16xf32>
      %add3A_1122 = arith.addf %add3A_1115, %mul3A_1121 : vector<16xf32>
      %get3A_1123 = arith.constant 4 : i32
      %get3A_1124 = arith.index_cast %get3A_1123 : i32 to index
      %get3A_1125 = arith.constant 112 : index
      %get3A_1126 = tpu.vector_load %arg20[%get3A_1124, %get3A_1125] {strides = array<i32>} : memref<8x128xf32, #tpu.memory_space<vmem>>, vector<1x16xf32>,
      %get3A_1127 = vector.shape_cast %get3A_1126 : vector<1x16xf32> to vector<16xf32>
      %mul3A_1128 = arith.mulf %add3A_225, %get3A_1127 : vector<16xf32>
      %add3A_1129 = arith.addf %add3A_1122, %mul3A_1128 : vector<16xf32>
      %get3A_1130 = arith.constant 5 : i32
      %get3A_1131 = arith.index_cast %get3A_1130 : i32 to index
      %get3A_1132 = arith.constant 112 : index
      %get3A_1133 = tpu.vector_load %arg20[%get3A_1131, %get3A_1132] {strides = array<i32>} : memref<8x128xf32, #tpu.memory_space<vmem>>, vector<1x16xf32>,
      %get3A_1134 = vector.shape_cast %get3A_1133 : vector<1x16xf32> to vector<16xf32>
      %mul3A_1135 = arith.mulf %add3A_250, %get3A_1134 : vector<16xf32>
      %add3A_1136 = arith.addf %add3A_1129, %mul3A_1135 : vector<16xf32>
      %get3A_1137 = arith.constant 6 : i32
      %get3A_1138 = arith.index_cast %get3A_1137 : i32 to index
      %get3A_1139 = arith.constant 112 : index
      %get3A_1140 = tpu.vector_load %arg20[%get3A_1138, %get3A_1139] {strides = array<i32>} : memref<8x128xf32, #tpu.memory_space<vmem>>, vector<1x16xf32>,
      %get3A_1141 = vector.shape_cast %get3A_1140 : vector<1x16xf32> to vector<16xf32>
      %mul3A_1142 = arith.mulf %add3A_275, %get3A_1141 : vector<16xf32>
      %add3A_1143 = arith.addf %add3A_1136, %mul3A_1142 : vector<16xf32>
      %get3A_1144 = arith.constant 7 : i32
      %get3A_1145 = arith.index_cast %get3A_1144 : i32 to index
      %get3A_1146 = arith.constant 112 : index
      %get3A_1147 = tpu.vector_load %arg20[%get3A_1145, %get3A_1146] {strides = array<i32>} : memref<8x128xf32, #tpu.memory_space<vmem>>, vector<1x16xf32>,
      %get3A_1148 = vector.shape_cast %get3A_1147 : vector<1x16xf32> to vector<16xf32>
      %mul3A_1149 = arith.mulf %add3A_300, %get3A_1148 : vector<16xf32>
      %add3A_1150 = arith.addf %add3A_1143, %mul3A_1149 : vector<16xf32>
      %swap3A_1151 = arith.constant 368 : index
      %swap3A_1152 = tpu.vector_load %arg21[%swap3A_1151] {strides = array<i32>} : memref<384xf32, #tpu.memory_space<vmem>>, vector<16xf32>,
      %swap3A_1153 = vector.shape_cast %swap3A_1152 : vector<16xf32> to vector<16xf32>
      %swap3A_1154 = vector.shape_cast %add3A_1150 : vector<16xf32> to vector<16xf32>
      tpu.vector_store %arg21[%swap3A_1151], %swap3A_1154 {strides = array<i32>} : memref<384xf32, #tpu.memory_space<vmem>>, vector<16xf32>,
      %dma_start3A_1155 = arith.constant 0 : i32
      %dma_start3A_1156 = tpu.memref_slice %arg11[%dma_start3A_1155] : memref<400xf32, #tpu.memory_space<hbm>> -> memref<384xf32, #tpu.memory_space<hbm>>
      %dma_start3A_1157 = arith.constant 0 : i32
      %dma_start3A_1158 = tpu.memref_slice %arg11[%dma_start3A_1157] : memref<400xf32, #tpu.memory_space<hbm>> -> memref<384xf32, #tpu.memory_space<hbm>>
      tpu.enqueue_dma source(%arg21 : memref<384xf32, #tpu.memory_space<vmem>>) target(%dma_start3A_1158 : memref<384xf32, #tpu.memory_space<hbm>>) target_semaphore(%arg26 : memref<!tpu.dma_semaphore, #tpu.memory_space<semaphore_mem>>)
      %dma_wait3A_1159 = arith.constant 0 : i32
      %dma_wait3A_1160 = tpu.memref_slice %arg11[%dma_wait3A_1159] : memref<400xf32, #tpu.memory_space<hbm>> -> memref<384xf32, #tpu.memory_space<hbm>>
      %dma_wait3A_1161 = arith.constant 0 : i32
      %dma_wait3A_1162 = tpu.memref_slice %arg11[%dma_wait3A_1161] : memref<400xf32, #tpu.memory_space<hbm>> -> memref<384xf32, #tpu.memory_space<hbm>>
      tpu.wait_dma2 semaphore(%arg26 : memref<!tpu.dma_semaphore, #tpu.memory_space<semaphore_mem>>) src(%arg21 : memref<384xf32, #tpu.memory_space<vmem>>) dst(%dma_wait3A_1162 : memref<384xf32, #tpu.memory_space<hbm>>)
    } else {
    }
    %eq3A_5 = arith.constant 1 : i32
    %eq3A_6 = arith.cmpi eq, %arg1, %eq3A_5 : i32
    %and3A_7 = arith.andi %eq3A_0, %eq3A_6 : i1
    %convert_element_type3A_8 = arith.extui %and3A_7 : i1 to i32
    %cond3A_9 = arith.constant 0 : i32
    %cond3A_10 = arith.cmpi ne, %convert_element_type3A_8, %cond3A_9 : i32
    scf.if %cond3A_10 {
      tpu.enqueue_dma source(%arg5 : memref<22xf32, #tpu.memory_space<hbm>>) target(%arg15 : memref<22xf32, #tpu.memory_space<vmem>>) target_semaphore(%arg24 : memref<!tpu.dma_semaphore, #tpu.memory_space<semaphore_mem>>)
      tpu.enqueue_dma source(%arg9 : memref<16x22xf32, #tpu.memory_space<hbm>>) target(%arg16 : memref<16x22xf32, #tpu.memory_space<vmem>>) target_semaphore(%arg24 : memref<!tpu.dma_semaphore, #tpu.memory_space<semaphore_mem>>)
      tpu.enqueue_dma source(%arg10 : memref<16xf32, #tpu.memory_space<hbm>>) target(%arg17 : memref<16xf32, #tpu.memory_space<vmem>>) target_semaphore(%arg24 : memref<!tpu.dma_semaphore, #tpu.memory_space<semaphore_mem>>)
      tpu.wait_dma2 semaphore(%arg24 : memref<!tpu.dma_semaphore, #tpu.memory_space<semaphore_mem>>) src(%arg5 : memref<22xf32, #tpu.memory_space<hbm>>) dst(%arg15 : memref<22xf32, #tpu.memory_space<vmem>>)
      tpu.wait_dma2 semaphore(%arg24 : memref<!tpu.dma_semaphore, #tpu.memory_space<semaphore_mem>>) src(%arg9 : memref<16x22xf32, #tpu.memory_space<hbm>>) dst(%arg16 : memref<16x22xf32, #tpu.memory_space<vmem>>)
      tpu.wait_dma2 semaphore(%arg24 : memref<!tpu.dma_semaphore, #tpu.memory_space<semaphore_mem>>) src(%arg10 : memref<16xf32, #tpu.memory_space<hbm>>) dst(%arg17 : memref<16xf32, #tpu.memory_space<vmem>>)
      %get3A = arith.constant 0 : index
      %get3A_11 = tpu.vector_load %arg15[%get3A] {strides = array<i32>} : memref<22xf32, #tpu.memory_space<vmem>>, vector<16xf32>,
      %get3A_12 = vector.shape_cast %get3A_11 : vector<16xf32> to vector<16xf32>
      %get3A_13 = arith.constant 6 : index
      %get3A_14 = tpu.vector_load %arg15[%get3A_13] {strides = array<i32>} : memref<22xf32, #tpu.memory_space<vmem>>, vector<16xf32>,
      %get3A_15 = vector.shape_cast %get3A_14 : vector<16xf32> to vector<16xf32>
      %get3A_16 = arith.constant 0 : index
      %get3A_17 = tpu.vector_load %arg17[%get3A_16] {strides = array<i32>} : memref<16xf32, #tpu.memory_space<vmem>>, vector<16xf32>,
      %get3A_18 = vector.shape_cast %get3A_17 : vector<16xf32> to vector<16xf32>
      %get3A_19 = arith.constant 0 : i32
      %get3A_20 = arith.index_cast %get3A_19 : i32 to index
      %get3A_21 = arith.constant 0 : index
      %get3A_22 = tpu.vector_load %arg16[%get3A_20, %get3A_21] {strides = array<i32>} : memref<16x22xf32, #tpu.memory_space<vmem>>, vector<1x16xf32>,
      %get3A_23 = vector.shape_cast %get3A_22 : vector<1x16xf32> to vector<16xf32>
      %mul3A = arith.mulf %get3A_23, %get3A_12 : vector<16xf32>
      %lt3A = arith.constant 10 : i32
      %lt3A_24 = vector.broadcast %lt3A : i32 to vector<16xi32>
      %lt3A_25 = arith.cmpi slt, %iota3A, %lt3A_24 : vector<16xi32>
      %get3A_26 = arith.constant 0 : i32
      %get3A_27 = arith.index_cast %get3A_26 : i32 to index
      %get3A_28 = arith.constant 6 : index
      %get3A_29 = tpu.vector_load %arg16[%get3A_27, %get3A_28] {strides = array<i32>} : memref<16x22xf32, #tpu.memory_space<vmem>>, vector<1x16xf32>,
      %get3A_30 = vector.shape_cast %get3A_29 : vector<1x16xf32> to vector<16xf32>
      %mul3A_31 = arith.mulf %get3A_30, %get3A_15 : vector<16xf32>
      %select_n3A = arith.select %lt3A_25, %broadcast_in_dim3A_1, %mul3A_31 : vector<16xi1>, vector<16xf32>
      %add3A = arith.addf %mul3A, %select_n3A : vector<16xf32>
      %xor3A = arith.constant 8 : i32
      %xor3A_32 = vector.broadcast %xor3A : i32 to vector<16xi32>
      %xor3A_33 = arith.xori %iota3A, %xor3A_32 : vector<16xi32>
      %broadcast_in_dim3A_34 = vector.shape_cast %xor3A_33 : vector<16xi32> to vector<16x1xi32>
      %gather3A = vector.shape_cast %broadcast_in_dim3A_34 : vector<16x1xi32> to vector<16xi32>
      %gather3A_35 = tpu.dynamic_gather %add3A[%gather3A] in [0] : vector<16xf32>, vector<16xi32> -> vector<16xf32>
      %add3A_36 = arith.addf %add3A, %gather3A_35 : vector<16xf32>
      %xor3A_37 = arith.constant 4 : i32
      %xor3A_38 = vector.broadcast %xor3A_37 : i32 to vector<16xi32>
      %xor3A_39 = arith.xori %iota3A, %xor3A_38 : vector<16xi32>
      %broadcast_in_dim3A_40 = vector.shape_cast %xor3A_39 : vector<16xi32> to vector<16x1xi32>
      %gather3A_41 = vector.shape_cast %broadcast_in_dim3A_40 : vector<16x1xi32> to vector<16xi32>
      %gather3A_42 = tpu.dynamic_gather %add3A_36[%gather3A_41] in [0] : vector<16xf32>, vector<16xi32> -> vector<16xf32>
      %add3A_43 = arith.addf %add3A_36, %gather3A_42 : vector<16xf32>
      %xor3A_44 = arith.constant 2 : i32
      %xor3A_45 = vector.broadcast %xor3A_44 : i32 to vector<16xi32>
      %xor3A_46 = arith.xori %iota3A, %xor3A_45 : vector<16xi32>
      %broadcast_in_dim3A_47 = vector.shape_cast %xor3A_46 : vector<16xi32> to vector<16x1xi32>
      %gather3A_48 = vector.shape_cast %broadcast_in_dim3A_47 : vector<16x1xi32> to vector<16xi32>
      %gather3A_49 = tpu.dynamic_gather %add3A_43[%gather3A_48] in [0] : vector<16xf32>, vector<16xi32> -> vector<16xf32>
      %add3A_50 = arith.addf %add3A_43, %gather3A_49 : vector<16xf32>
      %xor3A_51 = arith.constant 1 : i32
      %xor3A_52 = vector.broadcast %xor3A_51 : i32 to vector<16xi32>
      %xor3A_53 = arith.xori %iota3A, %xor3A_52 : vector<16xi32>
      %broadcast_in_dim3A_54 = vector.shape_cast %xor3A_53 : vector<16xi32> to vector<16x1xi32>
      %gather3A_55 = vector.shape_cast %broadcast_in_dim3A_54 : vector<16x1xi32> to vector<16xi32>
      %gather3A_56 = tpu.dynamic_gather %add3A_50[%gather3A_55] in [0] : vector<16xf32>, vector<16xi32> -> vector<16xf32>
      %add3A_57 = arith.addf %add3A_50, %gather3A_56 : vector<16xf32>
      %eq3A_58 = arith.constant 0 : i32
      %eq3A_59 = vector.broadcast %eq3A_58 : i32 to vector<16xi32>
      %eq3A_60 = arith.cmpi eq, %iota3A, %eq3A_59 : vector<16xi32>
      %select_n3A_61 = arith.select %eq3A_60, %add3A_57, %broadcast_in_dim3A_1 : vector<16xi1>, vector<16xf32>
      %add3A_62 = arith.addf %get3A_18, %select_n3A_61 : vector<16xf32>
      %get3A_63 = arith.constant 1 : i32
      %get3A_64 = arith.index_cast %get3A_63 : i32 to index
      %get3A_65 = arith.constant 0 : index
      %get3A_66 = tpu.vector_load %arg16[%get3A_64, %get3A_65] {strides = array<i32>} : memref<16x22xf32, #tpu.memory_space<vmem>>, vector<1x16xf32>,
      %get3A_67 = vector.shape_cast %get3A_66 : vector<1x16xf32> to vector<16xf32>
      %mul3A_68 = arith.mulf %get3A_67, %get3A_12 : vector<16xf32>
      %lt3A_69 = arith.constant 10 : i32
      %lt3A_70 = vector.broadcast %lt3A_69 : i32 to vector<16xi32>
      %lt3A_71 = arith.cmpi slt, %iota3A, %lt3A_70 : vector<16xi32>
      %get3A_72 = arith.constant 1 : i32
      %get3A_73 = arith.index_cast %get3A_72 : i32 to index
      %get3A_74 = arith.constant 6 : index
      %get3A_75 = tpu.vector_load %arg16[%get3A_73, %get3A_74] {strides = array<i32>} : memref<16x22xf32, #tpu.memory_space<vmem>>, vector<1x16xf32>,
      %get3A_76 = vector.shape_cast %get3A_75 : vector<1x16xf32> to vector<16xf32>
      %mul3A_77 = arith.mulf %get3A_76, %get3A_15 : vector<16xf32>
      %select_n3A_78 = arith.select %lt3A_71, %broadcast_in_dim3A_1, %mul3A_77 : vector<16xi1>, vector<16xf32>
      %add3A_79 = arith.addf %mul3A_68, %select_n3A_78 : vector<16xf32>
      %xor3A_80 = arith.constant 8 : i32
      %xor3A_81 = vector.broadcast %xor3A_80 : i32 to vector<16xi32>
      %xor3A_82 = arith.xori %iota3A, %xor3A_81 : vector<16xi32>
      %broadcast_in_dim3A_83 = vector.shape_cast %xor3A_82 : vector<16xi32> to vector<16x1xi32>
      %gather3A_84 = vector.shape_cast %broadcast_in_dim3A_83 : vector<16x1xi32> to vector<16xi32>
      %gather3A_85 = tpu.dynamic_gather %add3A_79[%gather3A_84] in [0] : vector<16xf32>, vector<16xi32> -> vector<16xf32>
      %add3A_86 = arith.addf %add3A_79, %gather3A_85 : vector<16xf32>
      %xor3A_87 = arith.constant 4 : i32
      %xor3A_88 = vector.broadcast %xor3A_87 : i32 to vector<16xi32>
      %xor3A_89 = arith.xori %iota3A, %xor3A_88 : vector<16xi32>
      %broadcast_in_dim3A_90 = vector.shape_cast %xor3A_89 : vector<16xi32> to vector<16x1xi32>
      %gather3A_91 = vector.shape_cast %broadcast_in_dim3A_90 : vector<16x1xi32> to vector<16xi32>
      %gather3A_92 = tpu.dynamic_gather %add3A_86[%gather3A_91] in [0] : vector<16xf32>, vector<16xi32> -> vector<16xf32>
      %add3A_93 = arith.addf %add3A_86, %gather3A_92 : vector<16xf32>
      %xor3A_94 = arith.constant 2 : i32
      %xor3A_95 = vector.broadcast %xor3A_94 : i32 to vector<16xi32>
      %xor3A_96 = arith.xori %iota3A, %xor3A_95 : vector<16xi32>
      %broadcast_in_dim3A_97 = vector.shape_cast %xor3A_96 : vector<16xi32> to vector<16x1xi32>
      %gather3A_98 = vector.shape_cast %broadcast_in_dim3A_97 : vector<16x1xi32> to vector<16xi32>
      %gather3A_99 = tpu.dynamic_gather %add3A_93[%gather3A_98] in [0] : vector<16xf32>, vector<16xi32> -> vector<16xf32>
      %add3A_100 = arith.addf %add3A_93, %gather3A_99 : vector<16xf32>
      %xor3A_101 = arith.constant 1 : i32
      %xor3A_102 = vector.broadcast %xor3A_101 : i32 to vector<16xi32>
      %xor3A_103 = arith.xori %iota3A, %xor3A_102 : vector<16xi32>
      %broadcast_in_dim3A_104 = vector.shape_cast %xor3A_103 : vector<16xi32> to vector<16x1xi32>
      %gather3A_105 = vector.shape_cast %broadcast_in_dim3A_104 : vector<16x1xi32> to vector<16xi32>
      %gather3A_106 = tpu.dynamic_gather %add3A_100[%gather3A_105] in [0] : vector<16xf32>, vector<16xi32> -> vector<16xf32>
      %add3A_107 = arith.addf %add3A_100, %gather3A_106 : vector<16xf32>
      %eq3A_108 = arith.constant 1 : i32
      %eq3A_109 = vector.broadcast %eq3A_108 : i32 to vector<16xi32>
      %eq3A_110 = arith.cmpi eq, %iota3A, %eq3A_109 : vector<16xi32>
      %select_n3A_111 = arith.select %eq3A_110, %add3A_107, %broadcast_in_dim3A_1 : vector<16xi1>, vector<16xf32>
      %add3A_112 = arith.addf %add3A_62, %select_n3A_111 : vector<16xf32>
      %get3A_113 = arith.constant 2 : i32
      %get3A_114 = arith.index_cast %get3A_113 : i32 to index
      %get3A_115 = arith.constant 0 : index
      %get3A_116 = tpu.vector_load %arg16[%get3A_114, %get3A_115] {strides = array<i32>} : memref<16x22xf32, #tpu.memory_space<vmem>>, vector<1x16xf32>,
      %get3A_117 = vector.shape_cast %get3A_116 : vector<1x16xf32> to vector<16xf32>
      %mul3A_118 = arith.mulf %get3A_117, %get3A_12 : vector<16xf32>
      %lt3A_119 = arith.constant 10 : i32
      %lt3A_120 = vector.broadcast %lt3A_119 : i32 to vector<16xi32>
      %lt3A_121 = arith.cmpi slt, %iota3A, %lt3A_120 : vector<16xi32>
      %get3A_122 = arith.constant 2 : i32
      %get3A_123 = arith.index_cast %get3A_122 : i32 to index
      %get3A_124 = arith.constant 6 : index
      %get3A_125 = tpu.vector_load %arg16[%get3A_123, %get3A_124] {strides = array<i32>} : memref<16x22xf32, #tpu.memory_space<vmem>>, vector<1x16xf32>,
      %get3A_126 = vector.shape_cast %get3A_125 : vector<1x16xf32> to vector<16xf32>
      %mul3A_127 = arith.mulf %get3A_126, %get3A_15 : vector<16xf32>
      %select_n3A_128 = arith.select %lt3A_121, %broadcast_in_dim3A_1, %mul3A_127 : vector<16xi1>, vector<16xf32>
      %add3A_129 = arith.addf %mul3A_118, %select_n3A_128 : vector<16xf32>
      %xor3A_130 = arith.constant 8 : i32
      %xor3A_131 = vector.broadcast %xor3A_130 : i32 to vector<16xi32>
      %xor3A_132 = arith.xori %iota3A, %xor3A_131 : vector<16xi32>
      %broadcast_in_dim3A_133 = vector.shape_cast %xor3A_132 : vector<16xi32> to vector<16x1xi32>
      %gather3A_134 = vector.shape_cast %broadcast_in_dim3A_133 : vector<16x1xi32> to vector<16xi32>
      %gather3A_135 = tpu.dynamic_gather %add3A_129[%gather3A_134] in [0] : vector<16xf32>, vector<16xi32> -> vector<16xf32>
      %add3A_136 = arith.addf %add3A_129, %gather3A_135 : vector<16xf32>
      %xor3A_137 = arith.constant 4 : i32
      %xor3A_138 = vector.broadcast %xor3A_137 : i32 to vector<16xi32>
      %xor3A_139 = arith.xori %iota3A, %xor3A_138 : vector<16xi32>
      %broadcast_in_dim3A_140 = vector.shape_cast %xor3A_139 : vector<16xi32> to vector<16x1xi32>
      %gather3A_141 = vector.shape_cast %broadcast_in_dim3A_140 : vector<16x1xi32> to vector<16xi32>
      %gather3A_142 = tpu.dynamic_gather %add3A_136[%gather3A_141] in [0] : vector<16xf32>, vector<16xi32> -> vector<16xf32>
      %add3A_143 = arith.addf %add3A_136, %gather3A_142 : vector<16xf32>
      %xor3A_144 = arith.constant 2 : i32
      %xor3A_145 = vector.broadcast %xor3A_144 : i32 to vector<16xi32>
      %xor3A_146 = arith.xori %iota3A, %xor3A_145 : vector<16xi32>
      %broadcast_in_dim3A_147 = vector.shape_cast %xor3A_146 : vector<16xi32> to vector<16x1xi32>
      %gather3A_148 = vector.shape_cast %broadcast_in_dim3A_147 : vector<16x1xi32> to vector<16xi32>
      %gather3A_149 = tpu.dynamic_gather %add3A_143[%gather3A_148] in [0] : vector<16xf32>, vector<16xi32> -> vector<16xf32>
      %add3A_150 = arith.addf %add3A_143, %gather3A_149 : vector<16xf32>
      %xor3A_151 = arith.constant 1 : i32
      %xor3A_152 = vector.broadcast %xor3A_151 : i32 to vector<16xi32>
      %xor3A_153 = arith.xori %iota3A, %xor3A_152 : vector<16xi32>
      %broadcast_in_dim3A_154 = vector.shape_cast %xor3A_153 : vector<16xi32> to vector<16x1xi32>
      %gather3A_155 = vector.shape_cast %broadcast_in_dim3A_154 : vector<16x1xi32> to vector<16xi32>
      %gather3A_156 = tpu.dynamic_gather %add3A_150[%gather3A_155] in [0] : vector<16xf32>, vector<16xi32> -> vector<16xf32>
      %add3A_157 = arith.addf %add3A_150, %gather3A_156 : vector<16xf32>
      %eq3A_158 = arith.constant 2 : i32
      %eq3A_159 = vector.broadcast %eq3A_158 : i32 to vector<16xi32>
      %eq3A_160 = arith.cmpi eq, %iota3A, %eq3A_159 : vector<16xi32>
      %select_n3A_161 = arith.select %eq3A_160, %add3A_157, %broadcast_in_dim3A_1 : vector<16xi1>, vector<16xf32>
      %add3A_162 = arith.addf %add3A_112, %select_n3A_161 : vector<16xf32>
      %get3A_163 = arith.constant 3 : i32
      %get3A_164 = arith.index_cast %get3A_163 : i32 to index
      %get3A_165 = arith.constant 0 : index
      %get3A_166 = tpu.vector_load %arg16[%get3A_164, %get3A_165] {strides = array<i32>} : memref<16x22xf32, #tpu.memory_space<vmem>>, vector<1x16xf32>,
      %get3A_167 = vector.shape_cast %get3A_166 : vector<1x16xf32> to vector<16xf32>
      %mul3A_168 = arith.mulf %get3A_167, %get3A_12 : vector<16xf32>
      %lt3A_169 = arith.constant 10 : i32
      %lt3A_170 = vector.broadcast %lt3A_169 : i32 to vector<16xi32>
      %lt3A_171 = arith.cmpi slt, %iota3A, %lt3A_170 : vector<16xi32>
      %get3A_172 = arith.constant 3 : i32
      %get3A_173 = arith.index_cast %get3A_172 : i32 to index
      %get3A_174 = arith.constant 6 : index
      %get3A_175 = tpu.vector_load %arg16[%get3A_173, %get3A_174] {strides = array<i32>} : memref<16x22xf32, #tpu.memory_space<vmem>>, vector<1x16xf32>,
      %get3A_176 = vector.shape_cast %get3A_175 : vector<1x16xf32> to vector<16xf32>
      %mul3A_177 = arith.mulf %get3A_176, %get3A_15 : vector<16xf32>
      %select_n3A_178 = arith.select %lt3A_171, %broadcast_in_dim3A_1, %mul3A_177 : vector<16xi1>, vector<16xf32>
      %add3A_179 = arith.addf %mul3A_168, %select_n3A_178 : vector<16xf32>
      %xor3A_180 = arith.constant 8 : i32
      %xor3A_181 = vector.broadcast %xor3A_180 : i32 to vector<16xi32>
      %xor3A_182 = arith.xori %iota3A, %xor3A_181 : vector<16xi32>
      %broadcast_in_dim3A_183 = vector.shape_cast %xor3A_182 : vector<16xi32> to vector<16x1xi32>
      %gather3A_184 = vector.shape_cast %broadcast_in_dim3A_183 : vector<16x1xi32> to vector<16xi32>
      %gather3A_185 = tpu.dynamic_gather %add3A_179[%gather3A_184] in [0] : vector<16xf32>, vector<16xi32> -> vector<16xf32>
      %add3A_186 = arith.addf %add3A_179, %gather3A_185 : vector<16xf32>
      %xor3A_187 = arith.constant 4 : i32
      %xor3A_188 = vector.broadcast %xor3A_187 : i32 to vector<16xi32>
      %xor3A_189 = arith.xori %iota3A, %xor3A_188 : vector<16xi32>
      %broadcast_in_dim3A_190 = vector.shape_cast %xor3A_189 : vector<16xi32> to vector<16x1xi32>
      %gather3A_191 = vector.shape_cast %broadcast_in_dim3A_190 : vector<16x1xi32> to vector<16xi32>
      %gather3A_192 = tpu.dynamic_gather %add3A_186[%gather3A_191] in [0] : vector<16xf32>, vector<16xi32> -> vector<16xf32>
      %add3A_193 = arith.addf %add3A_186, %gather3A_192 : vector<16xf32>
      %xor3A_194 = arith.constant 2 : i32
      %xor3A_195 = vector.broadcast %xor3A_194 : i32 to vector<16xi32>
      %xor3A_196 = arith.xori %iota3A, %xor3A_195 : vector<16xi32>
      %broadcast_in_dim3A_197 = vector.shape_cast %xor3A_196 : vector<16xi32> to vector<16x1xi32>
      %gather3A_198 = vector.shape_cast %broadcast_in_dim3A_197 : vector<16x1xi32> to vector<16xi32>
      %gather3A_199 = tpu.dynamic_gather %add3A_193[%gather3A_198] in [0] : vector<16xf32>, vector<16xi32> -> vector<16xf32>
      %add3A_200 = arith.addf %add3A_193, %gather3A_199 : vector<16xf32>
      %xor3A_201 = arith.constant 1 : i32
      %xor3A_202 = vector.broadcast %xor3A_201 : i32 to vector<16xi32>
      %xor3A_203 = arith.xori %iota3A, %xor3A_202 : vector<16xi32>
      %broadcast_in_dim3A_204 = vector.shape_cast %xor3A_203 : vector<16xi32> to vector<16x1xi32>
      %gather3A_205 = vector.shape_cast %broadcast_in_dim3A_204 : vector<16x1xi32> to vector<16xi32>
      %gather3A_206 = tpu.dynamic_gather %add3A_200[%gather3A_205] in [0] : vector<16xf32>, vector<16xi32> -> vector<16xf32>
      %add3A_207 = arith.addf %add3A_200, %gather3A_206 : vector<16xf32>
      %eq3A_208 = arith.constant 3 : i32
      %eq3A_209 = vector.broadcast %eq3A_208 : i32 to vector<16xi32>
      %eq3A_210 = arith.cmpi eq, %iota3A, %eq3A_209 : vector<16xi32>
      %select_n3A_211 = arith.select %eq3A_210, %add3A_207, %broadcast_in_dim3A_1 : vector<16xi1>, vector<16xf32>
      %add3A_212 = arith.addf %add3A_162, %select_n3A_211 : vector<16xf32>
      %get3A_213 = arith.constant 4 : i32
      %get3A_214 = arith.index_cast %get3A_213 : i32 to index
      %get3A_215 = arith.constant 0 : index
      %get3A_216 = tpu.vector_load %arg16[%get3A_214, %get3A_215] {strides = array<i32>} : memref<16x22xf32, #tpu.memory_space<vmem>>, vector<1x16xf32>,
      %get3A_217 = vector.shape_cast %get3A_216 : vector<1x16xf32> to vector<16xf32>
      %mul3A_218 = arith.mulf %get3A_217, %get3A_12 : vector<16xf32>
      %lt3A_219 = arith.constant 10 : i32
      %lt3A_220 = vector.broadcast %lt3A_219 : i32 to vector<16xi32>
      %lt3A_221 = arith.cmpi slt, %iota3A, %lt3A_220 : vector<16xi32>
      %get3A_222 = arith.constant 4 : i32
      %get3A_223 = arith.index_cast %get3A_222 : i32 to index
      %get3A_224 = arith.constant 6 : index
      %get3A_225 = tpu.vector_load %arg16[%get3A_223, %get3A_224] {strides = array<i32>} : memref<16x22xf32, #tpu.memory_space<vmem>>, vector<1x16xf32>,
      %get3A_226 = vector.shape_cast %get3A_225 : vector<1x16xf32> to vector<16xf32>
      %mul3A_227 = arith.mulf %get3A_226, %get3A_15 : vector<16xf32>
      %select_n3A_228 = arith.select %lt3A_221, %broadcast_in_dim3A_1, %mul3A_227 : vector<16xi1>, vector<16xf32>
      %add3A_229 = arith.addf %mul3A_218, %select_n3A_228 : vector<16xf32>
      %xor3A_230 = arith.constant 8 : i32
      %xor3A_231 = vector.broadcast %xor3A_230 : i32 to vector<16xi32>
      %xor3A_232 = arith.xori %iota3A, %xor3A_231 : vector<16xi32>
      %broadcast_in_dim3A_233 = vector.shape_cast %xor3A_232 : vector<16xi32> to vector<16x1xi32>
      %gather3A_234 = vector.shape_cast %broadcast_in_dim3A_233 : vector<16x1xi32> to vector<16xi32>
      %gather3A_235 = tpu.dynamic_gather %add3A_229[%gather3A_234] in [0] : vector<16xf32>, vector<16xi32> -> vector<16xf32>
      %add3A_236 = arith.addf %add3A_229, %gather3A_235 : vector<16xf32>
      %xor3A_237 = arith.constant 4 : i32
      %xor3A_238 = vector.broadcast %xor3A_237 : i32 to vector<16xi32>
      %xor3A_239 = arith.xori %iota3A, %xor3A_238 : vector<16xi32>
      %broadcast_in_dim3A_240 = vector.shape_cast %xor3A_239 : vector<16xi32> to vector<16x1xi32>
      %gather3A_241 = vector.shape_cast %broadcast_in_dim3A_240 : vector<16x1xi32> to vector<16xi32>
      %gather3A_242 = tpu.dynamic_gather %add3A_236[%gather3A_241] in [0] : vector<16xf32>, vector<16xi32> -> vector<16xf32>
      %add3A_243 = arith.addf %add3A_236, %gather3A_242 : vector<16xf32>
      %xor3A_244 = arith.constant 2 : i32
      %xor3A_245 = vector.broadcast %xor3A_244 : i32 to vector<16xi32>
      %xor3A_246 = arith.xori %iota3A, %xor3A_245 : vector<16xi32>
      %broadcast_in_dim3A_247 = vector.shape_cast %xor3A_246 : vector<16xi32> to vector<16x1xi32>
      %gather3A_248 = vector.shape_cast %broadcast_in_dim3A_247 : vector<16x1xi32> to vector<16xi32>
      %gather3A_249 = tpu.dynamic_gather %add3A_243[%gather3A_248] in [0] : vector<16xf32>, vector<16xi32> -> vector<16xf32>
      %add3A_250 = arith.addf %add3A_243, %gather3A_249 : vector<16xf32>
      %xor3A_251 = arith.constant 1 : i32
      %xor3A_252 = vector.broadcast %xor3A_251 : i32 to vector<16xi32>
      %xor3A_253 = arith.xori %iota3A, %xor3A_252 : vector<16xi32>
      %broadcast_in_dim3A_254 = vector.shape_cast %xor3A_253 : vector<16xi32> to vector<16x1xi32>
      %gather3A_255 = vector.shape_cast %broadcast_in_dim3A_254 : vector<16x1xi32> to vector<16xi32>
      %gather3A_256 = tpu.dynamic_gather %add3A_250[%gather3A_255] in [0] : vector<16xf32>, vector<16xi32> -> vector<16xf32>
      %add3A_257 = arith.addf %add3A_250, %gather3A_256 : vector<16xf32>
      %eq3A_258 = arith.constant 4 : i32
      %eq3A_259 = vector.broadcast %eq3A_258 : i32 to vector<16xi32>
      %eq3A_260 = arith.cmpi eq, %iota3A, %eq3A_259 : vector<16xi32>
      %select_n3A_261 = arith.select %eq3A_260, %add3A_257, %broadcast_in_dim3A_1 : vector<16xi1>, vector<16xf32>
      %add3A_262 = arith.addf %add3A_212, %select_n3A_261 : vector<16xf32>
      %get3A_263 = arith.constant 5 : i32
      %get3A_264 = arith.index_cast %get3A_263 : i32 to index
      %get3A_265 = arith.constant 0 : index
      %get3A_266 = tpu.vector_load %arg16[%get3A_264, %get3A_265] {strides = array<i32>} : memref<16x22xf32, #tpu.memory_space<vmem>>, vector<1x16xf32>,
      %get3A_267 = vector.shape_cast %get3A_266 : vector<1x16xf32> to vector<16xf32>
      %mul3A_268 = arith.mulf %get3A_267, %get3A_12 : vector<16xf32>
      %lt3A_269 = arith.constant 10 : i32
      %lt3A_270 = vector.broadcast %lt3A_269 : i32 to vector<16xi32>
      %lt3A_271 = arith.cmpi slt, %iota3A, %lt3A_270 : vector<16xi32>
      %get3A_272 = arith.constant 5 : i32
      %get3A_273 = arith.index_cast %get3A_272 : i32 to index
      %get3A_274 = arith.constant 6 : index
      %get3A_275 = tpu.vector_load %arg16[%get3A_273, %get3A_274] {strides = array<i32>} : memref<16x22xf32, #tpu.memory_space<vmem>>, vector<1x16xf32>,
      %get3A_276 = vector.shape_cast %get3A_275 : vector<1x16xf32> to vector<16xf32>
      %mul3A_277 = arith.mulf %get3A_276, %get3A_15 : vector<16xf32>
      %select_n3A_278 = arith.select %lt3A_271, %broadcast_in_dim3A_1, %mul3A_277 : vector<16xi1>, vector<16xf32>
      %add3A_279 = arith.addf %mul3A_268, %select_n3A_278 : vector<16xf32>
      %xor3A_280 = arith.constant 8 : i32
      %xor3A_281 = vector.broadcast %xor3A_280 : i32 to vector<16xi32>
      %xor3A_282 = arith.xori %iota3A, %xor3A_281 : vector<16xi32>
      %broadcast_in_dim3A_283 = vector.shape_cast %xor3A_282 : vector<16xi32> to vector<16x1xi32>
      %gather3A_284 = vector.shape_cast %broadcast_in_dim3A_283 : vector<16x1xi32> to vector<16xi32>
      %gather3A_285 = tpu.dynamic_gather %add3A_279[%gather3A_284] in [0] : vector<16xf32>, vector<16xi32> -> vector<16xf32>
      %add3A_286 = arith.addf %add3A_279, %gather3A_285 : vector<16xf32>
      %xor3A_287 = arith.constant 4 : i32
      %xor3A_288 = vector.broadcast %xor3A_287 : i32 to vector<16xi32>
      %xor3A_289 = arith.xori %iota3A, %xor3A_288 : vector<16xi32>
      %broadcast_in_dim3A_290 = vector.shape_cast %xor3A_289 : vector<16xi32> to vector<16x1xi32>
      %gather3A_291 = vector.shape_cast %broadcast_in_dim3A_290 : vector<16x1xi32> to vector<16xi32>
      %gather3A_292 = tpu.dynamic_gather %add3A_286[%gather3A_291] in [0] : vector<16xf32>, vector<16xi32> -> vector<16xf32>
      %add3A_293 = arith.addf %add3A_286, %gather3A_292 : vector<16xf32>
      %xor3A_294 = arith.constant 2 : i32
      %xor3A_295 = vector.broadcast %xor3A_294 : i32 to vector<16xi32>
      %xor3A_296 = arith.xori %iota3A, %xor3A_295 : vector<16xi32>
      %broadcast_in_dim3A_297 = vector.shape_cast %xor3A_296 : vector<16xi32> to vector<16x1xi32>
      %gather3A_298 = vector.shape_cast %broadcast_in_dim3A_297 : vector<16x1xi32> to vector<16xi32>
      %gather3A_299 = tpu.dynamic_gather %add3A_293[%gather3A_298] in [0] : vector<16xf32>, vector<16xi32> -> vector<16xf32>
      %add3A_300 = arith.addf %add3A_293, %gather3A_299 : vector<16xf32>
      %xor3A_301 = arith.constant 1 : i32
      %xor3A_302 = vector.broadcast %xor3A_301 : i32 to vector<16xi32>
      %xor3A_303 = arith.xori %iota3A, %xor3A_302 : vector<16xi32>
      %broadcast_in_dim3A_304 = vector.shape_cast %xor3A_303 : vector<16xi32> to vector<16x1xi32>
      %gather3A_305 = vector.shape_cast %broadcast_in_dim3A_304 : vector<16x1xi32> to vector<16xi32>
      %gather3A_306 = tpu.dynamic_gather %add3A_300[%gather3A_305] in [0] : vector<16xf32>, vector<16xi32> -> vector<16xf32>
      %add3A_307 = arith.addf %add3A_300, %gather3A_306 : vector<16xf32>
      %eq3A_308 = arith.constant 5 : i32
      %eq3A_309 = vector.broadcast %eq3A_308 : i32 to vector<16xi32>
      %eq3A_310 = arith.cmpi eq, %iota3A, %eq3A_309 : vector<16xi32>
      %select_n3A_311 = arith.select %eq3A_310, %add3A_307, %broadcast_in_dim3A_1 : vector<16xi1>, vector<16xf32>
      %add3A_312 = arith.addf %add3A_262, %select_n3A_311 : vector<16xf32>
      %get3A_313 = arith.constant 6 : i32
      %get3A_314 = arith.index_cast %get3A_313 : i32 to index
      %get3A_315 = arith.constant 0 : index
      %get3A_316 = tpu.vector_load %arg16[%get3A_314, %get3A_315] {strides = array<i32>} : memref<16x22xf32, #tpu.memory_space<vmem>>, vector<1x16xf32>,
      %get3A_317 = vector.shape_cast %get3A_316 : vector<1x16xf32> to vector<16xf32>
      %mul3A_318 = arith.mulf %get3A_317, %get3A_12 : vector<16xf32>
      %lt3A_319 = arith.constant 10 : i32
      %lt3A_320 = vector.broadcast %lt3A_319 : i32 to vector<16xi32>
      %lt3A_321 = arith.cmpi slt, %iota3A, %lt3A_320 : vector<16xi32>
      %get3A_322 = arith.constant 6 : i32
      %get3A_323 = arith.index_cast %get3A_322 : i32 to index
      %get3A_324 = arith.constant 6 : index
      %get3A_325 = tpu.vector_load %arg16[%get3A_323, %get3A_324] {strides = array<i32>} : memref<16x22xf32, #tpu.memory_space<vmem>>, vector<1x16xf32>,
      %get3A_326 = vector.shape_cast %get3A_325 : vector<1x16xf32> to vector<16xf32>
      %mul3A_327 = arith.mulf %get3A_326, %get3A_15 : vector<16xf32>
      %select_n3A_328 = arith.select %lt3A_321, %broadcast_in_dim3A_1, %mul3A_327 : vector<16xi1>, vector<16xf32>
      %add3A_329 = arith.addf %mul3A_318, %select_n3A_328 : vector<16xf32>
      %xor3A_330 = arith.constant 8 : i32
      %xor3A_331 = vector.broadcast %xor3A_330 : i32 to vector<16xi32>
      %xor3A_332 = arith.xori %iota3A, %xor3A_331 : vector<16xi32>
      %broadcast_in_dim3A_333 = vector.shape_cast %xor3A_332 : vector<16xi32> to vector<16x1xi32>
      %gather3A_334 = vector.shape_cast %broadcast_in_dim3A_333 : vector<16x1xi32> to vector<16xi32>
      %gather3A_335 = tpu.dynamic_gather %add3A_329[%gather3A_334] in [0] : vector<16xf32>, vector<16xi32> -> vector<16xf32>
      %add3A_336 = arith.addf %add3A_329, %gather3A_335 : vector<16xf32>
      %xor3A_337 = arith.constant 4 : i32
      %xor3A_338 = vector.broadcast %xor3A_337 : i32 to vector<16xi32>
      %xor3A_339 = arith.xori %iota3A, %xor3A_338 : vector<16xi32>
      %broadcast_in_dim3A_340 = vector.shape_cast %xor3A_339 : vector<16xi32> to vector<16x1xi32>
      %gather3A_341 = vector.shape_cast %broadcast_in_dim3A_340 : vector<16x1xi32> to vector<16xi32>
      %gather3A_342 = tpu.dynamic_gather %add3A_336[%gather3A_341] in [0] : vector<16xf32>, vector<16xi32> -> vector<16xf32>
      %add3A_343 = arith.addf %add3A_336, %gather3A_342 : vector<16xf32>
      %xor3A_344 = arith.constant 2 : i32
      %xor3A_345 = vector.broadcast %xor3A_344 : i32 to vector<16xi32>
      %xor3A_346 = arith.xori %iota3A, %xor3A_345 : vector<16xi32>
      %broadcast_in_dim3A_347 = vector.shape_cast %xor3A_346 : vector<16xi32> to vector<16x1xi32>
      %gather3A_348 = vector.shape_cast %broadcast_in_dim3A_347 : vector<16x1xi32> to vector<16xi32>
      %gather3A_349 = tpu.dynamic_gather %add3A_343[%gather3A_348] in [0] : vector<16xf32>, vector<16xi32> -> vector<16xf32>
      %add3A_350 = arith.addf %add3A_343, %gather3A_349 : vector<16xf32>
      %xor3A_351 = arith.constant 1 : i32
      %xor3A_352 = vector.broadcast %xor3A_351 : i32 to vector<16xi32>
      %xor3A_353 = arith.xori %iota3A, %xor3A_352 : vector<16xi32>
      %broadcast_in_dim3A_354 = vector.shape_cast %xor3A_353 : vector<16xi32> to vector<16x1xi32>
      %gather3A_355 = vector.shape_cast %broadcast_in_dim3A_354 : vector<16x1xi32> to vector<16xi32>
      %gather3A_356 = tpu.dynamic_gather %add3A_350[%gather3A_355] in [0] : vector<16xf32>, vector<16xi32> -> vector<16xf32>
      %add3A_357 = arith.addf %add3A_350, %gather3A_356 : vector<16xf32>
      %eq3A_358 = arith.constant 6 : i32
      %eq3A_359 = vector.broadcast %eq3A_358 : i32 to vector<16xi32>
      %eq3A_360 = arith.cmpi eq, %iota3A, %eq3A_359 : vector<16xi32>
      %select_n3A_361 = arith.select %eq3A_360, %add3A_357, %broadcast_in_dim3A_1 : vector<16xi1>, vector<16xf32>
      %add3A_362 = arith.addf %add3A_312, %select_n3A_361 : vector<16xf32>
      %get3A_363 = arith.constant 7 : i32
      %get3A_364 = arith.index_cast %get3A_363 : i32 to index
      %get3A_365 = arith.constant 0 : index
      %get3A_366 = tpu.vector_load %arg16[%get3A_364, %get3A_365] {strides = array<i32>} : memref<16x22xf32, #tpu.memory_space<vmem>>, vector<1x16xf32>,
      %get3A_367 = vector.shape_cast %get3A_366 : vector<1x16xf32> to vector<16xf32>
      %mul3A_368 = arith.mulf %get3A_367, %get3A_12 : vector<16xf32>
      %lt3A_369 = arith.constant 10 : i32
      %lt3A_370 = vector.broadcast %lt3A_369 : i32 to vector<16xi32>
      %lt3A_371 = arith.cmpi slt, %iota3A, %lt3A_370 : vector<16xi32>
      %get3A_372 = arith.constant 7 : i32
      %get3A_373 = arith.index_cast %get3A_372 : i32 to index
      %get3A_374 = arith.constant 6 : index
      %get3A_375 = tpu.vector_load %arg16[%get3A_373, %get3A_374] {strides = array<i32>} : memref<16x22xf32, #tpu.memory_space<vmem>>, vector<1x16xf32>,
      %get3A_376 = vector.shape_cast %get3A_375 : vector<1x16xf32> to vector<16xf32>
      %mul3A_377 = arith.mulf %get3A_376, %get3A_15 : vector<16xf32>
      %select_n3A_378 = arith.select %lt3A_371, %broadcast_in_dim3A_1, %mul3A_377 : vector<16xi1>, vector<16xf32>
      %add3A_379 = arith.addf %mul3A_368, %select_n3A_378 : vector<16xf32>
      %xor3A_380 = arith.constant 8 : i32
      %xor3A_381 = vector.broadcast %xor3A_380 : i32 to vector<16xi32>
      %xor3A_382 = arith.xori %iota3A, %xor3A_381 : vector<16xi32>
      %broadcast_in_dim3A_383 = vector.shape_cast %xor3A_382 : vector<16xi32> to vector<16x1xi32>
      %gather3A_384 = vector.shape_cast %broadcast_in_dim3A_383 : vector<16x1xi32> to vector<16xi32>
      %gather3A_385 = tpu.dynamic_gather %add3A_379[%gather3A_384] in [0] : vector<16xf32>, vector<16xi32> -> vector<16xf32>
      %add3A_386 = arith.addf %add3A_379, %gather3A_385 : vector<16xf32>
      %xor3A_387 = arith.constant 4 : i32
      %xor3A_388 = vector.broadcast %xor3A_387 : i32 to vector<16xi32>
      %xor3A_389 = arith.xori %iota3A, %xor3A_388 : vector<16xi32>
      %broadcast_in_dim3A_390 = vector.shape_cast %xor3A_389 : vector<16xi32> to vector<16x1xi32>
      %gather3A_391 = vector.shape_cast %broadcast_in_dim3A_390 : vector<16x1xi32> to vector<16xi32>
      %gather3A_392 = tpu.dynamic_gather %add3A_386[%gather3A_391] in [0] : vector<16xf32>, vector<16xi32> -> vector<16xf32>
      %add3A_393 = arith.addf %add3A_386, %gather3A_392 : vector<16xf32>
      %xor3A_394 = arith.constant 2 : i32
      %xor3A_395 = vector.broadcast %xor3A_394 : i32 to vector<16xi32>
      %xor3A_396 = arith.xori %iota3A, %xor3A_395 : vector<16xi32>
      %broadcast_in_dim3A_397 = vector.shape_cast %xor3A_396 : vector<16xi32> to vector<16x1xi32>
      %gather3A_398 = vector.shape_cast %broadcast_in_dim3A_397 : vector<16x1xi32> to vector<16xi32>
      %gather3A_399 = tpu.dynamic_gather %add3A_393[%gather3A_398] in [0] : vector<16xf32>, vector<16xi32> -> vector<16xf32>
      %add3A_400 = arith.addf %add3A_393, %gather3A_399 : vector<16xf32>
      %xor3A_401 = arith.constant 1 : i32
      %xor3A_402 = vector.broadcast %xor3A_401 : i32 to vector<16xi32>
      %xor3A_403 = arith.xori %iota3A, %xor3A_402 : vector<16xi32>
      %broadcast_in_dim3A_404 = vector.shape_cast %xor3A_403 : vector<16xi32> to vector<16x1xi32>
      %gather3A_405 = vector.shape_cast %broadcast_in_dim3A_404 : vector<16x1xi32> to vector<16xi32>
      %gather3A_406 = tpu.dynamic_gather %add3A_400[%gather3A_405] in [0] : vector<16xf32>, vector<16xi32> -> vector<16xf32>
      %add3A_407 = arith.addf %add3A_400, %gather3A_406 : vector<16xf32>
      %eq3A_408 = arith.constant 7 : i32
      %eq3A_409 = vector.broadcast %eq3A_408 : i32 to vector<16xi32>
      %eq3A_410 = arith.cmpi eq, %iota3A, %eq3A_409 : vector<16xi32>
      %select_n3A_411 = arith.select %eq3A_410, %add3A_407, %broadcast_in_dim3A_1 : vector<16xi1>, vector<16xf32>
      %add3A_412 = arith.addf %add3A_362, %select_n3A_411 : vector<16xf32>
      %get3A_413 = arith.constant 8 : i32
      %get3A_414 = arith.index_cast %get3A_413 : i32 to index
      %get3A_415 = arith.constant 0 : index
      %get3A_416 = tpu.vector_load %arg16[%get3A_414, %get3A_415] {strides = array<i32>} : memref<16x22xf32, #tpu.memory_space<vmem>>, vector<1x16xf32>,
      %get3A_417 = vector.shape_cast %get3A_416 : vector<1x16xf32> to vector<16xf32>
      %mul3A_418 = arith.mulf %get3A_417, %get3A_12 : vector<16xf32>
      %lt3A_419 = arith.constant 10 : i32
      %lt3A_420 = vector.broadcast %lt3A_419 : i32 to vector<16xi32>
      %lt3A_421 = arith.cmpi slt, %iota3A, %lt3A_420 : vector<16xi32>
      %get3A_422 = arith.constant 8 : i32
      %get3A_423 = arith.index_cast %get3A_422 : i32 to index
      %get3A_424 = arith.constant 6 : index
      %get3A_425 = tpu.vector_load %arg16[%get3A_423, %get3A_424] {strides = array<i32>} : memref<16x22xf32, #tpu.memory_space<vmem>>, vector<1x16xf32>,
      %get3A_426 = vector.shape_cast %get3A_425 : vector<1x16xf32> to vector<16xf32>
      %mul3A_427 = arith.mulf %get3A_426, %get3A_15 : vector<16xf32>
      %select_n3A_428 = arith.select %lt3A_421, %broadcast_in_dim3A_1, %mul3A_427 : vector<16xi1>, vector<16xf32>
      %add3A_429 = arith.addf %mul3A_418, %select_n3A_428 : vector<16xf32>
      %xor3A_430 = arith.constant 8 : i32
      %xor3A_431 = vector.broadcast %xor3A_430 : i32 to vector<16xi32>
      %xor3A_432 = arith.xori %iota3A, %xor3A_431 : vector<16xi32>
      %broadcast_in_dim3A_433 = vector.shape_cast %xor3A_432 : vector<16xi32> to vector<16x1xi32>
      %gather3A_434 = vector.shape_cast %broadcast_in_dim3A_433 : vector<16x1xi32> to vector<16xi32>
      %gather3A_435 = tpu.dynamic_gather %add3A_429[%gather3A_434] in [0] : vector<16xf32>, vector<16xi32> -> vector<16xf32>
      %add3A_436 = arith.addf %add3A_429, %gather3A_435 : vector<16xf32>
      %xor3A_437 = arith.constant 4 : i32
      %xor3A_438 = vector.broadcast %xor3A_437 : i32 to vector<16xi32>
      %xor3A_439 = arith.xori %iota3A, %xor3A_438 : vector<16xi32>
      %broadcast_in_dim3A_440 = vector.shape_cast %xor3A_439 : vector<16xi32> to vector<16x1xi32>
      %gather3A_441 = vector.shape_cast %broadcast_in_dim3A_440 : vector<16x1xi32> to vector<16xi32>
      %gather3A_442 = tpu.dynamic_gather %add3A_436[%gather3A_441] in [0] : vector<16xf32>, vector<16xi32> -> vector<16xf32>
      %add3A_443 = arith.addf %add3A_436, %gather3A_442 : vector<16xf32>
      %xor3A_444 = arith.constant 2 : i32
      %xor3A_445 = vector.broadcast %xor3A_444 : i32 to vector<16xi32>
      %xor3A_446 = arith.xori %iota3A, %xor3A_445 : vector<16xi32>
      %broadcast_in_dim3A_447 = vector.shape_cast %xor3A_446 : vector<16xi32> to vector<16x1xi32>
      %gather3A_448 = vector.shape_cast %broadcast_in_dim3A_447 : vector<16x1xi32> to vector<16xi32>
      %gather3A_449 = tpu.dynamic_gather %add3A_443[%gather3A_448] in [0] : vector<16xf32>, vector<16xi32> -> vector<16xf32>
      %add3A_450 = arith.addf %add3A_443, %gather3A_449 : vector<16xf32>
      %xor3A_451 = arith.constant 1 : i32
      %xor3A_452 = vector.broadcast %xor3A_451 : i32 to vector<16xi32>
      %xor3A_453 = arith.xori %iota3A, %xor3A_452 : vector<16xi32>
      %broadcast_in_dim3A_454 = vector.shape_cast %xor3A_453 : vector<16xi32> to vector<16x1xi32>
      %gather3A_455 = vector.shape_cast %broadcast_in_dim3A_454 : vector<16x1xi32> to vector<16xi32>
      %gather3A_456 = tpu.dynamic_gather %add3A_450[%gather3A_455] in [0] : vector<16xf32>, vector<16xi32> -> vector<16xf32>
      %add3A_457 = arith.addf %add3A_450, %gather3A_456 : vector<16xf32>
      %eq3A_458 = arith.constant 8 : i32
      %eq3A_459 = vector.broadcast %eq3A_458 : i32 to vector<16xi32>
      %eq3A_460 = arith.cmpi eq, %iota3A, %eq3A_459 : vector<16xi32>
      %select_n3A_461 = arith.select %eq3A_460, %add3A_457, %broadcast_in_dim3A_1 : vector<16xi1>, vector<16xf32>
      %add3A_462 = arith.addf %add3A_412, %select_n3A_461 : vector<16xf32>
      %get3A_463 = arith.constant 9 : i32
      %get3A_464 = arith.index_cast %get3A_463 : i32 to index
      %get3A_465 = arith.constant 0 : index
      %get3A_466 = tpu.vector_load %arg16[%get3A_464, %get3A_465] {strides = array<i32>} : memref<16x22xf32, #tpu.memory_space<vmem>>, vector<1x16xf32>,
      %get3A_467 = vector.shape_cast %get3A_466 : vector<1x16xf32> to vector<16xf32>
      %mul3A_468 = arith.mulf %get3A_467, %get3A_12 : vector<16xf32>
      %lt3A_469 = arith.constant 10 : i32
      %lt3A_470 = vector.broadcast %lt3A_469 : i32 to vector<16xi32>
      %lt3A_471 = arith.cmpi slt, %iota3A, %lt3A_470 : vector<16xi32>
      %get3A_472 = arith.constant 9 : i32
      %get3A_473 = arith.index_cast %get3A_472 : i32 to index
      %get3A_474 = arith.constant 6 : index
      %get3A_475 = tpu.vector_load %arg16[%get3A_473, %get3A_474] {strides = array<i32>} : memref<16x22xf32, #tpu.memory_space<vmem>>, vector<1x16xf32>,
      %get3A_476 = vector.shape_cast %get3A_475 : vector<1x16xf32> to vector<16xf32>
      %mul3A_477 = arith.mulf %get3A_476, %get3A_15 : vector<16xf32>
      %select_n3A_478 = arith.select %lt3A_471, %broadcast_in_dim3A_1, %mul3A_477 : vector<16xi1>, vector<16xf32>
      %add3A_479 = arith.addf %mul3A_468, %select_n3A_478 : vector<16xf32>
      %xor3A_480 = arith.constant 8 : i32
      %xor3A_481 = vector.broadcast %xor3A_480 : i32 to vector<16xi32>
      %xor3A_482 = arith.xori %iota3A, %xor3A_481 : vector<16xi32>
      %broadcast_in_dim3A_483 = vector.shape_cast %xor3A_482 : vector<16xi32> to vector<16x1xi32>
      %gather3A_484 = vector.shape_cast %broadcast_in_dim3A_483 : vector<16x1xi32> to vector<16xi32>
      %gather3A_485 = tpu.dynamic_gather %add3A_479[%gather3A_484] in [0] : vector<16xf32>, vector<16xi32> -> vector<16xf32>
      %add3A_486 = arith.addf %add3A_479, %gather3A_485 : vector<16xf32>
      %xor3A_487 = arith.constant 4 : i32
      %xor3A_488 = vector.broadcast %xor3A_487 : i32 to vector<16xi32>
      %xor3A_489 = arith.xori %iota3A, %xor3A_488 : vector<16xi32>
      %broadcast_in_dim3A_490 = vector.shape_cast %xor3A_489 : vector<16xi32> to vector<16x1xi32>
      %gather3A_491 = vector.shape_cast %broadcast_in_dim3A_490 : vector<16x1xi32> to vector<16xi32>
      %gather3A_492 = tpu.dynamic_gather %add3A_486[%gather3A_491] in [0] : vector<16xf32>, vector<16xi32> -> vector<16xf32>
      %add3A_493 = arith.addf %add3A_486, %gather3A_492 : vector<16xf32>
      %xor3A_494 = arith.constant 2 : i32
      %xor3A_495 = vector.broadcast %xor3A_494 : i32 to vector<16xi32>
      %xor3A_496 = arith.xori %iota3A, %xor3A_495 : vector<16xi32>
      %broadcast_in_dim3A_497 = vector.shape_cast %xor3A_496 : vector<16xi32> to vector<16x1xi32>
      %gather3A_498 = vector.shape_cast %broadcast_in_dim3A_497 : vector<16x1xi32> to vector<16xi32>
      %gather3A_499 = tpu.dynamic_gather %add3A_493[%gather3A_498] in [0] : vector<16xf32>, vector<16xi32> -> vector<16xf32>
      %add3A_500 = arith.addf %add3A_493, %gather3A_499 : vector<16xf32>
      %xor3A_501 = arith.constant 1 : i32
      %xor3A_502 = vector.broadcast %xor3A_501 : i32 to vector<16xi32>
      %xor3A_503 = arith.xori %iota3A, %xor3A_502 : vector<16xi32>
      %broadcast_in_dim3A_504 = vector.shape_cast %xor3A_503 : vector<16xi32> to vector<16x1xi32>
      %gather3A_505 = vector.shape_cast %broadcast_in_dim3A_504 : vector<16x1xi32> to vector<16xi32>
      %gather3A_506 = tpu.dynamic_gather %add3A_500[%gather3A_505] in [0] : vector<16xf32>, vector<16xi32> -> vector<16xf32>
      %add3A_507 = arith.addf %add3A_500, %gather3A_506 : vector<16xf32>
      %eq3A_508 = arith.constant 9 : i32
      %eq3A_509 = vector.broadcast %eq3A_508 : i32 to vector<16xi32>
      %eq3A_510 = arith.cmpi eq, %iota3A, %eq3A_509 : vector<16xi32>
      %select_n3A_511 = arith.select %eq3A_510, %add3A_507, %broadcast_in_dim3A_1 : vector<16xi1>, vector<16xf32>
      %add3A_512 = arith.addf %add3A_462, %select_n3A_511 : vector<16xf32>
      %get3A_513 = arith.constant 10 : i32
      %get3A_514 = arith.index_cast %get3A_513 : i32 to index
      %get3A_515 = arith.constant 0 : index
      %get3A_516 = tpu.vector_load %arg16[%get3A_514, %get3A_515] {strides = array<i32>} : memref<16x22xf32, #tpu.memory_space<vmem>>, vector<1x16xf32>,
      %get3A_517 = vector.shape_cast %get3A_516 : vector<1x16xf32> to vector<16xf32>
      %mul3A_518 = arith.mulf %get3A_517, %get3A_12 : vector<16xf32>
      %lt3A_519 = arith.constant 10 : i32
      %lt3A_520 = vector.broadcast %lt3A_519 : i32 to vector<16xi32>
      %lt3A_521 = arith.cmpi slt, %iota3A, %lt3A_520 : vector<16xi32>
      %get3A_522 = arith.constant 10 : i32
      %get3A_523 = arith.index_cast %get3A_522 : i32 to index
      %get3A_524 = arith.constant 6 : index
      %get3A_525 = tpu.vector_load %arg16[%get3A_523, %get3A_524] {strides = array<i32>} : memref<16x22xf32, #tpu.memory_space<vmem>>, vector<1x16xf32>,
      %get3A_526 = vector.shape_cast %get3A_525 : vector<1x16xf32> to vector<16xf32>
      %mul3A_527 = arith.mulf %get3A_526, %get3A_15 : vector<16xf32>
      %select_n3A_528 = arith.select %lt3A_521, %broadcast_in_dim3A_1, %mul3A_527 : vector<16xi1>, vector<16xf32>
      %add3A_529 = arith.addf %mul3A_518, %select_n3A_528 : vector<16xf32>
      %xor3A_530 = arith.constant 8 : i32
      %xor3A_531 = vector.broadcast %xor3A_530 : i32 to vector<16xi32>
      %xor3A_532 = arith.xori %iota3A, %xor3A_531 : vector<16xi32>
      %broadcast_in_dim3A_533 = vector.shape_cast %xor3A_532 : vector<16xi32> to vector<16x1xi32>
      %gather3A_534 = vector.shape_cast %broadcast_in_dim3A_533 : vector<16x1xi32> to vector<16xi32>
      %gather3A_535 = tpu.dynamic_gather %add3A_529[%gather3A_534] in [0] : vector<16xf32>, vector<16xi32> -> vector<16xf32>
      %add3A_536 = arith.addf %add3A_529, %gather3A_535 : vector<16xf32>
      %xor3A_537 = arith.constant 4 : i32
      %xor3A_538 = vector.broadcast %xor3A_537 : i32 to vector<16xi32>
      %xor3A_539 = arith.xori %iota3A, %xor3A_538 : vector<16xi32>
      %broadcast_in_dim3A_540 = vector.shape_cast %xor3A_539 : vector<16xi32> to vector<16x1xi32>
      %gather3A_541 = vector.shape_cast %broadcast_in_dim3A_540 : vector<16x1xi32> to vector<16xi32>
      %gather3A_542 = tpu.dynamic_gather %add3A_536[%gather3A_541] in [0] : vector<16xf32>, vector<16xi32> -> vector<16xf32>
      %add3A_543 = arith.addf %add3A_536, %gather3A_542 : vector<16xf32>
      %xor3A_544 = arith.constant 2 : i32
      %xor3A_545 = vector.broadcast %xor3A_544 : i32 to vector<16xi32>
      %xor3A_546 = arith.xori %iota3A, %xor3A_545 : vector<16xi32>
      %broadcast_in_dim3A_547 = vector.shape_cast %xor3A_546 : vector<16xi32> to vector<16x1xi32>
      %gather3A_548 = vector.shape_cast %broadcast_in_dim3A_547 : vector<16x1xi32> to vector<16xi32>
      %gather3A_549 = tpu.dynamic_gather %add3A_543[%gather3A_548] in [0] : vector<16xf32>, vector<16xi32> -> vector<16xf32>
      %add3A_550 = arith.addf %add3A_543, %gather3A_549 : vector<16xf32>
      %xor3A_551 = arith.constant 1 : i32
      %xor3A_552 = vector.broadcast %xor3A_551 : i32 to vector<16xi32>
      %xor3A_553 = arith.xori %iota3A, %xor3A_552 : vector<16xi32>
      %broadcast_in_dim3A_554 = vector.shape_cast %xor3A_553 : vector<16xi32> to vector<16x1xi32>
      %gather3A_555 = vector.shape_cast %broadcast_in_dim3A_554 : vector<16x1xi32> to vector<16xi32>
      %gather3A_556 = tpu.dynamic_gather %add3A_550[%gather3A_555] in [0] : vector<16xf32>, vector<16xi32> -> vector<16xf32>
      %add3A_557 = arith.addf %add3A_550, %gather3A_556 : vector<16xf32>
      %eq3A_558 = arith.constant 10 : i32
      %eq3A_559 = vector.broadcast %eq3A_558 : i32 to vector<16xi32>
      %eq3A_560 = arith.cmpi eq, %iota3A, %eq3A_559 : vector<16xi32>
      %select_n3A_561 = arith.select %eq3A_560, %add3A_557, %broadcast_in_dim3A_1 : vector<16xi1>, vector<16xf32>
      %add3A_562 = arith.addf %add3A_512, %select_n3A_561 : vector<16xf32>
      %get3A_563 = arith.constant 11 : i32
      %get3A_564 = arith.index_cast %get3A_563 : i32 to index
      %get3A_565 = arith.constant 0 : index
      %get3A_566 = tpu.vector_load %arg16[%get3A_564, %get3A_565] {strides = array<i32>} : memref<16x22xf32, #tpu.memory_space<vmem>>, vector<1x16xf32>,
      %get3A_567 = vector.shape_cast %get3A_566 : vector<1x16xf32> to vector<16xf32>
      %mul3A_568 = arith.mulf %get3A_567, %get3A_12 : vector<16xf32>
      %lt3A_569 = arith.constant 10 : i32
      %lt3A_570 = vector.broadcast %lt3A_569 : i32 to vector<16xi32>
      %lt3A_571 = arith.cmpi slt, %iota3A, %lt3A_570 : vector<16xi32>
      %get3A_572 = arith.constant 11 : i32
      %get3A_573 = arith.index_cast %get3A_572 : i32 to index
      %get3A_574 = arith.constant 6 : index
      %get3A_575 = tpu.vector_load %arg16[%get3A_573, %get3A_574] {strides = array<i32>} : memref<16x22xf32, #tpu.memory_space<vmem>>, vector<1x16xf32>,
      %get3A_576 = vector.shape_cast %get3A_575 : vector<1x16xf32> to vector<16xf32>
      %mul3A_577 = arith.mulf %get3A_576, %get3A_15 : vector<16xf32>
      %select_n3A_578 = arith.select %lt3A_571, %broadcast_in_dim3A_1, %mul3A_577 : vector<16xi1>, vector<16xf32>
      %add3A_579 = arith.addf %mul3A_568, %select_n3A_578 : vector<16xf32>
      %xor3A_580 = arith.constant 8 : i32
      %xor3A_581 = vector.broadcast %xor3A_580 : i32 to vector<16xi32>
      %xor3A_582 = arith.xori %iota3A, %xor3A_581 : vector<16xi32>
      %broadcast_in_dim3A_583 = vector.shape_cast %xor3A_582 : vector<16xi32> to vector<16x1xi32>
      %gather3A_584 = vector.shape_cast %broadcast_in_dim3A_583 : vector<16x1xi32> to vector<16xi32>
      %gather3A_585 = tpu.dynamic_gather %add3A_579[%gather3A_584] in [0] : vector<16xf32>, vector<16xi32> -> vector<16xf32>
      %add3A_586 = arith.addf %add3A_579, %gather3A_585 : vector<16xf32>
      %xor3A_587 = arith.constant 4 : i32
      %xor3A_588 = vector.broadcast %xor3A_587 : i32 to vector<16xi32>
      %xor3A_589 = arith.xori %iota3A, %xor3A_588 : vector<16xi32>
      %broadcast_in_dim3A_590 = vector.shape_cast %xor3A_589 : vector<16xi32> to vector<16x1xi32>
      %gather3A_591 = vector.shape_cast %broadcast_in_dim3A_590 : vector<16x1xi32> to vector<16xi32>
      %gather3A_592 = tpu.dynamic_gather %add3A_586[%gather3A_591] in [0] : vector<16xf32>, vector<16xi32> -> vector<16xf32>
      %add3A_593 = arith.addf %add3A_586, %gather3A_592 : vector<16xf32>
      %xor3A_594 = arith.constant 2 : i32
      %xor3A_595 = vector.broadcast %xor3A_594 : i32 to vector<16xi32>
      %xor3A_596 = arith.xori %iota3A, %xor3A_595 : vector<16xi32>
      %broadcast_in_dim3A_597 = vector.shape_cast %xor3A_596 : vector<16xi32> to vector<16x1xi32>
      %gather3A_598 = vector.shape_cast %broadcast_in_dim3A_597 : vector<16x1xi32> to vector<16xi32>
      %gather3A_599 = tpu.dynamic_gather %add3A_593[%gather3A_598] in [0] : vector<16xf32>, vector<16xi32> -> vector<16xf32>
      %add3A_600 = arith.addf %add3A_593, %gather3A_599 : vector<16xf32>
      %xor3A_601 = arith.constant 1 : i32
      %xor3A_602 = vector.broadcast %xor3A_601 : i32 to vector<16xi32>
      %xor3A_603 = arith.xori %iota3A, %xor3A_602 : vector<16xi32>
      %broadcast_in_dim3A_604 = vector.shape_cast %xor3A_603 : vector<16xi32> to vector<16x1xi32>
      %gather3A_605 = vector.shape_cast %broadcast_in_dim3A_604 : vector<16x1xi32> to vector<16xi32>
      %gather3A_606 = tpu.dynamic_gather %add3A_600[%gather3A_605] in [0] : vector<16xf32>, vector<16xi32> -> vector<16xf32>
      %add3A_607 = arith.addf %add3A_600, %gather3A_606 : vector<16xf32>
      %eq3A_608 = arith.constant 11 : i32
      %eq3A_609 = vector.broadcast %eq3A_608 : i32 to vector<16xi32>
      %eq3A_610 = arith.cmpi eq, %iota3A, %eq3A_609 : vector<16xi32>
      %select_n3A_611 = arith.select %eq3A_610, %add3A_607, %broadcast_in_dim3A_1 : vector<16xi1>, vector<16xf32>
      %add3A_612 = arith.addf %add3A_562, %select_n3A_611 : vector<16xf32>
      %get3A_613 = arith.constant 12 : i32
      %get3A_614 = arith.index_cast %get3A_613 : i32 to index
      %get3A_615 = arith.constant 0 : index
      %get3A_616 = tpu.vector_load %arg16[%get3A_614, %get3A_615] {strides = array<i32>} : memref<16x22xf32, #tpu.memory_space<vmem>>, vector<1x16xf32>,
      %get3A_617 = vector.shape_cast %get3A_616 : vector<1x16xf32> to vector<16xf32>
      %mul3A_618 = arith.mulf %get3A_617, %get3A_12 : vector<16xf32>
      %lt3A_619 = arith.constant 10 : i32
      %lt3A_620 = vector.broadcast %lt3A_619 : i32 to vector<16xi32>
      %lt3A_621 = arith.cmpi slt, %iota3A, %lt3A_620 : vector<16xi32>
      %get3A_622 = arith.constant 12 : i32
      %get3A_623 = arith.index_cast %get3A_622 : i32 to index
      %get3A_624 = arith.constant 6 : index
      %get3A_625 = tpu.vector_load %arg16[%get3A_623, %get3A_624] {strides = array<i32>} : memref<16x22xf32, #tpu.memory_space<vmem>>, vector<1x16xf32>,
      %get3A_626 = vector.shape_cast %get3A_625 : vector<1x16xf32> to vector<16xf32>
      %mul3A_627 = arith.mulf %get3A_626, %get3A_15 : vector<16xf32>
      %select_n3A_628 = arith.select %lt3A_621, %broadcast_in_dim3A_1, %mul3A_627 : vector<16xi1>, vector<16xf32>
      %add3A_629 = arith.addf %mul3A_618, %select_n3A_628 : vector<16xf32>
      %xor3A_630 = arith.constant 8 : i32
      %xor3A_631 = vector.broadcast %xor3A_630 : i32 to vector<16xi32>
      %xor3A_632 = arith.xori %iota3A, %xor3A_631 : vector<16xi32>
      %broadcast_in_dim3A_633 = vector.shape_cast %xor3A_632 : vector<16xi32> to vector<16x1xi32>
      %gather3A_634 = vector.shape_cast %broadcast_in_dim3A_633 : vector<16x1xi32> to vector<16xi32>
      %gather3A_635 = tpu.dynamic_gather %add3A_629[%gather3A_634] in [0] : vector<16xf32>, vector<16xi32> -> vector<16xf32>
      %add3A_636 = arith.addf %add3A_629, %gather3A_635 : vector<16xf32>
      %xor3A_637 = arith.constant 4 : i32
      %xor3A_638 = vector.broadcast %xor3A_637 : i32 to vector<16xi32>
      %xor3A_639 = arith.xori %iota3A, %xor3A_638 : vector<16xi32>
      %broadcast_in_dim3A_640 = vector.shape_cast %xor3A_639 : vector<16xi32> to vector<16x1xi32>
      %gather3A_641 = vector.shape_cast %broadcast_in_dim3A_640 : vector<16x1xi32> to vector<16xi32>
      %gather3A_642 = tpu.dynamic_gather %add3A_636[%gather3A_641] in [0] : vector<16xf32>, vector<16xi32> -> vector<16xf32>
      %add3A_643 = arith.addf %add3A_636, %gather3A_642 : vector<16xf32>
      %xor3A_644 = arith.constant 2 : i32
      %xor3A_645 = vector.broadcast %xor3A_644 : i32 to vector<16xi32>
      %xor3A_646 = arith.xori %iota3A, %xor3A_645 : vector<16xi32>
      %broadcast_in_dim3A_647 = vector.shape_cast %xor3A_646 : vector<16xi32> to vector<16x1xi32>
      %gather3A_648 = vector.shape_cast %broadcast_in_dim3A_647 : vector<16x1xi32> to vector<16xi32>
      %gather3A_649 = tpu.dynamic_gather %add3A_643[%gather3A_648] in [0] : vector<16xf32>, vector<16xi32> -> vector<16xf32>
      %add3A_650 = arith.addf %add3A_643, %gather3A_649 : vector<16xf32>
      %xor3A_651 = arith.constant 1 : i32
      %xor3A_652 = vector.broadcast %xor3A_651 : i32 to vector<16xi32>
      %xor3A_653 = arith.xori %iota3A, %xor3A_652 : vector<16xi32>
      %broadcast_in_dim3A_654 = vector.shape_cast %xor3A_653 : vector<16xi32> to vector<16x1xi32>
      %gather3A_655 = vector.shape_cast %broadcast_in_dim3A_654 : vector<16x1xi32> to vector<16xi32>
      %gather3A_656 = tpu.dynamic_gather %add3A_650[%gather3A_655] in [0] : vector<16xf32>, vector<16xi32> -> vector<16xf32>
      %add3A_657 = arith.addf %add3A_650, %gather3A_656 : vector<16xf32>
      %eq3A_658 = arith.constant 12 : i32
      %eq3A_659 = vector.broadcast %eq3A_658 : i32 to vector<16xi32>
      %eq3A_660 = arith.cmpi eq, %iota3A, %eq3A_659 : vector<16xi32>
      %select_n3A_661 = arith.select %eq3A_660, %add3A_657, %broadcast_in_dim3A_1 : vector<16xi1>, vector<16xf32>
      %add3A_662 = arith.addf %add3A_612, %select_n3A_661 : vector<16xf32>
      %get3A_663 = arith.constant 13 : i32
      %get3A_664 = arith.index_cast %get3A_663 : i32 to index
      %get3A_665 = arith.constant 0 : index
      %get3A_666 = tpu.vector_load %arg16[%get3A_664, %get3A_665] {strides = array<i32>} : memref<16x22xf32, #tpu.memory_space<vmem>>, vector<1x16xf32>,
      %get3A_667 = vector.shape_cast %get3A_666 : vector<1x16xf32> to vector<16xf32>
      %mul3A_668 = arith.mulf %get3A_667, %get3A_12 : vector<16xf32>
      %lt3A_669 = arith.constant 10 : i32
      %lt3A_670 = vector.broadcast %lt3A_669 : i32 to vector<16xi32>
      %lt3A_671 = arith.cmpi slt, %iota3A, %lt3A_670 : vector<16xi32>
      %get3A_672 = arith.constant 13 : i32
      %get3A_673 = arith.index_cast %get3A_672 : i32 to index
      %get3A_674 = arith.constant 6 : index
      %get3A_675 = tpu.vector_load %arg16[%get3A_673, %get3A_674] {strides = array<i32>} : memref<16x22xf32, #tpu.memory_space<vmem>>, vector<1x16xf32>,
      %get3A_676 = vector.shape_cast %get3A_675 : vector<1x16xf32> to vector<16xf32>
      %mul3A_677 = arith.mulf %get3A_676, %get3A_15 : vector<16xf32>
      %select_n3A_678 = arith.select %lt3A_671, %broadcast_in_dim3A_1, %mul3A_677 : vector<16xi1>, vector<16xf32>
      %add3A_679 = arith.addf %mul3A_668, %select_n3A_678 : vector<16xf32>
      %xor3A_680 = arith.constant 8 : i32
      %xor3A_681 = vector.broadcast %xor3A_680 : i32 to vector<16xi32>
      %xor3A_682 = arith.xori %iota3A, %xor3A_681 : vector<16xi32>
      %broadcast_in_dim3A_683 = vector.shape_cast %xor3A_682 : vector<16xi32> to vector<16x1xi32>
      %gather3A_684 = vector.shape_cast %broadcast_in_dim3A_683 : vector<16x1xi32> to vector<16xi32>
      %gather3A_685 = tpu.dynamic_gather %add3A_679[%gather3A_684] in [0] : vector<16xf32>, vector<16xi32> -> vector<16xf32>
      %add3A_686 = arith.addf %add3A_679, %gather3A_685 : vector<16xf32>
      %xor3A_687 = arith.constant 4 : i32
      %xor3A_688 = vector.broadcast %xor3A_687 : i32 to vector<16xi32>
      %xor3A_689 = arith.xori %iota3A, %xor3A_688 : vector<16xi32>
      %broadcast_in_dim3A_690 = vector.shape_cast %xor3A_689 : vector<16xi32> to vector<16x1xi32>
      %gather3A_691 = vector.shape_cast %broadcast_in_dim3A_690 : vector<16x1xi32> to vector<16xi32>
      %gather3A_692 = tpu.dynamic_gather %add3A_686[%gather3A_691] in [0] : vector<16xf32>, vector<16xi32> -> vector<16xf32>
      %add3A_693 = arith.addf %add3A_686, %gather3A_692 : vector<16xf32>
      %xor3A_694 = arith.constant 2 : i32
      %xor3A_695 = vector.broadcast %xor3A_694 : i32 to vector<16xi32>
      %xor3A_696 = arith.xori %iota3A, %xor3A_695 : vector<16xi32>
      %broadcast_in_dim3A_697 = vector.shape_cast %xor3A_696 : vector<16xi32> to vector<16x1xi32>
      %gather3A_698 = vector.shape_cast %broadcast_in_dim3A_697 : vector<16x1xi32> to vector<16xi32>
      %gather3A_699 = tpu.dynamic_gather %add3A_693[%gather3A_698] in [0] : vector<16xf32>, vector<16xi32> -> vector<16xf32>
      %add3A_700 = arith.addf %add3A_693, %gather3A_699 : vector<16xf32>
      %xor3A_701 = arith.constant 1 : i32
      %xor3A_702 = vector.broadcast %xor3A_701 : i32 to vector<16xi32>
      %xor3A_703 = arith.xori %iota3A, %xor3A_702 : vector<16xi32>
      %broadcast_in_dim3A_704 = vector.shape_cast %xor3A_703 : vector<16xi32> to vector<16x1xi32>
      %gather3A_705 = vector.shape_cast %broadcast_in_dim3A_704 : vector<16x1xi32> to vector<16xi32>
      %gather3A_706 = tpu.dynamic_gather %add3A_700[%gather3A_705] in [0] : vector<16xf32>, vector<16xi32> -> vector<16xf32>
      %add3A_707 = arith.addf %add3A_700, %gather3A_706 : vector<16xf32>
      %eq3A_708 = arith.constant 13 : i32
      %eq3A_709 = vector.broadcast %eq3A_708 : i32 to vector<16xi32>
      %eq3A_710 = arith.cmpi eq, %iota3A, %eq3A_709 : vector<16xi32>
      %select_n3A_711 = arith.select %eq3A_710, %add3A_707, %broadcast_in_dim3A_1 : vector<16xi1>, vector<16xf32>
      %add3A_712 = arith.addf %add3A_662, %select_n3A_711 : vector<16xf32>
      %get3A_713 = arith.constant 14 : i32
      %get3A_714 = arith.index_cast %get3A_713 : i32 to index
      %get3A_715 = arith.constant 0 : index
      %get3A_716 = tpu.vector_load %arg16[%get3A_714, %get3A_715] {strides = array<i32>} : memref<16x22xf32, #tpu.memory_space<vmem>>, vector<1x16xf32>,
      %get3A_717 = vector.shape_cast %get3A_716 : vector<1x16xf32> to vector<16xf32>
      %mul3A_718 = arith.mulf %get3A_717, %get3A_12 : vector<16xf32>
      %lt3A_719 = arith.constant 10 : i32
      %lt3A_720 = vector.broadcast %lt3A_719 : i32 to vector<16xi32>
      %lt3A_721 = arith.cmpi slt, %iota3A, %lt3A_720 : vector<16xi32>
      %get3A_722 = arith.constant 14 : i32
      %get3A_723 = arith.index_cast %get3A_722 : i32 to index
      %get3A_724 = arith.constant 6 : index
      %get3A_725 = tpu.vector_load %arg16[%get3A_723, %get3A_724] {strides = array<i32>} : memref<16x22xf32, #tpu.memory_space<vmem>>, vector<1x16xf32>,
      %get3A_726 = vector.shape_cast %get3A_725 : vector<1x16xf32> to vector<16xf32>
      %mul3A_727 = arith.mulf %get3A_726, %get3A_15 : vector<16xf32>
      %select_n3A_728 = arith.select %lt3A_721, %broadcast_in_dim3A_1, %mul3A_727 : vector<16xi1>, vector<16xf32>
      %add3A_729 = arith.addf %mul3A_718, %select_n3A_728 : vector<16xf32>
      %xor3A_730 = arith.constant 8 : i32
      %xor3A_731 = vector.broadcast %xor3A_730 : i32 to vector<16xi32>
      %xor3A_732 = arith.xori %iota3A, %xor3A_731 : vector<16xi32>
      %broadcast_in_dim3A_733 = vector.shape_cast %xor3A_732 : vector<16xi32> to vector<16x1xi32>
      %gather3A_734 = vector.shape_cast %broadcast_in_dim3A_733 : vector<16x1xi32> to vector<16xi32>
      %gather3A_735 = tpu.dynamic_gather %add3A_729[%gather3A_734] in [0] : vector<16xf32>, vector<16xi32> -> vector<16xf32>
      %add3A_736 = arith.addf %add3A_729, %gather3A_735 : vector<16xf32>
      %xor3A_737 = arith.constant 4 : i32
      %xor3A_738 = vector.broadcast %xor3A_737 : i32 to vector<16xi32>
      %xor3A_739 = arith.xori %iota3A, %xor3A_738 : vector<16xi32>
      %broadcast_in_dim3A_740 = vector.shape_cast %xor3A_739 : vector<16xi32> to vector<16x1xi32>
      %gather3A_741 = vector.shape_cast %broadcast_in_dim3A_740 : vector<16x1xi32> to vector<16xi32>
      %gather3A_742 = tpu.dynamic_gather %add3A_736[%gather3A_741] in [0] : vector<16xf32>, vector<16xi32> -> vector<16xf32>
      %add3A_743 = arith.addf %add3A_736, %gather3A_742 : vector<16xf32>
      %xor3A_744 = arith.constant 2 : i32
      %xor3A_745 = vector.broadcast %xor3A_744 : i32 to vector<16xi32>
      %xor3A_746 = arith.xori %iota3A, %xor3A_745 : vector<16xi32>
      %broadcast_in_dim3A_747 = vector.shape_cast %xor3A_746 : vector<16xi32> to vector<16x1xi32>
      %gather3A_748 = vector.shape_cast %broadcast_in_dim3A_747 : vector<16x1xi32> to vector<16xi32>
      %gather3A_749 = tpu.dynamic_gather %add3A_743[%gather3A_748] in [0] : vector<16xf32>, vector<16xi32> -> vector<16xf32>
      %add3A_750 = arith.addf %add3A_743, %gather3A_749 : vector<16xf32>
      %xor3A_751 = arith.constant 1 : i32
      %xor3A_752 = vector.broadcast %xor3A_751 : i32 to vector<16xi32>
      %xor3A_753 = arith.xori %iota3A, %xor3A_752 : vector<16xi32>
      %broadcast_in_dim3A_754 = vector.shape_cast %xor3A_753 : vector<16xi32> to vector<16x1xi32>
      %gather3A_755 = vector.shape_cast %broadcast_in_dim3A_754 : vector<16x1xi32> to vector<16xi32>
      %gather3A_756 = tpu.dynamic_gather %add3A_750[%gather3A_755] in [0] : vector<16xf32>, vector<16xi32> -> vector<16xf32>
      %add3A_757 = arith.addf %add3A_750, %gather3A_756 : vector<16xf32>
      %eq3A_758 = arith.constant 14 : i32
      %eq3A_759 = vector.broadcast %eq3A_758 : i32 to vector<16xi32>
      %eq3A_760 = arith.cmpi eq, %iota3A, %eq3A_759 : vector<16xi32>
      %select_n3A_761 = arith.select %eq3A_760, %add3A_757, %broadcast_in_dim3A_1 : vector<16xi1>, vector<16xf32>
      %add3A_762 = arith.addf %add3A_712, %select_n3A_761 : vector<16xf32>
      %get3A_763 = arith.constant 15 : i32
      %get3A_764 = arith.index_cast %get3A_763 : i32 to index
      %get3A_765 = arith.constant 0 : index
      %get3A_766 = tpu.vector_load %arg16[%get3A_764, %get3A_765] {strides = array<i32>} : memref<16x22xf32, #tpu.memory_space<vmem>>, vector<1x16xf32>,
      %get3A_767 = vector.shape_cast %get3A_766 : vector<1x16xf32> to vector<16xf32>
      %mul3A_768 = arith.mulf %get3A_767, %get3A_12 : vector<16xf32>
      %lt3A_769 = arith.constant 10 : i32
      %lt3A_770 = vector.broadcast %lt3A_769 : i32 to vector<16xi32>
      %lt3A_771 = arith.cmpi slt, %iota3A, %lt3A_770 : vector<16xi32>
      %get3A_772 = arith.constant 15 : i32
      %get3A_773 = arith.index_cast %get3A_772 : i32 to index
      %get3A_774 = arith.constant 6 : index
      %get3A_775 = tpu.vector_load %arg16[%get3A_773, %get3A_774] {strides = array<i32>} : memref<16x22xf32, #tpu.memory_space<vmem>>, vector<1x16xf32>,
      %get3A_776 = vector.shape_cast %get3A_775 : vector<1x16xf32> to vector<16xf32>
      %mul3A_777 = arith.mulf %get3A_776, %get3A_15 : vector<16xf32>
      %select_n3A_778 = arith.select %lt3A_771, %broadcast_in_dim3A_1, %mul3A_777 : vector<16xi1>, vector<16xf32>
      %add3A_779 = arith.addf %mul3A_768, %select_n3A_778 : vector<16xf32>
      %xor3A_780 = arith.constant 8 : i32
      %xor3A_781 = vector.broadcast %xor3A_780 : i32 to vector<16xi32>
      %xor3A_782 = arith.xori %iota3A, %xor3A_781 : vector<16xi32>
      %broadcast_in_dim3A_783 = vector.shape_cast %xor3A_782 : vector<16xi32> to vector<16x1xi32>
      %gather3A_784 = vector.shape_cast %broadcast_in_dim3A_783 : vector<16x1xi32> to vector<16xi32>
      %gather3A_785 = tpu.dynamic_gather %add3A_779[%gather3A_784] in [0] : vector<16xf32>, vector<16xi32> -> vector<16xf32>
      %add3A_786 = arith.addf %add3A_779, %gather3A_785 : vector<16xf32>
      %xor3A_787 = arith.constant 4 : i32
      %xor3A_788 = vector.broadcast %xor3A_787 : i32 to vector<16xi32>
      %xor3A_789 = arith.xori %iota3A, %xor3A_788 : vector<16xi32>
      %broadcast_in_dim3A_790 = vector.shape_cast %xor3A_789 : vector<16xi32> to vector<16x1xi32>
      %gather3A_791 = vector.shape_cast %broadcast_in_dim3A_790 : vector<16x1xi32> to vector<16xi32>
      %gather3A_792 = tpu.dynamic_gather %add3A_786[%gather3A_791] in [0] : vector<16xf32>, vector<16xi32> -> vector<16xf32>
      %add3A_793 = arith.addf %add3A_786, %gather3A_792 : vector<16xf32>
      %xor3A_794 = arith.constant 2 : i32
      %xor3A_795 = vector.broadcast %xor3A_794 : i32 to vector<16xi32>
      %xor3A_796 = arith.xori %iota3A, %xor3A_795 : vector<16xi32>
      %broadcast_in_dim3A_797 = vector.shape_cast %xor3A_796 : vector<16xi32> to vector<16x1xi32>
      %gather3A_798 = vector.shape_cast %broadcast_in_dim3A_797 : vector<16x1xi32> to vector<16xi32>
      %gather3A_799 = tpu.dynamic_gather %add3A_793[%gather3A_798] in [0] : vector<16xf32>, vector<16xi32> -> vector<16xf32>
      %add3A_800 = arith.addf %add3A_793, %gather3A_799 : vector<16xf32>
      %xor3A_801 = arith.constant 1 : i32
      %xor3A_802 = vector.broadcast %xor3A_801 : i32 to vector<16xi32>
      %xor3A_803 = arith.xori %iota3A, %xor3A_802 : vector<16xi32>
      %broadcast_in_dim3A_804 = vector.shape_cast %xor3A_803 : vector<16xi32> to vector<16x1xi32>
      %gather3A_805 = vector.shape_cast %broadcast_in_dim3A_804 : vector<16x1xi32> to vector<16xi32>
      %gather3A_806 = tpu.dynamic_gather %add3A_800[%gather3A_805] in [0] : vector<16xf32>, vector<16xi32> -> vector<16xf32>
      %add3A_807 = arith.addf %add3A_800, %gather3A_806 : vector<16xf32>
      %eq3A_808 = arith.constant 15 : i32
      %eq3A_809 = vector.broadcast %eq3A_808 : i32 to vector<16xi32>
      %eq3A_810 = arith.cmpi eq, %iota3A, %eq3A_809 : vector<16xi32>
      %select_n3A_811 = arith.select %eq3A_810, %add3A_807, %broadcast_in_dim3A_1 : vector<16xi1>, vector<16xf32>
      %add3A_812 = arith.addf %add3A_762, %select_n3A_811 : vector<16xf32>
      %swap3A = arith.constant 0 : index
      %swap3A_813 = tpu.vector_load %arg22[%swap3A] {strides = array<i32>} : memref<16xf32, #tpu.memory_space<vmem>>, vector<16xf32>,
      %swap3A_814 = vector.shape_cast %swap3A_813 : vector<16xf32> to vector<16xf32>
      %swap3A_815 = vector.shape_cast %add3A_812 : vector<16xf32> to vector<16xf32>
      tpu.vector_store %arg22[%swap3A], %swap3A_815 {strides = array<i32>} : memref<16xf32, #tpu.memory_space<vmem>>, vector<16xf32>,
      %dma_start3A = arith.constant 384 : i32
      %dma_start3A_816 = tpu.memref_slice %arg11[%dma_start3A] : memref<400xf32, #tpu.memory_space<hbm>> -> memref<16xf32, #tpu.memory_space<hbm>>
      %dma_start3A_817 = arith.constant 384 : i32
      %dma_start3A_818 = tpu.memref_slice %arg11[%dma_start3A_817] : memref<400xf32, #tpu.memory_space<hbm>> -> memref<16xf32, #tpu.memory_space<hbm>>
      tpu.enqueue_dma source(%arg22 : memref<16xf32, #tpu.memory_space<vmem>>) target(%dma_start3A_818 : memref<16xf32, #tpu.memory_space<hbm>>) target_semaphore(%arg26 : memref<!tpu.dma_semaphore, #tpu.memory_space<semaphore_mem>>)
      %dma_wait3A = arith.constant 384 : i32
      %dma_wait3A_819 = tpu.memref_slice %arg11[%dma_wait3A] : memref<400xf32, #tpu.memory_space<hbm>> -> memref<16xf32, #tpu.memory_space<hbm>>
      %dma_wait3A_820 = arith.constant 384 : i32
      %dma_wait3A_821 = tpu.memref_slice %arg11[%dma_wait3A_820] : memref<400xf32, #tpu.memory_space<hbm>> -> memref<16xf32, #tpu.memory_space<hbm>>
      tpu.wait_dma2 semaphore(%arg26 : memref<!tpu.dma_semaphore, #tpu.memory_space<semaphore_mem>>) src(%arg22 : memref<16xf32, #tpu.memory_space<vmem>>) dst(%dma_wait3A_821 : memref<16xf32, #tpu.memory_space<hbm>>)
    } else {
    }
    return
  }
}

</mosaic_0001>

<sc_bundles>
// kernel: kernel.3.cloned.1.call-start
scs
__scs_entry_jumppad:
0x0: {  	(pc) =	sbr.rel $0x88, $3  }
0x1: {  	(tag) =	ssettag $0x0;
	lr =	simm.s32 $0x1  }
0x2: {  	[smem:$0x3F98] =	sst lr;
	_ =	strace $0xD0000000  }
0x3: {  	_ = 	snop  }
0x4: {  	_ = 	snop  }
0x5: {  	_ = 	snop  }
0x6: {  	_ = 	snop  }
0x7: {  	_ = 	snop  }
__scs_overlays_trampoline_lowered:
0x8: {  	[smem:$0x3FA7] =	sst s0  }
0x9: {  	[smem:$0x3FA8] =	sst s1  }
0xa: {  	[smem:$0x3FA9] =	sst s2  }
0xb: {  	[smem:$0x3FAA] =	sst s3  }
0xc: {  	[smem:$0x3FAB] =	sst s4  }
0xd: {  	[smem:$0x3FAC] =	sst s5  }
0xe: {  	[smem:$0x3FAD] =	sst s6  }
0xf: {  	[smem:$0x3FAE] =	sst s7  }
0x10: {  	[smem:$0x3FAF] =	sst s8  }
0x11: {  	[smem:$0x3FB0] =	sst s9;
	s0 =	simm.s32 @!p0 $0x0  }
0x12: {  	s1 =	sld [smem:$0x3F96];
	s0 =	simm.s32 @p0 $0x1  }
0x13: {  	[smem:$0x3FB1] =	sst s0;
	s0 =	simm.s32 @!p1 $0x0  }
0x14: {  	s2 =	sld [smem:$0x3F95];
	s0 =	simm.s32 @p1 $0x1  }
0x15: {  	[smem:$0x3FB2] =	sst s0;
	s0 =	simm.s32 @!p2 $0x0  }
0x16: {  	s3 =	sld [smem:$0x3FDB];
	s0 =	simm.s32 @p2 $0x1  }
0x17: {  	s4 =	simm.s32 $0x1BF5;
	[smem:$0x3FB4] =	sst s0  }
0x18: {  	s0 =	sld [smem:$0x3F97];
	_ =	swait.ge [sflag:s4], $0x0  }
0x19: {  	s7 =	sld [smem:$0x3F98]  }
0x1a: {  	s8 =	sadd.s32 $0xFFFFE003, lr  }
0x1b: {  	s9 =	sadd.s32 $0xFFFFFEF7, lr;
	s5 =	simm.s32 $0xFFFFFFFF;
	p2 =	slt.u32 s8, $0xFFFFF086  }
0x1c: {  	p1 =	slt.u32 s9, $0xF7A;
	s5 =	simm.s32 @!p2 $0x0  }
0x1d: {  	s5 =	simm.s32 @p1 $0x1;
	p0 =	seq.s32 s7, s2  }
0x1e: {  	s7 =	smul.u32 @!p0 $0xF7A, s2;
	p2 =	seq.s32 @!p0 s5, $0x0  }
0x1f: {  	s9 =	smul.u32 $0xF7A, s1;
	s8 =	simm.s32 @!p0 $0x1BF5;
	p2 =	por !p2, p0  }
0x20: {  	[sflag:s8] =	ssyncset.s32 @!p0 $0xFFFFF086;
	s6 =	sadd.s32 @!p0 s3, s7;
	s7 =	simm.s32 @!p0 $0x108  }
0x21: {  	s3 =	sadd.s32 s3, s9;
	s6 =	sadd.s32 @!p0 $0x88, s6;
	s7 =	simm.s32 @p2 $0x1082  }
0x22: {  	[simem:s7], [sflag:s8] =	dma.local @!p0 [hbm:s6], $0xF7A  }
0x23: {  	s9 =	sor.u32 $0xD0000000, s2;
	s6 =	simm.s32 $0x108;
	_ =	swait.ge @!p0 [sflag:s8], $0x0  }
0x24: {  	s3 =	sadd.s32 $0x88, s3;
	s6 =	simm.s32 @!p1 $0x1082;
	[sflag:s4] =	ssyncset.s32 $0xFFFFF086  }
0x25: {  	[simem:s6], [sflag:s4] =	dma.local [hbm:s3], $0xF7A  }
0x26: {  	[smem:$0x3F98] =	sst s1;
	(tag) =	ssettag s2;
	_ =	strace s9  }
0x27: {  	s1 =	sld [smem:$0x3FA8]  }
0x28: {  	s2 =	sld [smem:$0x3FA9]  }
0x29: {  	s4 =	sld [smem:$0x3FAB]  }
0x2a: {  	p0 =	seq.s32 s5, $0x0;
	s5 =	sld [smem:$0x3FAC]  }
0x2b: {  	s6 =	sld [smem:$0x3FAD]  }
0x2c: {  	s7 =	sld [smem:$0x3FAE]  }
0x2d: {  	s3 =	simm.s32 $0x108;
	s8 =	sld [smem:$0x3FAF]  }
0x2e: {  	s3 =	simm.s32 @!p0 $0x1082;
	s9 =	sld [smem:$0x3FB0]  }
0x2f: {  	lr =	sadd.s32 s0, s3;
	s0 =	sld [smem:$0x3FA7]  }
0x30: {  	s3 =	sld [smem:$0x3FAA]  }
0x31: {  	[smem:$0x3FB3] =	sst s10  }
0x32: {  	s10 =	sld [smem:$0x3FB1];
	_ =	sdelay $0x3  }
0x33: {  	p0 =	seq.s32 s10, $0x1;
	s10 =	sld [smem:$0x3FB3];
	_ =	sdelay $0x3  }
0x34: {  	[smem:$0x3FB3] =	sst s10  }
0x35: {  	s10 =	sld [smem:$0x3FB2];
	_ =	sdelay $0x3  }
0x36: {  	p1 =	seq.s32 s10, $0x1;
	s10 =	sld [smem:$0x3FB3];
	_ =	sdelay $0x3  }
0x37: {  	[smem:$0x3FB3] =	sst s10  }
0x38: {  	s10 =	sld [smem:$0x3FB4]  }
0x39: {  	_ = 	snop;
	(pc) =	sbr.ind lr, $3  }
0x3a: {  	_ = 	snop  }
0x3b: {  	_ = 	snop  }
0x3c: {  	p2 =	seq.s32 s10, $0x1;
	s10 =	sld [smem:$0x3FB3]  }
0x3d: {  	_ =	shalt  }
0x3e: {  	_ =	shalt  }
0x3f: {  	_ =	shalt  }
0x40: {  	_ =	shalt  }
0x41: {  	_ =	shalt  }
0x42: {  	_ =	shalt  }
0x43: {  	_ =	shalt  }
0x44: {  	_ =	shalt  }
0x45: {  	_ =	shalt  }
0x46: {  	_ =	shalt  }
0x47: {  	_ =	shalt  }
0x48: {  	_ =	shalt  }
0x49: {  	_ =	shalt  }
0x4a: {  	_ =	shalt  }
0x4b: {  	_ =	shalt  }
0x4c: {  	_ =	shalt  }
0x4d: {  	_ =	shalt  }
0x4e: {  	_ =	shalt  }
0x4f: {  	_ =	shalt  }
0x50: {  	_ =	shalt  }
0x51: {  	_ =	shalt  }
0x52: {  	_ =	shalt  }
0x53: {  	_ =	shalt  }
0x54: {  	_ =	shalt  }
0x55: {  	_ =	shalt  }
0x56: {  	_ =	shalt  }
0x57: {  	_ =	shalt  }
0x58: {  	_ =	shalt  }
0x59: {  	_ =	shalt  }
0x5a: {  	_ =	shalt  }
0x5b: {  	_ =	shalt  }
0x5c: {  	_ =	shalt  }
0x5d: {  	_ =	shalt  }
0x5e: {  	_ =	shalt  }
0x5f: {  	_ =	shalt  }
0x60: {  	_ =	shalt  }
0x61: {  	_ =	shalt  }
0x62: {  	_ =	shalt  }
0x63: {  	_ =	shalt  }
0x64: {  	_ =	shalt  }
0x65: {  	_ =	shalt  }
0x66: {  	_ =	shalt  }
0x67: {  	_ =	shalt  }
0x68: {  	_ =	shalt  }
0x69: {  	_ =	shalt  }
0x6a: {  	_ =	shalt  }
0x6b: {  	_ =	shalt  }
0x6c: {  	_ =	shalt  }
0x6d: {  	_ =	shalt  }
0x6e: {  	_ =	shalt  }
0x6f: {  	_ =	shalt  }
0x70: {  	_ =	shalt  }
0x71: {  	_ =	shalt  }
0x72: {  	_ =	shalt  }
0x73: {  	_ =	shalt  }
0x74: {  	_ =	shalt  }
0x75: {  	_ =	shalt  }
0x76: {  	_ =	shalt  }
0x77: {  	_ =	shalt  }
0x78: {  	_ =	shalt  }
0x79: {  	_ =	shalt  }
0x7a: {  	_ =	shalt  }
0x7b: {  	_ =	shalt  }
0x7c: {  	_ =	shalt  }
0x7d: {  	_ =	shalt  }
0x7e: {  	_ =	shalt  }
0x7f: {  	_ =	shalt  }
0x80: {  	_ =	shalt  }
0x81: {  	_ =	shalt  }
0x82: {  	_ =	shalt  }
0x83: {  	_ =	shalt  }
0x84: {  	_ =	shalt  }
0x85: {  	_ =	shalt  }
0x86: {  	_ =	shalt  }
0x87: {  	_ =	shalt  }
.Lfunc_end0:
.L_simem_size_0:
called_computation_lowered:
.L_overlay_start_0:
0x88: {  	s0 =	sld [smem:$0x3FD9]  }
0x89: {  	s1 =	sld [smem:$0x3FFE];
	_ =	sdelay $0x3  }
0x8a: {  	s0 =	sadd.s32 s1, s0  }
0x8b: {  	[smem:$0x3FBF] =	sst s0  }
0x8c: {  	_ = 	snop  }
0x8d: {  	s0 =	sld [smem:$0x3FC9]  }
0x8e: {  	s17 =	sld [smem:$0x3FC8]  }
0x8f: {  	s2 =	sld [smem:$0x3FC7]  }
0x90: {  	s3 =	sld [smem:$0x3FC6]  }
0x91: {  	s4 =	sld [smem:$0x3FC5]  }
0x92: {  	s5 =	sld [smem:$0x3FC4]  }
0x93: {  	s6 =	sld [smem:$0x3FC3]  }
0x94: {  	s7 =	sld [smem:$0x3FC2]  }
0x95: {  	s8 =	sld [smem:$0x3FC1]  }
0x96: {  	s9 =	sld [smem:$0x3FD0];
	(tm) =	ssettm $0x1  }
0x97: {  	s10 =	sld [smem:$0x3FFB];
	_ =	sdelay $0x3  }
0x98: {  	_ =	strace s10  }
0x99: {  	s10 =	sld [smem:$0x3FFC];
	_ =	sdelay $0x3  }
0x9a: {  	_ =	strace s10  }
0x9b: {  	s10 =	sld [smem:$0x3FFD];
	_ =	sdelay $0x3  }
0x9c: {  	_ =	strace s10  }
0x9d: {  	_ =	strace $0x8FFFFFFF  }
0x9e: {  	s18 =	sld [smem:$0x3FDB];
	_ =	sdelay $0x1  }
0x9f: {  	s11 =	simm.s32 $_scs_section_size  }
0xa0: {  	s12 =	simm.s32 $_size__tile_overlayer_lowered;
	s13 =	simm.s32 $_tile_overlayer_lowered  }
0xa1: {  	s21 =	simm.s32 $0x1BFF;
	s20 =	sshll.u32 s13, $0x1;
	s10 =	sadd.s32 s11, s18  }
0xa2: {  	s14 =	simm.s32 $0x0;
	s19 =	sshll.u32 s12, $0x1;
	s12 =	sadd.s32 s20, s10  }
0xa3: {  	[timem:s14], [sflag:s21] =	dma.local [hbm:s12], s19  }
0xa4: {  	_ =	swait.ge [sflag:s21], s19  }
0xa5: {  	s11 =	ssub.s32 $0x0, s19;
	[sflag:s21] =	ssyncset.done $0x0  }
0xa6: {  	[sflag:s21] =	ssyncadd.s32 s11;
	_ =	sdelay $0x1  }
0xa7: {  	s22 =	simm.s32 $0x1B8B  }
0xa8: {  	_ =	swait.ge [sflag:s22], $0x1  }
0xa9: {  	[sflag:s22] =	ssyncset.done $0x0  }
0xaa: {  	s23 =	simm.s32 $0x1B8E;
	[sflag:s22] =	ssyncadd.s32 $0xFFFFFFFF  }
0xab: {  	s24 =	simm.s32 $execute0_lowered;
	[smem:$0x3FD2] =	sst s23  }
0xac: {  	s11 =	sshll.u32 s24, $0x1;
	_ =	strace $0x80000046;
	[dreg:$0x1] =	wrdreg $0xFFFFFFFF  }
0xad: {  	s25 =	simm.s32 $_size_execute0_lowered;
	s10 =	sadd.s32 s10, s11;
	[dreg:$0x0] =	wrdreg $0x0  }
0xae: {  	s11 =	sshll.u32 s25, $0x1;
	[dreg:$0x2] =	wrdreg s10  }
0xaf: {  	[dreg:$0x3] =	wrdreg s11  }
0xb0: {  	[dreg:$0x4] =	wrdreg $0xC0  }
0xb1: {  	_ =	task [dreg:s14], $0x5FFFF  }
0xb2: {  	[dreg:$0x1] =	wrdreg $0xFFFFFFFF  }
0xb3: {  	[dreg:$0x0] =	wrdreg $0x60  }
0xb4: {  	[dreg:$0x2] =	wrdreg s0  }
0xb5: {  	[dreg:$0x3] =	wrdreg s17  }
0xb6: {  	[dreg:$0x4] =	wrdreg s2  }
0xb7: {  	[dreg:$0x5] =	wrdreg s3  }
0xb8: {  	[dreg:$0x6] =	wrdreg s4  }
0xb9: {  	[dreg:$0x7] =	wrdreg s5  }
0xba: {  	[dreg:$0x8] =	wrdreg s6  }
0xbb: {  	[dreg:$0x9] =	wrdreg s7  }
0xbc: {  	[dreg:$0xa] =	wrdreg s8  }
0xbd: {  	[dreg:$0xb] =	wrdreg s9  }
0xbe: {  	[dreg:$0xc] =	wrdreg $0x9  }
0xbf: {  	_ =	task.clear_ibuf [dreg:s14], $0xDFFFF;
	_ =	strace $0x90000046  }
0xc0: {  	s26 =	simm.s32 $0x9;
	_ =	strace $0x80000048  }
0xc1: {  	_ =	swait.ge [sflag:s26], $0x1  }
0xc2: {  	[sflag:s26] =	ssyncadd.s32 $0xFFFFFFFF  }
0xc3: {  	_ =	strace $0x90000048  }
0xc4: {  	_ =	sfence  }
0xc5: {  	s28 =	sld [smem:$0x0];
	_ =	sdelay $0x1  }
0xc6: {  	s29 =	srdreg.scid  }
0xc7: {  	s30 =	sshll.u32 s29, $0xD;
	s31 =	sshrl.u32 s29, $0x2  }
0xc8: {  	s1 =	sand.u32 $0x1, s29;
	s2 =	sand.u32 $0x4000, s30;
	s0 =	sadd.s32 s31, s28  }
0xc9: {  	s1 =	sor.u32 s2, s1;
	s0 =	sshll.u32 s0, $0x11  }
0xca: {  	s0 =	sor.u32 s0, s1  }
0xcb: {  	s0 =	sadd.s32 $0x8F2B, s0  }
0xcc: {  	[sflag:s0] =	ssyncadd.remote.s32 $0x1  }
0xcd: {  	_ =	sfence.sel $0xFFFF  }
0xce: {  	[dreg:$0x0] =	wrdreg $0xFFFFFFFF;
	(pc) =	sbr.abs _section_cstart, $3  }
0xcf: {  	[dreg:$0x1] =	wrdreg $0xFFFFFFFF  }
0xd0: {  	_ =	task.clear_ibuf [dreg:s14], $0x2FFFF;
	_ =	strace $0x9FFFFFFF  }
0xd1: {  	(tm) =	ssettm $0x7FFFFFFF  }
tec
execute0_lowered:
.L_overlay_start_1:
0x0: {  	(tag) =	ssettag $0x1  }
0x1: {  	s9 =	rddreg [dreg:$0x0]  }
0x2: {  	s8 =	rddreg [dreg:$0x1]  }
0x3: {  	s6 =	rddreg [dreg:$0x2]  }
0x4: {  	s10 =	rddreg [dreg:$0x3]  }
0x5: {  	s7 =	rddreg [dreg:$0x4]  }
0x6: {  	s5 =	rddreg [dreg:$0x5];
	s1 =	stileid.u32  }
0x7: {  	s4 =	rddreg [dreg:$0x6];
	p0 =	sgt.u32 s1, $0x1  }
.Ltmp0:
0x8: {  	s12 =	rddreg [dreg:$0x7];
	(pc) =	sbr.rel @p0 .LBB2_4-.Ltmp0, $4  }
0x9: {  	s11 =	rddreg [dreg:$0x8]  }
0xa: {  	s2 =	rddreg [dreg:$0x9];
	s0 =	simm.s32 $0x0  }
0xb: {  	[smem:$0x7FF] =	sst s0  }
0xc: {  	s0 =	rddreg [dreg:$0xa];
	_ =	strace $0x80000047  }
0xd: {  	s3 =	sand.u32 $0x1, s1  }
0xe: {  	p0 =	seq.s32 s3, $0x1  }
.Ltmp1:
0xf: {  	_ = 	snop;
	(pc) =	sbr.rel @!p0 .LBB2_2-.Ltmp1, $1  }
0x10: {  	_ =	sdelay $0x3  }
0x11: {  	s3 =	simm.s32 $0x0;
	s4 =	simm.s32 $0x180  }
0x12: {  	[tilespmem:s4], [sflag:$0x2] =	stream.linear.gather [hbm4b:s10+s3], $0x80, $0x38;
	[tilespmem:$0x1380] =	vst v63  }
0x13: {  	s26 =	simm.s32 $0x200  }
0x14: {  	[tilespmem:s26], [sflag:$0x2] =	stream.linear.gather [hbm4b:s12+s3], $0x800, $0x38;
	[tilespmem:$0x1380] =	vst v63  }
0x15: {  	s28 =	simm.s32 $0xA00;
	s29 =	simm.s32 $0x2  }
0x16: {  	[tilespmem:s28], [sflag:$0x2] =	stream.linear.gather [hbm4b:s11+s3], $0x80, $0x38;
	[tilespmem:$0x1380] =	vst v63  }
0x17: {  	_ =	swait.ge [sflag:s29], $0x80  }
0x18: {  	[sflag:s29] =	ssyncset.done $0x0  }
0x19: {  	[sflag:s29] =	ssyncadd.s32 $0xFFFFFF80  }
0x1a: {  	_ =	swait.ge [sflag:s29], $0x800  }
0x1b: {  	[sflag:s29] =	ssyncset.done $0x0  }
0x1c: {  	[sflag:s29] =	ssyncadd.s32 $0xFFFFF800  }
0x1d: {  	_ =	swait.ge [sflag:s29], $0x80  }
0x1e: {  	v4 =	vimm.s32 $0xFEDCBA98;
	v5 =	vimm.s32 $0x76543210;
	[sflag:s29] =	ssyncset.done $0x0  }
0x1f: {  	v46 =	vimm.s32 $0xBA98FEDC;
	v47 =	vimm.s32 $0x32107654;
	[sflag:s29] =	ssyncadd.s32 $0xFFFFFF80  }
0x20: {  	v9 =	vimm.s32 $0xDCFE98BA;
	v10 =	vimm.s32 $0x54761032;
	v0 =	vld [tilespmem:$0x180]  }
0x21: {  	vm0 =	vmmov $0x3ff;
	v54 =	vimm.s32 $0xEFCDAB89;
	v12 =	vimm.s32 $0x67452301;
	v1 =	vld [tilespmem:$0x186]  }
0x22: {  	vm1 =	vmmov $0x1;
	vm13 =	vcmask $0x308;
	vm14 =	vcmask $0x70C;
	v2 =	vld [tilespmem:$0x206]  }
0x23: {  	vm15 =	vcmask $0xB10;
	vm4 =	vcmask $0xF14;
	vm5 =	vcmask $0x1318;
	v3 =	vld [tilespmem:$0x200]  }
0x24: {  	vm6 =	vcmask $0x171C;
	vm7 =	vcmask $0x1B20;
	vm8 =	vcmask $0x1F24;
	v6 =	vld [tilespmem:$0x286]  }
0x25: {  	vm9 =	vcmask $0x2328;
	vm10 =	vcmask $0x272C;
	v4 =	vunpack.c.l.s4.s8 v4;
	v7 =	vld [tilespmem:$0x280]  }
0x26: {  	v5 =	vunpack.c.l.s4.s8 v5;
	v9 =	vunpack.c.l.s4.s8 v9;
	v10 =	vunpack.c.l.s4.s8 v10;
	v11 =	vld [tilespmem:$0x306]  }
0x27: {  	vm11 =	vcmask $0x2B30;
	v12 =	vunpack.c.l.s4.s8 v12;
	v4 =	vunpack.c.0.s8.s32 v4;
	v13 =	vld [tilespmem:$0x386]  }
0x28: {  	v5 =	vunpack.c.0.s8.s32 v5;
	v51 =	vunpack.c.0.s8.s32 v9;
	v52 =	vunpack.c.0.s8.s32 v10;
	v14 =	vld [tilespmem:$0x380]  }
0x29: {  	v9 =	vunpack.c.l.s4.s8 v54;
	v57 =	vunpack.c.0.s8.s32 v12;
	v45 =	vand.u32 $0xF, v4;
	v16 =	vld [tilespmem:$0x400]  }
0x2a: {  	v4 =	vunpack.c.l.s4.s8 v46;
	v29 =	vld [tilespmem:$0x480];
	v2 =	vmul.f32 v2, v1;
	v3 =	vmul.f32 v3, v0  }
0x2b: {  	v56 =	vunpack.c.0.s8.s32 v9;
	v33 =	vld [tilespmem:$0x500];
	v6 =	vmul.f32 v6, v1;
	v49 =	vmul.f32 v7, v0  }
0x2c: {  	v4 =	vunpack.c.0.s8.s32 v4;
	v38 =	vld [tilespmem:$0x586];
	v7 =	vcombine.low v52, v51;
	v11 =	vmul.f32 v11, v1  }
0x2d: {  	v62 =	vmul.f32 v13, v1;
	v17 =	vmul.f32 v14, v0;
	v2 =	vsel vm0, $0x0, v2  }
0x2e: {  	v50 =	vld [tilespmem:$0x300];
	v3 =	vadd.f32 v2, v3;
	v2 =	vcombine.low v45, v5;
	v5 =	vunpack.c.l.s4.s8 v47  }
0x2f: {  	v59 =	vld [tilespmem:$0x406];
	v21 =	vmul.f32 v16, v0;
	v35 =	vmul.f32 v29, v0;
	v9 =	vsel vm0, $0x0, v62  }
0x30: {  	v42 =	vld [tilespmem:$0x606];
	v14 =	vmul.f32 v33, v0;
	v9 =	vadd.f32 v9, v17;
	v5 =	vunpack.c.0.s8.s32 v5  }
0x31: {  	v12 =	vmul.f32 v38, v1;
	v6 =	vsel vm0, $0x0, v6;
	v8 =	vperm.xlane v3, v2  }
0x32: {  	v23 =	vperm.xlane v9, v2;
	v48 =	vcombine.low v5, v4;
	v4 =	vadd.f32 v6, v49  }
0x33: {  	v11 =	vsel vm0, $0x0, v11;
	v8 =	vadd.f32 v3, v8;
	v5 =	vmul.f32 v50, v0  }
0x34: {  	v31 =	vld [tilespmem:$0x506];
	v9 =	vadd.f32 v9, v23;
	v3 =	vand.u32 $0xF, v48;
	v55 =	vperm.xlane v4, v2  }
0x35: {  	v49 =	vld [tilespmem:$0x686];
	v5 =	vadd.f32 v11, v5;
	v11 =	vmul.f32 v59, v1;
	v48 =	vmul.f32 v42, v1  }
0x36: {  	v27 =	vld [tilespmem:$0x486];
	v12 =	vsel vm0, $0x0, v12;
	v53 =	vperm.xlane v8, v3;
	v28 =	vperm.xlane v9, v3  }
0x37: {  	v10 =	vadd.f32 v4, v55;
	v4 =	vand.u32 $0xF, v7;
	v15 =	vperm.xlane v5, v2  }
0x38: {  	v40 =	vld [tilespmem:$0x580];
	v7 =	vcombine.low v57, v56;
	v11 =	vsel vm0, $0x0, v11;
	v13 =	vsel vm0, $0x0, v48  }
0x39: {  	v44 =	vld [tilespmem:$0x600];
	v6 =	vadd.f32 v8, v53;
	v8 =	vadd.f32 v11, v21;
	v11 =	vmul.f32 v31, v1  }
0x3a: {  	v50 =	vld [tilespmem:$0x680];
	v9 =	vadd.f32 v9, v28;
	v55 =	vmul.f32 v49, v1;
	v58 =	vperm.xlane v10, v3  }
0x3b: {  	v63 =	vadd.f32 v5, v15;
	v15 =	vmul.f32 v27, v1;
	v60 =	vperm.xlane v6, v4  }
0x3c: {  	v5 =	vand.u32 $0xF, v7;
	v26 =	vperm.xlane v8, v2;
	v34 =	vperm.xlane v9, v4  }
0x3d: {  	v11 =	vsel vm0, $0x0, v11;
	v61 =	vadd.f32 v10, v58;
	v19 =	vperm.xlane v63, v3  }
0x3e: {  	v36 =	vsel vm0, $0x0, v15;
	v43 =	vadd.f32 v11, v14;
	v15 =	vmul.f32 v40, v0  }
0x3f: {  	v11 =	vmul.f32 v44, v0;
	v14 =	vmul.f32 v50, v0;
	v6 =	vadd.f32 v6, v60  }
0x40: {  	v40 =	vld [tilespmem:$0x906];
	v8 =	vadd.f32 v8, v26;
	v9 =	vadd.f32 v9, v34;
	v18 =	vperm.xlane v61, v4  }
0x41: {  	v10 =	vadd.f32 v63, v19;
	v46 =	vperm.xlane v43, v2;
	v12 =	vadd.f32 v12, v15  }
0x42: {  	v26 =	vld [tilespmem:$0x780];
	v11 =	vadd.f32 v13, v11;
	v20 =	vperm.xlane v6, v5;
	v32 =	vperm.xlane v8, v3  }
0x43: {  	v31 =	vld [tilespmem:$0x800];
	v58 =	vsel vm0, $0x0, v55;
	v39 =	vperm.xlane v9, v5;
	v25 =	vperm.xlane v10, v4  }
0x44: {  	v22 =	vld [tilespmem:$0xA00];
	v7 =	vadd.f32 v61, v18;
	v15 =	vperm.xlane v12, v2;
	v54 =	vperm.xlane v11, v2  }
0x45: {  	v63 =	vld [tilespmem:$0x700];
	v6 =	vadd.f32 v6, v20;
	v9 =	vadd.f32 v9, v39;
	v48 =	vmul.f32 v40, v1  }
0x46: {  	v24 =	vperm.xlane v7, v5;
	v10 =	vadd.f32 v10, v25;
	v53 =	vadd.f32 v12, v15  }
0x47: {  	v11 =	vadd.f32 v11, v54;
	v12 =	vadd.f32 v58, v14;
	v33 =	vmul.f32 v26, v0  }
0x48: {  	v62 =	vld [tilespmem:$0x706];
	v15 =	vmul.f32 v31, v0;
	v6 =	vnsel vm1, $0x0, v6;
	v7 =	vadd.f32 v7, v24  }
0x49: {  	v23 =	vld [tilespmem:$0x786];
	v9 =	vsel vm15, $0x0, v9;
	v6 =	vadd.f32 v6, v22;
	v30 =	vperm.xlane v10, v5  }
0x4a: {  	v25 =	vmul.f32 v63, v0;
	v57 =	vperm.xlane v53, v3;
	v7 =	vsel vm13, $0x0, v7  }
0x4b: {  	v14 =	vperm.xlane v12, v2;
	v10 =	vadd.f32 v10, v30;
	v6 =	vadd.f32 v7, v6  }
0x4c: {  	v61 =	vperm.xlane v11, v3;
	v7 =	vadd.f32 v8, v32;
	v8 =	vadd.f32 v36, v35  }
0x4d: {  	v22 =	vmul.f32 v62, v1;
	v60 =	vadd.f32 v53, v57;
	v12 =	vadd.f32 v12, v14  }
0x4e: {  	v29 =	vld [tilespmem:$0x806];
	v30 =	vmul.f32 v23, v1;
	v10 =	vsel vm14, $0x0, v10;
	v41 =	vperm.xlane v8, v2  }
0x4f: {  	v36 =	vld [tilespmem:$0x886];
	v20 =	vperm.xlane v12, v3;
	v6 =	vadd.f32 v10, v6;
	v10 =	vadd.f32 v43, v46  }
0x50: {  	v16 =	vperm.xlane v60, v4;
	v37 =	vperm.xlane v7, v4;
	v8 =	vadd.f32 v8, v41  }
0x51: {  	v42 =	vld [tilespmem:$0x900];
	v35 =	vsel vm0, $0x0, v30;
	v24 =	vadd.f32 v12, v20;
	v51 =	vperm.xlane v10, v3  }
0x52: {  	v44 =	vld [tilespmem:$0x986];
	v7 =	vadd.f32 v7, v37;
	v6 =	vadd.f32 v9, v6;
	v47 =	vperm.xlane v8, v3  }
0x53: {  	v12 =	vmul.f32 v29, v1;
	v37 =	vadd.f32 v35, v33;
	v9 =	vadd.f32 v10, v51  }
0x54: {  	v28 =	vperm.xlane v24, v4;
	v43 =	vmul.f32 v36, v1;
	v8 =	vadd.f32 v8, v47  }
0x55: {  	v41 =	vsel vm0, $0x0, v12;
	v45 =	vperm.xlane v7, v5;
	v56 =	vperm.xlane v9, v4  }
0x56: {  	v12 =	vmul.f32 v42, v0;
	v10 =	vadd.f32 v11, v61;
	v52 =	vperm.xlane v8, v4  }
0x57: {  	v1 =	vmul.f32 v44, v1;
	v7 =	vadd.f32 v7, v45;
	v9 =	vadd.f32 v9, v56  }
0x58: {  	v11 =	vadd.f32 v41, v15;
	v18 =	vperm.xlane v10, v4;
	v8 =	vadd.f32 v8, v52  }
0x59: {  	v1 =	vsel vm0, $0x0, v1;
	v7 =	vsel vm4, $0x0, v7;
	v13 =	vperm.xlane v9, v5  }
0x5a: {  	v10 =	vadd.f32 v10, v18;
	v6 =	vadd.f32 v7, v6;
	v59 =	vperm.xlane v8, v5  }
0x5b: {  	v38 =	vld [tilespmem:$0x880];
	v18 =	vperm.xlane v11, v2;
	v7 =	vadd.f32 v60, v16;
	v9 =	vadd.f32 v9, v13  }
0x5c: {  	v46 =	vld [tilespmem:$0x980];
	v27 =	vperm.xlane v10, v5;
	v13 =	vsel vm0, $0x0, v22;
	v8 =	vadd.f32 v8, v59  }
0x5d: {  	v21 =	vperm.xlane v7, v5;
	v19 =	vsel vm6, $0x0, v9;
	v9 =	vadd.f32 v13, v25  }
0x5e: {  	v11 =	vadd.f32 v11, v18;
	v10 =	vadd.f32 v10, v27;
	v8 =	vsel vm5, $0x0, v8  }
0x5f: {  	v7 =	vadd.f32 v7, v21;
	v13 =	vperm.xlane v9, v2;
	v6 =	vadd.f32 v8, v6  }
0x60: {  	v32 =	vsel vm8, $0x0, v10;
	v10 =	vmul.f32 v38, v0;
	v8 =	vadd.f32 v24, v28  }
0x61: {  	v0 =	vmul.f32 v46, v0;
	v9 =	vadd.f32 v9, v13;
	v6 =	vadd.f32 v19, v6  }
0x62: {  	v7 =	vsel vm7, $0x0, v7;
	v13 =	vperm.xlane v37, v2;
	v34 =	vperm.xlane v8, v5  }
0x63: {  	v0 =	vadd.f32 v1, v0;
	v39 =	vperm.xlane v9, v3;
	v6 =	vadd.f32 v7, v6  }
0x64: {  	v8 =	vadd.f32 v8, v34;
	v7 =	vadd.f32 v37, v13;
	v13 =	vsel vm0, $0x0, v43  }
0x65: {  	v9 =	vadd.f32 v9, v39;
	v47 =	vadd.f32 v13, v10;
	v10 =	vsel vm0, $0x0, v48  }
0x66: {  	v6 =	vadd.f32 v32, v6;
	v8 =	vsel vm9, $0x0, v8;
	v17 =	vperm.xlane v7, v3  }
0x67: {  	v10 =	vadd.f32 v10, v12;
	v45 =	vperm.xlane v9, v4;
	v13 =	vperm.xlane v47, v2  }
0x68: {  	v50 =	vperm.xlane v11, v3;
	v6 =	vadd.f32 v8, v6;
	v7 =	vadd.f32 v7, v17  }
0x69: {  	v52 =	vperm.xlane v10, v2;
	v8 =	vadd.f32 v9, v45;
	v9 =	vadd.f32 v47, v13  }
0x6a: {  	vm12 =	vcmask $0x2F34;
	v11 =	vadd.f32 v11, v50;
	v2 =	vperm.xlane v0, v2  }
0x6b: {  	v51 =	vperm.xlane v7, v4;
	v1 =	vadd.f32 v10, v52;
	v53 =	vperm.xlane v9, v3  }
0x6c: {  	v54 =	vperm.xlane v11, v4;
	v0 =	vadd.f32 v0, v2;
	v49 =	vperm.xlane v8, v5  }
0x6d: {  	v7 =	vadd.f32 v7, v51;
	v55 =	vperm.xlane v1, v3;
	v9 =	vadd.f32 v9, v53  }
0x6e: {  	v10 =	vadd.f32 v11, v54;
	v3 =	vperm.xlane v0, v3;
	v8 =	vadd.f32 v8, v49  }
0x6f: {  	v56 =	vperm.xlane v7, v5;
	v1 =	vadd.f32 v1, v55;
	v57 =	vperm.xlane v9, v4  }
0x70: {  	v59 =	vperm.xlane v10, v5;
	v0 =	vadd.f32 v0, v3;
	v8 =	vsel vm10, $0x0, v8  }
0x71: {  	v2 =	vadd.f32 v7, v56;
	v60 =	vperm.xlane v1, v4;
	v58 =	vadd.f32 v9, v57  }
0x72: {  	v6 =	vadd.f32 v8, v6;
	v8 =	vadd.f32 v10, v59;
	v4 =	vperm.xlane v0, v4  }
0x73: {  	v2 =	vsel vm11, $0x0, v2;
	v1 =	vadd.f32 v1, v60;
	v61 =	vperm.xlane v58, v5  }
0x74: {  	v62 =	vsel vm12, $0x0, v8;
	v2 =	vadd.f32 v2, v6  }
0x75: {  	v0 =	vadd.f32 v0, v4;
	v63 =	vperm.xlane v1, v5;
	v3 =	vadd.f32 v58, v61  }
0x76: {  	vm13 =	vcmask $0x3338;
	v2 =	vadd.f32 v62, v2  }
0x77: {  	v4 =	vperm.xlane v0, v5;
	v1 =	vadd.f32 v1, v63;
	v3 =	vsel vm13, $0x0, v3  }
0x78: {  	vm14 =	vcmask $0x373C;
	v2 =	vadd.f32 v3, v2  }
0x79: {  	v0 =	vadd.f32 v0, v4;
	v1 =	vsel vm14, $0x0, v1  }
0x7a: {  	vm15 =	vmmov $0x7fff;
	v1 =	vadd.f32 v1, v2  }
0x7b: {  	v0 =	vsel vm15, $0x0, v0  }
0x7c: {  	v0 =	vadd.f32 v0, v1  }
0x7d: {  	s2 =	sadd.s32 $0x30, s2  }
.Ltmp2:
0x7e: {  	s30 =	simm.s32 $0x1300;
	s31 =	simm.s32 $0x4;
	[tilespmem:$0x1300] =	vst v0;
	(pc) =	sbr.rel .LBB2_4-.Ltmp2, $4  }
0x7f: {  	[hbm4b:s2+s3] =	stream.linear.scatter [tilespmem:s30], [sflag:$0x4], $0x10, $0x38;
	[tilespmem:$0x1380] =	vst v63  }
0x80: {  	_ =	swait.ge [sflag:s31], $0x10  }
0x81: {  	[sflag:s31] =	ssyncset.done $0x0  }
0x82: {  	[sflag:s31] =	ssyncadd.s32 $0xFFFFFFF0  }
.LBB2_2:
0x83: {  	s3 =	simm.s32 $0x0  }
0x84: {  	[tilespmem:s3], [sflag:$0x1] =	stream.linear.gather [hbm4b:s9+s3], $0x1, $0x38;
	[tilespmem:$0x1380] =	vst v63  }
0x85: {  	s22 =	simm.s32 $0x80  }
0x86: {  	[tilespmem:s22], [sflag:$0x1] =	stream.linear.gather [hbm4b:s8+s3], $0x1, $0x38;
	[tilespmem:$0x1380] =	vst v63  }
0x87: {  	s23 =	simm.s32 $0x100  }
0x88: {  	[tilespmem:s23], [sflag:$0x1] =	stream.linear.gather [hbm4b:s6+s3], $0x5, $0x38;
	[tilespmem:$0x1380] =	vst v63  }
0x89: {  	s24 =	simm.s32 $0xA80  }
0x8a: {  	[tilespmem:s24], [sflag:$0x3] =	stream.linear.gather [hbm4b:s7+s3], $0x200, $0x38;
	[tilespmem:$0x1380] =	vst v63  }
0x8b: {  	s25 =	simm.s32 $0xC80  }
0x8c: {  	[tilespmem:s25], [sflag:$0x3] =	stream.linear.gather [hbm4b:s5+s3], $0x100, $0x38;
	[tilespmem:$0x1380] =	vst v63  }
0x8d: {  	s26 =	simm.s32 $0xD80;
	s28 =	simm.s32 $0x1  }
0x8e: {  	[tilespmem:s26], [sflag:$0x3] =	stream.linear.gather [hbm4b:s4+s3], $0x400, $0x38;
	[tilespmem:$0x1380] =	vst v63  }
0x8f: {  	_ =	swait.ge [sflag:s28], $0x1  }
0x90: {  	[sflag:s28] =	ssyncset.done $0x0  }
0x91: {  	[sflag:s28] =	ssyncadd.s32 $0xFFFFFFFF  }
0x92: {  	_ =	swait.ge [sflag:s28], $0x1  }
0x93: {  	[sflag:s28] =	ssyncset.done $0x0  }
0x94: {  	[sflag:s28] =	ssyncadd.s32 $0xFFFFFFFF  }
0x95: {  	_ =	swait.ge [sflag:s28], $0x5  }
0x96: {  	[sflag:s28] =	ssyncset.done $0x0  }
0x97: {  	[sflag:s28] =	ssyncadd.s32 $0xFFFFFFFB  }
0x98: {  	v0 =	vld [tilespmem:$0x0]  }
0x99: {  	s29 =	simm.s32 $0x3;
	v1 =	vld [tilespmem:$0x80]  }
0x9a: {  	v2 =	vld [tilespmem:$0x100];
	_ =	swait.ge [sflag:s29], $0x200  }
0x9b: {  	[sflag:s29] =	ssyncset.done $0x0  }
0x9c: {  	[sflag:s29] =	ssyncadd.s32 $0xFFFFFE00  }
0x9d: {  	_ =	swait.ge [sflag:s29], $0x100  }
0x9e: {  	[sflag:s29] =	ssyncset.done $0x0  }
0x9f: {  	[sflag:s29] =	ssyncadd.s32 $0xFFFFFF00  }
0xa0: {  	_ =	swait.ge [sflag:s29], $0x400  }
0xa1: {  	[sflag:s29] =	ssyncset.done $0x0  }
0xa2: {  	[sflag:s29] =	ssyncadd.s32 $0xFFFFFC00  }
0xa3: {  	v9 =	vld [tilespmem:$0xA80]  }
0xa4: {  	v11 =	vld [tilespmem:$0xB00]  }
0xa5: {  	v17 =	vld [tilespmem:$0xB80]  }
0xa6: {  	v12 =	vld [tilespmem:$0xC00]  }
0xa7: {  	v3 =	vimm.s32 $0x0;
	v48 =	vimm.s32 $0x1;
	v4 =	vld [tilespmem:$0xC80]  }
0xa8: {  	v49 =	vimm.s32 $0x2;
	v50 =	vimm.s32 $0x3;
	v7 =	vperm.xlane v0, v3;
	v47 =	vld [tilespmem:$0xD00]  }
0xa9: {  	v51 =	vimm.s32 $0x4;
	v13 =	vperm.xlane v1, v3;
	v41 =	vperm.xlane v2, v3;
	v10 =	vld [tilespmem:$0xD80]  }
0xaa: {  	v16 =	vimm.f32 $0.0e+00;
	v44 =	vperm.xlane v2, v49;
	v8 =	vperm.xlane v2, v50;
	v34 =	vld [tilespmem:$0xE00]  }
0xab: {  	v36 =	vperm.xlane v2, v51;
	vm0 =	veq.s32 v41, $0x0;
	vm9 =	veq.s32 v7, $0x0;
	v33 =	vld [tilespmem:$0xE80]  }
0xac: {  	vm10 =	veq.s32 v44, $0x0;
	vm11 =	veq.s32 v7, $0x1;
	vm12 =	veq.s32 v8, $0x0;
	v30 =	vld [tilespmem:$0xF00]  }
0xad: {  	vm13 =	veq.s32 v36, $0x0;
	vm14 =	veq.s32 v41, $0x1;
	vm4 =	veq.s32 v44, $0x1;
	v27 =	vld [tilespmem:$0xF80]  }
0xae: {  	vm5 =	veq.s32 v8, $0x1;
	vm6 =	veq.s32 v36, $0x1;
	vm7 =	veq.s32 v41, $0x2;
	v25 =	vld [tilespmem:$0x1000]  }
0xaf: {  	v52 =	vsel vm0, $0x3E4CCCCD, v16;
	v1 =	vsel vm9, $0x3F800000, v16;
	v55 =	vsel vm10, $0x3E4CCCCD, v16;
	v22 =	vld [tilespmem:$0x1080]  }
0xb0: {  	v14 =	vsel vm11, $0x3F800000, v16;
	v56 =	vsel vm12, $0x3E4CCCCD, v16;
	v57 =	vsel vm13, $0x3E4CCCCD, v16;
	v18 =	vld [tilespmem:$0x1100]  }
0xb1: {  	v5 =	vsel vm14, $0x3E4CCCCD, v16;
	v28 =	vsel vm4, $0x3E4CCCCD, v16;
	v29 =	vsel vm5, $0x3E4CCCCD, v16;
	v24 =	vld [tilespmem:$0xA90]  }
0xb2: {  	v32 =	vsel vm6, $0x3E4CCCCD, v16;
	v31 =	vsel vm7, $0x3E4CCCCD, v16;
	vm9 =	veq.s32 v44, $0x2;
	v26 =	vld [tilespmem:$0xB10]  }
0xb3: {  	vm0 =	veq.s32 v7, $0x2;
	vm10 =	veq.s32 v8, $0x2;
	vm11 =	veq.s32 v36, $0x2;
	v23 =	vld [tilespmem:$0xB90]  }
0xb4: {  	vm12 =	veq.s32 v41, $0x3;
	vm14 =	veq.s32 v44, $0x3;
	vm4 =	veq.s32 v36, $0x3;
	v20 =	vld [tilespmem:$0xC10]  }
0xb5: {  	vm5 =	veq.s32 v41, $0x4;
	vm7 =	veq.s32 v44, $0x4;
	v21 =	vld [tilespmem:$0xC90];
	v39 =	vsel vm9, $0x3E4CCCCD, v16  }
0xb6: {  	v19 =	vld [tilespmem:$0xD10];
	v43 =	vsel vm10, $0x3E4CCCCD, v16;
	v59 =	vsel vm11, $0x3E4CCCCD, v16;
	v60 =	vsel vm12, $0x3E4CCCCD, v16  }
0xb7: {  	v49 =	vld [tilespmem:$0xE10];
	v45 =	vsel vm14, $0x3E4CCCCD, v16;
	v51 =	vsel vm4, $0x3E4CCCCD, v16;
	vm9 =	veq.s32 v36, $0x4  }
0xb8: {  	v46 =	vld [tilespmem:$0xE90];
	vm10 =	veq.s32 v41, $0x5;
	vm12 =	veq.s32 v44, $0x5;
	[tilespmem:$0x1FFF0] =	vst v47;
	v47 =	vperm.xlane v2, v48  }
0xb9: {  	v42 =	vld [tilespmem:$0xF10];
	vm14 =	veq.s32 v36, $0x5;
	v15 =	vsel vm9, $0x3E4CCCCD, v16;
	vm9 =	veq.s32 v36, $0x6  }
0xba: {  	v38 =	vld [tilespmem:$0xF90];
	vm1 =	veq.s32 v47, $0x0;
	vm15 =	veq.s32 v47, $0x1;
	vm8 =	veq.s32 v47, $0x2  }
0xbb: {  	v37 =	vld [tilespmem:$0x1010];
	vm13 =	veq.s32 v47, $0x3;
	vm6 =	veq.s32 v47, $0x4;
	vm11 =	veq.s32 v47, $0x5  }
0xbc: {  	v40 =	vld [tilespmem:$0xAA0];
	vm4 =	veq.s32 v47, $0x6;
	v53 =	vsel vm1, $0x3E4CCCCD, v16;
	v6 =	vsel vm15, $0x3E4CCCCD, v16  }
0xbd: {  	v48 =	vld [tilespmem:$0xD90];
	v35 =	vsel vm8, $0x3E4CCCCD, v16;
	v61 =	vsel vm13, $0x3E4CCCCD, v16;
	vm15 =	veq.s32 v8, $0x3  }
0xbe: {  	vm8 =	veq.s32 v8, $0x4;
	v54 =	vadd.f32 v53, v52;
	v62 =	vadd.f32 v35, v31;
	v31 =	vld [tilespmem:$0x1090]  }
0xbf: {  	v58 =	vadd.f32 v6, v5;
	v52 =	vsel vm5, $0x3E4CCCCD, v16;
	v53 =	vsel vm6, $0x3E4CCCCD, v16;
	v35 =	vld [tilespmem:$0xC20]  }
0xc0: {  	vm13 =	veq.s32 v8, $0x5;
	v6 =	vadd.f32 v61, v60;
	v61 =	vadd.f32 v53, v52;
	v53 =	vld [tilespmem:$0xAB0]  }
0xc1: {  	v50 =	vsel vm15, $0x3E4CCCCD, v16;
	vm15 =	veq.s32 v41, $0x6;
	v3 =	vadd.f32 v28, v58;
	v28 =	vld [tilespmem:$0x1110]  }
0xc2: {  	vm5 =	veq.s32 v44, $0x6;
	vm6 =	veq.s32 v8, $0x6;
	v63 =	vadd.f32 v39, v62;
	v39 =	vld [tilespmem:$0xBA0]  }
0xc3: {  	v60 =	vsel vm15, $0x3E4CCCCD, v16;
	vm15 =	veq.s32 v13, $0x1;
	v2 =	vadd.f32 v55, v54;
	v58 =	vld [tilespmem:$0xEA0]  }
0xc4: {  	v54 =	vsel vm7, $0x3E4CCCCD, v16;
	v55 =	vsel vm8, $0x3E4CCCCD, v16;
	vm7 =	veq.s32 v41, $0x7;
	v41 =	vld [tilespmem:$0x1120]  }
0xc5: {  	v0 =	vadd.f32 v45, v6;
	v62 =	vsel vm10, $0x3E4CCCCD, v16;
	vm8 =	veq.s32 v47, $0x7;
	v47 =	vld [tilespmem:$0xC30]  }
0xc6: {  	vm10 =	veq.s32 v44, $0x7;
	v45 =	vadd.f32 v54, v61;
	v54 =	vld [tilespmem:$0xE20];
	v61 =	vsel vm4, $0x3E4CCCCD, v16  }
0xc7: {  	v44 =	vsel vm10, $0x3E4CCCCD, v16;
	v3 =	vadd.f32 v29, v3;
	v29 =	vadd.f32 v43, v63;
	v43 =	vld [tilespmem:$0xB20]  }
0xc8: {  	v2 =	vadd.f32 v56, v2;
	v5 =	vadd.f32 v50, v0;
	v63 =	vsel vm11, $0x3E4CCCCD, v16;
	v56 =	vld [tilespmem:$0xDA0]  }
0xc9: {  	v0 =	vsel vm12, $0x3E4CCCCD, v16;
	v50 =	vld [tilespmem:$0x1020];
	v60 =	vadd.f32 v61, v60;
	v61 =	vsel vm6, $0x3E4CCCCD, v16  }
0xca: {  	vm11 =	veq.s32 v8, $0x7;
	v45 =	vadd.f32 v55, v45;
	v3 =	vadd.f32 v32, v3;
	v32 =	vld [tilespmem:$0xCA0]  }
0xcb: {  	[tilespmem:$0x1FFE0] =	vst v4;
	vm12 =	veq.s32 v7, $0x3;
	v52 =	vadd.f32 v63, v62;
	v4 =	vadd.f32 v59, v29;
	v29 =	vld [tilespmem:$0xD20]  }
0xcc: {  	v55 =	vsel vm14, $0x3E4CCCCD, v16;
	v62 =	vsel vm5, $0x3E4CCCCD, v16;
	v2 =	vadd.f32 v57, v2;
	v59 =	vld [tilespmem:$0xF20]  }
0xcd: {  	v5 =	vadd.f32 v51, v5;
	v57 =	vsel vm13, $0x3E4CCCCD, v16;
	v51 =	vld [tilespmem:$0xFA0];
	v52 =	vadd.f32 v0, v52  }
0xce: {  	v6 =	vadd.f32 v15, v45;
	v45 =	vld [tilespmem:$0x10A0];
	v15 =	vadd.f32 v62, v60;
	v0 =	vsel vm8, $0x3E4CCCCD, v16  }
0xcf: {  	v62 =	vld [tilespmem:$0xB30];
	v48 =	vmul.f32 v48, v2;
	v49 =	vmul.f32 v49, v3;
	v57 =	vadd.f32 v57, v52  }
0xd0: {  	v52 =	vsel vm7, $0x3E4CCCCD, v16;
	v61 =	vadd.f32 v61, v15;
	v15 =	vmul.f32 v34, v3;
	v34 =	vld [tilespmem:$0xD30]  }
0xd1: {  	v63 =	vsel vm9, $0x3E4CCCCD, v16;
	vm14 =	veq.s32 v13, $0x0;
	v60 =	vadd.f32 v0, v52;
	v52 =	vld [tilespmem:$0xBB0]  }
0xd2: {  	v13 =	vsel vm15, $0x3F800000, v16;
	v46 =	vmul.f32 v46, v4;
	v48 =	vadd.f32 v49, v48;
	v49 =	vld [tilespmem:$0xBC0]  }
0xd3: {  	v8 =	vadd.f32 v55, v57;
	v55 =	vmul.f32 v10, v2;
	v60 =	vadd.f32 v44, v60;
	v44 =	vld [tilespmem:$0xCB0]  }
0xd4: {  	vm13 =	veq.s32 v36, $0x7;
	v33 =	vmul.f32 v33, v4;
	v46 =	vadd.f32 v46, v48;
	v48 =	vld [tilespmem:$0xCC0]  }
0xd5: {  	v42 =	vmul.f32 v42, v5;
	v0 =	vsel vm11, $0x3E4CCCCD, v16;
	v36 =	vadd.f32 v15, v55;
	v55 =	vld [tilespmem:$0xE30]  }
0xd6: {  	v7 =	vadd.f32 v63, v61;
	v61 =	vmul.f32 v9, v1;
	v63 =	vmul.f32 v11, v14;
	v15 =	vld [tilespmem:$0xEB0]  }
0xd7: {  	v10 =	vsel vm0, $0x3F800000, v16;
	v57 =	vsel vm13, $0x3E4CCCCD, v16;
	v0 =	vadd.f32 v0, v60;
	v60 =	vld [tilespmem:$0xDB0]  }
0xd8: {  	v17 =	vmul.f32 v17, v10;
	v61 =	vadd.f32 v63, v61;
	v42 =	vadd.f32 v42, v46;
	v46 =	vld [tilespmem:$0xDC0]  }
0xd9: {  	v11 =	vsel vm12, $0x3F800000, v16;
	v9 =	vadd.f32 v57, v0;
	v0 =	vadd.f32 v33, v36;
	v33 =	vld [tilespmem:$0xF30]  }
0xda: {  	v30 =	vmul.f32 v30, v5;
	v63 =	vadd.f32 v17, v61;
	v61 =	vmul.f32 v12, v11;
	v57 =	vld [tilespmem:$0xFB0]  }
0xdb: {  	v27 =	vmul.f32 v27, v6;
	v29 =	vmul.f32 v29, v13;
	v36 =	vld [tilespmem:$0x10B0]  }
0xdc: {  	v12 =	vsel vm14, $0x3F800000, v16;
	v17 =	vadd.f32 v61, v63;
	v63 =	vld [tilespmem:$0x1FFE0];
	v0 =	vadd.f32 v30, v0  }
0xdd: {  	v25 =	vmul.f32 v25, v8;
	v32 =	vmul.f32 v32, v12;
	v61 =	vld [tilespmem:$0xAC0]  }
0xde: {  	v34 =	vmul.f32 v34, v13;
	v44 =	vmul.f32 v44, v12;
	v30 =	vld [tilespmem:$0x1030];
	v0 =	vadd.f32 v27, v0  }
0xdf: {  	v19 =	vmul.f32 v19, v13;
	v38 =	vmul.f32 v38, v6;
	v29 =	vadd.f32 v29, v32;
	v32 =	vld [tilespmem:$0xED0]  }
0xe0: {  	v16 =	vmul.f32 v22, v7;
	v34 =	vadd.f32 v34, v44;
	v44 =	vld [tilespmem:$0xD60];
	v0 =	vadd.f32 v25, v0  }
0xe1: {  	v23 =	vmul.f32 v23, v10;
	v22 =	vmul.f32 v63, v12;
	v63 =	vld [tilespmem:$0x1FFF0]  }
0xe2: {  	v27 =	vld [tilespmem:$0x1130];
	v0 =	vadd.f32 v16, v0;
	v16 =	vmul.f32 v24, v1;
	v24 =	vmul.f32 v26, v14  }
0xe3: {  	v39 =	vmul.f32 v39, v10;
	v18 =	vmul.f32 v18, v9;
	v25 =	vld [tilespmem:$0xB40]  }
0xe4: {  	v35 =	vmul.f32 v35, v11;
	v47 =	vmul.f32 v47, v11;
	v26 =	vld [tilespmem:$0xC40];
	v16 =	vadd.f32 v24, v16  }
0xe5: {  	v24 =	vld [tilespmem:$0xD40];
	v0 =	vadd.f32 v18, v0;
	v18 =	vmul.f32 v56, v2;
	v56 =	vmul.f32 v59, v5  }
0xe6: {  	v59 =	vmul.f32 v51, v6;
	v51 =	vld [tilespmem:$0xB60];
	v63 =	vmul.f32 v63, v13  }
0xe7: {  	v37 =	vmul.f32 v37, v8;
	v16 =	vadd.f32 v23, v16;
	v23 =	vadd.f32 v38, v42;
	v38 =	vld [tilespmem:$0xEC0]  }
0xe8: {  	v31 =	vmul.f32 v31, v7;
	v22 =	vadd.f32 v63, v22;
	v63 =	vmul.f32 v20, v11;
	v20 =	vld [tilespmem:$0xE40]  }
0xe9: {  	v23 =	vadd.f32 v37, v23;
	v37 =	vmul.f32 v40, v1;
	v40 =	vmul.f32 v43, v14;
	v43 =	vld [tilespmem:$0xFC0]  }
0xea: {  	v45 =	vmul.f32 v45, v7;
	v16 =	vadd.f32 v63, v16;
	v63 =	vmul.f32 v54, v3;
	v54 =	vld [tilespmem:$0xF40]  }
0xeb: {  	v21 =	vmul.f32 v21, v12;
	v28 =	vmul.f32 v28, v9;
	v37 =	vadd.f32 v40, v37;
	v40 =	vld [tilespmem:$0x10C0]  }
0xec: {  	v15 =	vmul.f32 v15, v4;
	v42 =	vadd.f32 v63, v18;
	v63 =	vmul.f32 v58, v4;
	v58 =	vld [tilespmem:$0x1040]  }
0xed: {  	v41 =	vmul.f32 v41, v9;
	v23 =	vadd.f32 v31, v23;
	v31 =	vadd.f32 v39, v37;
	v37 =	vld [tilespmem:$0xAD0]  }
0xee: {  	v60 =	vmul.f32 v60, v2;
	v32 =	vmul.f32 v32, v4;
	v39 =	vld [tilespmem:$0xB50]  }
0xef: {  	v27 =	vmul.f32 v27, v9;
	v25 =	vmul.f32 v25, v14;
	v63 =	vadd.f32 v63, v42;
	v42 =	vld [tilespmem:$0x1140]  }
0xf0: {  	v26 =	vmul.f32 v26, v11;
	v24 =	vmul.f32 v24, v13;
	v31 =	vadd.f32 v35, v31;
	v35 =	vld [tilespmem:$0xC50]  }
0xf1: {  	v18 =	vadd.f32 v19, v21;
	v19 =	vadd.f32 v56, v63;
	v63 =	vmul.f32 v55, v3;
	v55 =	vld [tilespmem:$0xBD0]  }
0xf2: {  	v38 =	vmul.f32 v38, v4;
	v56 =	vmul.f32 v50, v8;
	v50 =	vld [tilespmem:$0xCD0]  }
0xf3: {  	v23 =	vadd.f32 v28, v23;
	v19 =	vadd.f32 v59, v19;
	v59 =	vmul.f32 v53, v1;
	v53 =	vld [tilespmem:$0xD50]  }
0xf4: {  	v28 =	vadd.f32 v63, v60;
	v60 =	vmul.f32 v62, v14;
	v62 =	vmul.f32 v33, v5;
	v33 =	vld [tilespmem:$0xDD0]  }
0xf5: {  	v20 =	vmul.f32 v20, v3;
	v63 =	vmul.f32 v52, v10;
	v52 =	vld [tilespmem:$0xE50]  }
0xf6: {  	v19 =	vadd.f32 v56, v19;
	v56 =	vmul.f32 v57, v6;
	v57 =	vmul.f32 v30, v8;
	v30 =	vld [tilespmem:$0xFD0]  }
0xf7: {  	v15 =	vadd.f32 v15, v28;
	v21 =	vadd.f32 v60, v59;
	v59 =	vmul.f32 v46, v2;
	v46 =	vld [tilespmem:$0x1050]  }
0xf8: {  	v37 =	vmul.f32 v37, v1;
	v60 =	vmul.f32 v36, v7;
	v36 =	vld [tilespmem:$0x10D0]  }
0xf9: {  	v42 =	vmul.f32 v42, v9;
	v15 =	vadd.f32 v62, v15;
	v19 =	vadd.f32 v45, v19;
	v45 =	vld [tilespmem:$0xF50]  }
0xfa: {  	v21 =	vadd.f32 v63, v21;
	v63 =	vmul.f32 v54, v5;
	v54 =	vmul.f32 v49, v10;
	v49 =	vld [tilespmem:$0xBE0]  }
0xfb: {  	v20 =	vadd.f32 v20, v59;
	v62 =	vmul.f32 v61, v1;
	v19 =	vadd.f32 v41, v19;
	v41 =	vld [tilespmem:$0x1150]  }
0xfc: {  	v35 =	vmul.f32 v35, v11;
	v15 =	vadd.f32 v56, v15;
	v21 =	vadd.f32 v47, v21;
	v47 =	vld [tilespmem:$0xAE0]  }
0xfd: {  	v20 =	vadd.f32 v38, v20;
	v25 =	vadd.f32 v25, v62;
	v56 =	vmul.f32 v43, v6;
	v43 =	vld [tilespmem:$0xC60]  }
0xfe: {  	v61 =	vmul.f32 v52, v3;
	v62 =	vmul.f32 v40, v7;
	v40 =	vld [tilespmem:$0xE60];
	v15 =	vadd.f32 v57, v15  }
0xff: {  	v20 =	vadd.f32 v63, v20;
	v25 =	vadd.f32 v54, v25;
	v57 =	vmul.f32 v48, v12;
	v48 =	vld [tilespmem:$0xDE0]  }
0x100: {  	v63 =	vmul.f32 v39, v14;
	v39 =	vld [tilespmem:$0xF60];
	v15 =	vadd.f32 v60, v15;
	v60 =	vmul.f32 v33, v2  }
0x101: {  	v59 =	vmul.f32 v58, v8;
	v54 =	vmul.f32 v30, v6;
	v30 =	vld [tilespmem:$0x10E0];
	v20 =	vadd.f32 v56, v20  }
0x102: {  	v52 =	vmul.f32 v55, v10;
	v25 =	vadd.f32 v26, v25;
	v33 =	vld [tilespmem:$0xEE0];
	v26 =	vadd.f32 v61, v60  }
0x103: {  	v45 =	vmul.f32 v45, v5;
	v37 =	vadd.f32 v63, v37;
	v15 =	vadd.f32 v27, v15;
	v27 =	vld [tilespmem:$0xCE0]  }
0x104: {  	v24 =	vadd.f32 v24, v57;
	v56 =	vmul.f32 v50, v12;
	v61 =	vld [tilespmem:$0xDF0];
	v26 =	vadd.f32 v32, v26  }
0x105: {  	v57 =	vmul.f32 v53, v13;
	v20 =	vadd.f32 v59, v20;
	v55 =	vadd.f32 v52, v37;
	v37 =	vld [tilespmem:$0xFF0]  }
0x106: {  	[tilespmem:$0x1180] =	vst v17;
	v53 =	vmul.f32 v51, v14;
	v59 =	vmul.f32 v46, v8;
	v32 =	vld [tilespmem:$0xFE0];
	v26 =	vadd.f32 v45, v26  }
0x107: {  	[tilespmem:$0x1280] =	vst v0;
	v20 =	vadd.f32 v62, v20;
	v0 =	vadd.f32 v35, v55;
	v62 =	vmul.f32 v48, v2;
	v48 =	vld [tilespmem:$0xE70]  }
0x108: {  	[tilespmem:$0x1220] =	vst v29;
	v52 =	vmul.f32 v47, v1;
	v55 =	vadd.f32 v57, v56;
	v56 =	vld [tilespmem:$0xEF0];
	v58 =	vadd.f32 v54, v26  }
0x109: {  	[tilespmem:$0x1230] =	vst v34;
	v63 =	vmul.f32 v40, v3;
	v60 =	vmul.f32 v36, v7;
	v20 =	vadd.f32 v42, v20;
	v42 =	vld [tilespmem:$0x1060]  }
0x10a: {  	[tilespmem:$0x1200] =	vst v22;
	v51 =	vmul.f32 v30, v7;
	v22 =	vadd.f32 v53, v52;
	v45 =	vld [tilespmem:$0x1160];
	v50 =	vadd.f32 v59, v58  }
0x10b: {  	[tilespmem:$0x1190] =	vst v16;
	v57 =	vmul.f32 v49, v10;
	v49 =	vmul.f32 v44, v13;
	v17 =	vadd.f32 v63, v62;
	v62 =	vld [tilespmem:$0xBF0]  }
0x10c: {  	[tilespmem:$0x1210] =	vst v18;
	v33 =	vmul.f32 v33, v4;
	v63 =	vmul.f32 v43, v11;
	v16 =	vadd.f32 v60, v50;
	v60 =	vld [tilespmem:$0xF70]  }
0x10d: {  	[tilespmem:$0x1290] =	vst v23;
	v22 =	vadd.f32 v57, v22;
	v43 =	vld [tilespmem:$0xCF0];
	v2 =	vmul.f32 v61, v2;
	v3 =	vmul.f32 v48, v3  }
0x10e: {  	[tilespmem:$0x11A0] =	vst v31;
	v61 =	vmul.f32 v41, v9;
	v47 =	vmul.f32 v27, v12;
	v54 =	vld [tilespmem:$0xAF0];
	v17 =	vadd.f32 v33, v17  }
0x10f: {  	[tilespmem:$0x12A0] =	vst v19;
	v38 =	vmul.f32 v56, v4;
	v58 =	vld [tilespmem:$0xB70];
	v59 =	vmul.f32 v39, v5;
	v2 =	vadd.f32 v3, v2  }
0x110: {  	[tilespmem:$0x11B0] =	vst v21;
	v41 =	vld [tilespmem:$0x1070];
	v19 =	vadd.f32 v63, v22;
	v36 =	vmul.f32 v32, v6;
	v40 =	vmul.f32 v42, v8  }
0x111: {  	[tilespmem:$0x11C0] =	vst v25;
	v17 =	vadd.f32 v59, v17;
	v50 =	vld [tilespmem:$0xD70];
	v2 =	vadd.f32 v38, v2;
	v42 =	vmul.f32 v60, v5  }
0x112: {  	[tilespmem:$0x1240] =	vst v24;
	v48 =	vld [tilespmem:$0x10F0];
	v6 =	vmul.f32 v37, v6;
	v53 =	vadd.f32 v49, v47;
	v10 =	vmul.f32 v62, v10  }
0x113: {  	[tilespmem:$0x12B0] =	vst v15;
	v39 =	vld [tilespmem:$0xC70];
	v56 =	vmul.f32 v45, v9;
	v17 =	vadd.f32 v36, v17;
	v2 =	vadd.f32 v42, v2  }
0x114: {  	v52 =	vld [tilespmem:$0x1170];
	[tilespmem:$0x11D0] =	vst v0;
	v1 =	vmul.f32 v54, v1;
	v16 =	vadd.f32 v61, v16;
	v14 =	vmul.f32 v58, v14  }
0x115: {  	[tilespmem:$0x1250] =	vst v55;
	v54 =	vmul.f32 v41, v8;
	v46 =	vadd.f32 v40, v17;
	v2 =	vadd.f32 v6, v2  }
0x116: {  	[tilespmem:$0x12C0] =	vst v20;
	v1 =	vadd.f32 v14, v1;
	v5 =	vmul.f32 v43, v12;
	v58 =	vmul.f32 v50, v13  }
0x117: {  	[tilespmem:$0x11E0] =	vst v19;
	v57 =	vmul.f32 v48, v7;
	v55 =	vadd.f32 v51, v46;
	v2 =	vadd.f32 v54, v2  }
0x118: {  	[tilespmem:$0x1260] =	vst v53;
	v4 =	vmul.f32 v39, v11;
	v1 =	vadd.f32 v10, v1;
	v62 =	vadd.f32 v58, v5  }
0x119: {  	v61 =	vmul.f32 v52, v9;
	[tilespmem:$0x12D0] =	vst v16;
	v6 =	vadd.f32 v56, v55;
	v60 =	vadd.f32 v57, v2  }
0x11a: {  	v59 =	vadd.f32 v4, v1;
	[tilespmem:$0x1270] =	vst v62  }
0x11b: {  	[tilespmem:$0x12E0] =	vst v6;
	v63 =	vadd.f32 v61, v60  }
0x11c: {  	[tilespmem:$0x11F0] =	vst v59  }
0x11d: {  	s30 =	simm.s32 $0x1180;
	s31 =	simm.s32 $0x4;
	[tilespmem:$0x12F0] =	vst v63  }
0x11e: {  	[hbm4b:s2+s3] =	stream.linear.scatter [tilespmem:s30], [sflag:$0x4], $0x180, $0x38;
	[tilespmem:$0x1380] =	vst v63  }
0x11f: {  	_ =	swait.ge [sflag:s31], $0x180  }
0x120: {  	[sflag:s31] =	ssyncset.done $0x0  }
0x121: {  	[sflag:s31] =	ssyncadd.s32 $0xFFFFFE80  }
.LBB2_4:
0x122: {  	_ =	sfence.sel $0x180000  }
0x123: {  	[bflag:$0x0] =	sbarrier.arrive $0xFFFF  }
0x124: {  	p0 =	sne.s32 s1, $0x0;
	_ =	strace $0x90000047  }
0x125: {  	s0 =	sadd.s32 @!p0 $0x100000, s0;
	[bflag:$0x2] =	sbarrier.arrive $0xFFFF  }
0x126: {  	[sflag:s0] =	ssyncadd.tile.s32 @!p0 $0x1;
	_ =	shalt  }
.Lfunc_end2:
_tile_overlayer_lowered:
.L_overlay_start_2:
0x127: {  	(tag) =	ssettag $0x2  }
0x128: {  	s0 =	rddreg [dreg:$0x0];
	s2 =	stileid.u32  }
0x129: {  	s1 =	rddreg [dreg:$0x1];
	p0 =	sne.s32 s2, $0x0  }
0x12a: {  	s3 =	rddreg [dreg:$0x2];
	[bflag:$0x3] =	sbarrier.arrive $0xFFFF;
	s2 =	simm.s32 @!p0 $0x1C05  }
0x12b: {  	[timem:s3], [sflag:s2] =	dma.local @!p0 [hbm:s0], s1  }
0x12c: {  	s0 =	simm.s32 @!p0 $0x5  }
0x12d: {  	_ =	swait.ge @!p0 [sflag:s0], s1  }
0x12e: {  	s1 =	ssub.s32 @!p0 $0x0, s1;
	[sflag:s0] =	ssyncset.done @!p0 $0x0  }
0x12f: {  	[sflag:s0] =	ssyncadd.s32 @!p0 s1  }
0x130: {  	[bflag:$0x3] =	sbarrier.arrive $0xFFFF  }
0x131: {  	_ =	shalt  }

</sc_bundles>
